<compile_context>
chip_gen: v7x
topology: tpu7x:2x2x1
jax: 0.10.2.dev20260603
libtpu: 0.0.44.dev20260713+nightly
codegen_flags: <defaults>
</compile_context>

<pallas_src>
import functools

import jax
import jax.numpy as jnp
from jax import lax
from jax.experimental import pallas as pl
from jax.experimental.pallas import tpu as pltpu
from jax.experimental.pallas import tpu_sc as plsc

VOCAB_ = 1000000
DIM_ = 64
HID_ = 16
PAD_ = 0
BATCH_ = 4096
SEQ_ = 200
LINE_ = 128


_BR = 16384
_NBLK = (VOCAB_ + _BR - 1) // _BR


def _mass_body(t_ref, w1t_ref, b1_ref, w2_ref, b2_ref, o_ref, o2_ref):
    t = t_ref[...]
    x = jnp.dot(w1t_ref[...], t, preferred_element_type=jnp.float32)
    x = x + b1_ref[...]
    e2 = jnp.exp(2.0 * x)
    h = 1.0 - 2.0 / (e2 + 1.0)
    raw = jnp.sum(h * w2_ref[...], axis=0) + b2_ref[0, 0]
    o_ref[...] = raw.reshape(1, 1, _BR)
    o2_ref[:, :DIM_] = t.T
    o2_ref[:, DIM_:] = jnp.zeros((_BR, LINE_ - DIM_), jnp.float32)


def _mass_tc(table_t, W1, b1, W2, b2):
    w1t = W1.T
    b1r = b1.reshape(HID_, 1)
    b2r = b2.reshape(1, 1)
    out, taug = pl.pallas_call(
        _mass_body,
        grid=(_NBLK,),
        in_specs=[
            pl.BlockSpec((DIM_, _BR), lambda i: (0, i)),
            pl.BlockSpec((HID_, DIM_), lambda i: (0, 0)),
            pl.BlockSpec((HID_, 1), lambda i: (0, 0)),
            pl.BlockSpec((HID_, 1), lambda i: (0, 0)),
            pl.BlockSpec((1, 1), lambda i: (0, 0)),
        ],
        out_specs=[
            pl.BlockSpec((1, 1, _BR), lambda i: (i, 0, 0)),
            pl.BlockSpec((_BR, LINE_), lambda i: (i, 0)),
        ],
        out_shape=[
            jax.ShapeDtypeStruct((_NBLK, 1, _BR), jnp.float32),
            jax.ShapeDtypeStruct((_NBLK * _BR, LINE_), jnp.float32),
        ],
    )(table_t, w1t, b1r, W2, b2r)
    return out.reshape(_NBLK * _BR), taug



_NW = 32
_RPT = BATCH_ // _NW
_SP = 208
_NL = 16
_NB = 2


def _pool_body(tok_hbm, mass_hbm, taug_hbm, out_hbm,
               tok_v, mb0, mb1, rows0, rows1, out_buf,
               sem_t, sem0, sem1):
    info = plsc.get_sparse_core_info()
    nc = info.num_cores
    wid = lax.axis_index("s") * nc + lax.axis_index("c")
    base_row = wid * _RPT
    rows = (rows0, rows1)
    mbs = (mb0, mb1)
    sems = (sem0, sem1)

    zf16 = jnp.zeros((_NL,), jnp.float32)

    for rbuf in rows:
        for s in range(SEQ_, _SP):
            for j in range(LINE_ // _NL):
                rbuf[s, pl.ds(j * _NL, _NL)] = zf16
    z16 = jnp.zeros((_NL,), jnp.int32)

    def zero_tok(r, _):
        tok_v[r, pl.ds(192, _NL)] = z16
        return _
    lax.fori_loop(0, _RPT, zero_tok, 0)

    pltpu.async_copy(tok_hbm.at[pl.ds(base_row, _RPT), :],
                     tok_v.at[:, pl.ds(0, SEQ_)], sem_t).wait()

    def fire_rows(r, slot, mb, sem):
        pltpu.async_copy(taug_hbm.at[tok_v.at[r, pl.ds(0, 112)]],
                         slot.at[pl.ds(0, 112)], sem)
        pltpu.async_copy(taug_hbm.at[tok_v.at[r, pl.ds(112, 88)]],
                         slot.at[pl.ds(112, 88)], sem)
        pltpu.async_copy(mass_hbm.at[tok_v.at[r, pl.ds(0, 112)]],
                         mb.at[pl.ds(0, 112)], sem)
        pltpu.async_copy(mass_hbm.at[tok_v.at[r, pl.ds(112, 88)]],
                         mb.at[pl.ds(112, 88)], sem)

    def wait_rows(r, slot, mb, sem):
        pltpu.make_async_copy(taug_hbm.at[tok_v.at[r, pl.ds(0, 112)]],
                              slot.at[pl.ds(0, 112)], sem).wait()
        pltpu.make_async_copy(taug_hbm.at[tok_v.at[r, pl.ds(112, 88)]],
                              slot.at[pl.ds(112, 88)], sem).wait()
        pltpu.make_async_copy(mass_hbm.at[tok_v.at[r, pl.ds(0, 112)]],
                              mb.at[pl.ds(0, 112)], sem).wait()
        pltpu.make_async_copy(mass_hbm.at[tok_v.at[r, pl.ds(112, 88)]],
                              mb.at[pl.ds(112, 88)], sem).wait()

    for b in range(_NB):
        fire_rows(b, rows[b], mbs[b], sems[b])

    def group_body(g, _):
        for b in range(_NB):
            r = g * _NB + b
            slot, mb, sem = rows[b], mbs[b], sems[b]
            wait_rows(r, slot, mb, sem)

            def acc_body(c, accs):
                a0, a1, a2, a3 = accs
                base = c * _NL
                tk = tok_v[r, pl.ds(base, _NL)]
                m = mb[pl.ds(base, _NL)]
                wv = jnp.where(tk == PAD_, zf16, jnp.exp(m))
                for k in range(_NL):
                    s = base + k
                    w = wv[k]
                    a0 = a0 + w * slot[s, pl.ds(0, _NL)]
                    a1 = a1 + w * slot[s, pl.ds(_NL, _NL)]
                    a2 = a2 + w * slot[s, pl.ds(2 * _NL, _NL)]
                    a3 = a3 + w * slot[s, pl.ds(3 * _NL, _NL)]
                return (a0, a1, a2, a3)

            a0, a1, a2, a3 = lax.fori_loop(0, 13, acc_body,
                                           (zf16, zf16, zf16, zf16))
            out_buf[r, pl.ds(0, _NL)] = a0
            out_buf[r, pl.ds(_NL, _NL)] = a1
            out_buf[r, pl.ds(2 * _NL, _NL)] = a2
            out_buf[r, pl.ds(3 * _NL, _NL)] = a3

            @pl.when(g < (_RPT // _NB) - 1)
            def _fire_next():
                fire_rows(r + _NB, slot, mb, sem)
        return _

    lax.fori_loop(0, _RPT // _NB, group_body, 0)
    pltpu.sync_copy(out_buf, out_hbm.at[pl.ds(base_row, _RPT)])


def _pool_sc(token_ids, mass, taug):
    mesh = plsc.VectorSubcoreMesh(core_axis_name="c", subcore_axis_name="s")
    f = functools.partial(
        pl.kernel,
        out_type=jax.ShapeDtypeStruct((BATCH_, DIM_), jnp.float32),
        mesh=mesh,
        scratch_types=[
            pltpu.VMEM((_RPT, _SP), jnp.int32),
            pltpu.VMEM((_SP,), jnp.float32),
            pltpu.VMEM((_SP,), jnp.float32),
            pltpu.VMEM((_SP, LINE_), jnp.float32),
            pltpu.VMEM((_SP, LINE_), jnp.float32),
            pltpu.VMEM((_RPT, DIM_), jnp.float32),
            pltpu.SemaphoreType.DMA,
            pltpu.SemaphoreType.DMA,
            pltpu.SemaphoreType.DMA,
        ],
        compiler_params=pltpu.CompilerParams(use_tc_tiling_on_sc=False),
    )(_pool_body)
    return f(token_ids, mass, taug)



def _norm_body(x_ref, o_ref):
    x = x_ref[...]
    n = jnp.sqrt(jnp.sum(x * x, axis=1, keepdims=True))
    o_ref[...] = x / jnp.maximum(n, 1e-12)


def _normalize_tc(sv):
    return pl.pallas_call(
        _norm_body,
        out_shape=jax.ShapeDtypeStruct((BATCH_, DIM_), jnp.float32),
    )(sv)



def kernel(token_ids, table, W1, b1, W2, b2):
    mass, taug = _mass_tc(table.T, W1, b1, W2, b2)
    sv = _pool_sc(token_ids, mass, taug)
    return _normalize_tc(sv)

# --- scband reference (transcript-rebuilt; emitter-appended) ---
"""Pipeline reference for scband-quantum-text-encoder-163208757542 (READ-ONLY COPY).

The authoritative reference and input builder live on the scoring server;
editing this copy changes nothing except your own understanding.
"""

import jax, jax.numpy as jnp
import numpy as np

VOCAB = 1000000
DIM = 64
PAD_IDX = 0
BATCH = 4096
SEQ = 200


def setup_inputs(seed: int = 0) -> dict:
    key = jax.random.key(seed)
    k1, k2, k3, k4 = jax.random.split(key, 4)
    token_ids = jax.random.randint(k1, (BATCH, SEQ), 0, VOCAB)
    table = jax.random.normal(k2, (VOCAB, DIM), dtype=jnp.float32) * 0.02
    table = table.at[PAD_IDX].set(0.0)
    W1 = jax.random.normal(k3, (DIM, DIM // 4), dtype=jnp.float32) * 0.05
    b1 = jnp.zeros((DIM // 4,), dtype=jnp.float32)
    W2 = jax.random.normal(k4, (DIM // 4, 1), dtype=jnp.float32) * 0.05
    b2 = jnp.zeros((1,), dtype=jnp.float32)
    return {"token_ids": token_ids, "table": table, "W1": W1, "b1": b1, "W2": W2, "b2": b2}


def reference(token_ids, table, W1, b1, W2, b2):
    # Embedding lookup (gather)
    emb = jnp.take(table, token_ids, axis=0)  # [B, S, D]
    # Gravity probe: Linear -> Tanh -> Linear
    h = jnp.tanh(jnp.matmul(emb, W1) + b1)    # [B, S, D//4]
    raw_mass = jnp.matmul(h, W2) + b2          # [B, S, 1]
    # Mask pad positions
    pad_mask = (token_ids == PAD_IDX)[..., None]
    raw_mass = jnp.where(pad_mask, -1e9, raw_mass)
    mass_distribution = jax.nn.softmax(raw_mass, axis=1)
    sentence_vector = jnp.sum(emb * mass_distribution, axis=1)  # [B, D]
    # F.normalize(p=2, dim=-1) with eps=1e-12
    norm = jnp.linalg.norm(sentence_vector, axis=-1, keepdims=True)
    sentence_vector = sentence_vector / jnp.clip(norm, 1e-12)
    return sentence_vector

if __name__ == "__main__":
    import jax
    _d = setup_inputs()
    print(jax.jit(kernel)(*tuple(_d.values())))

</pallas_src>

<mosaic_0001>
#map = affine_map<(d0, d1) -> (0, 0)>
#map1 = affine_map<(d0, d1) -> (0)>
module attributes {stable_mosaic.version = 14 : i64} {
  func.func @_pool_body(%arg0: i32, %arg1: i32, %arg2: memref<4096x200xi32, #tpu.memory_space<hbm>>, %arg3: memref<1015808xf32, #tpu.memory_space<hbm>>, %arg4: memref<1015808x128xf32, #tpu.memory_space<hbm>>, %arg5: memref<4096x64xf32, #tpu.memory_space<hbm>>, %arg6: memref<128x208xi32, #tpu.memory_space<vmem>>, %arg7: memref<208xf32, #tpu.memory_space<vmem>>, %arg8: memref<208xf32, #tpu.memory_space<vmem>>, %arg9: memref<208x128xf32, #tpu.memory_space<vmem>>, %arg10: memref<208x128xf32, #tpu.memory_space<vmem>>, %arg11: memref<128x64xf32, #tpu.memory_space<vmem>>, %arg12: memref<!tpu.dma_semaphore, #tpu.memory_space<semaphore_mem>>, %arg13: memref<!tpu.dma_semaphore, #tpu.memory_space<semaphore_mem>>, %arg14: memref<!tpu.dma_semaphore, #tpu.memory_space<semaphore_mem>>) attributes {dimension_semantics = [#tpu.dimension_semantics<core_parallel>, #tpu.dimension_semantics<subcore_parallel>], iteration_bounds = array<i64: 2, 16>, scalar_prefetch = 0 : i64, scratch_operands = 9 : i64, tpu.core_type = #tpu.core_type<sc_vector_subcore>, window_params = [{transform_indices = #map}, {transform_indices = #map1}, {transform_indices = #map}, {transform_indices = #map}]} {
    %mul3A = arith.constant 2 : i32
    %mul3A_0 = arith.muli %arg1, %mul3A : i32
    %add3A = arith.addi %mul3A_0, %arg0 : i32
    %mul3A_1 = arith.constant 128 : i32
    %mul3A_2 = arith.muli %add3A, %mul3A_1 : i32
    %broadcast_in_dim3A = arith.constant 0.000000e+00 : f32
    %broadcast_in_dim3A_3 = vector.broadcast %broadcast_in_dim3A : f32 to vector<16xf32>
    %swap3A = arith.constant 200 : i32
    %swap3A_4 = arith.index_cast %swap3A : i32 to index
    %swap3A_5 = arith.constant 0 : index
    %swap3A_6 = tpu.vector_load %arg9[%swap3A_4, %swap3A_5] {strides = array<i32>} : memref<208x128xf32, #tpu.memory_space<vmem>>, vector<1x16xf32>,
    %swap3A_7 = vector.shape_cast %swap3A_6 : vector<1x16xf32> to vector<16xf32>
    %swap3A_8 = vector.shape_cast %broadcast_in_dim3A_3 : vector<16xf32> to vector<1x16xf32>
    tpu.vector_store %arg9[%swap3A_4, %swap3A_5], %swap3A_8 {strides = array<i32>} : memref<208x128xf32, #tpu.memory_space<vmem>>, vector<1x16xf32>,
    %swap3A_9 = arith.constant 200 : i32
    %swap3A_10 = arith.index_cast %swap3A_9 : i32 to index
    %swap3A_11 = arith.constant 16 : index
    %swap3A_12 = tpu.vector_load %arg9[%swap3A_10, %swap3A_11] {strides = array<i32>} : memref<208x128xf32, #tpu.memory_space<vmem>>, vector<1x16xf32>,
    %swap3A_13 = vector.shape_cast %swap3A_12 : vector<1x16xf32> to vector<16xf32>
    %swap3A_14 = vector.shape_cast %broadcast_in_dim3A_3 : vector<16xf32> to vector<1x16xf32>
    tpu.vector_store %arg9[%swap3A_10, %swap3A_11], %swap3A_14 {strides = array<i32>} : memref<208x128xf32, #tpu.memory_space<vmem>>, vector<1x16xf32>,
    %swap3A_15 = arith.constant 200 : i32
    %swap3A_16 = arith.index_cast %swap3A_15 : i32 to index
    %swap3A_17 = arith.constant 32 : index
    %swap3A_18 = tpu.vector_load %arg9[%swap3A_16, %swap3A_17] {strides = array<i32>} : memref<208x128xf32, #tpu.memory_space<vmem>>, vector<1x16xf32>,
    %swap3A_19 = vector.shape_cast %swap3A_18 : vector<1x16xf32> to vector<16xf32>
    %swap3A_20 = vector.shape_cast %broadcast_in_dim3A_3 : vector<16xf32> to vector<1x16xf32>
    tpu.vector_store %arg9[%swap3A_16, %swap3A_17], %swap3A_20 {strides = array<i32>} : memref<208x128xf32, #tpu.memory_space<vmem>>, vector<1x16xf32>,
    %swap3A_21 = arith.constant 200 : i32
    %swap3A_22 = arith.index_cast %swap3A_21 : i32 to index
    %swap3A_23 = arith.constant 48 : index
    %swap3A_24 = tpu.vector_load %arg9[%swap3A_22, %swap3A_23] {strides = array<i32>} : memref<208x128xf32, #tpu.memory_space<vmem>>, vector<1x16xf32>,
    %swap3A_25 = vector.shape_cast %swap3A_24 : vector<1x16xf32> to vector<16xf32>
    %swap3A_26 = vector.shape_cast %broadcast_in_dim3A_3 : vector<16xf32> to vector<1x16xf32>
    tpu.vector_store %arg9[%swap3A_22, %swap3A_23], %swap3A_26 {strides = array<i32>} : memref<208x128xf32, #tpu.memory_space<vmem>>, vector<1x16xf32>,
    %swap3A_27 = arith.constant 200 : i32
    %swap3A_28 = arith.index_cast %swap3A_27 : i32 to index
    %swap3A_29 = arith.constant 64 : index
    %swap3A_30 = tpu.vector_load %arg9[%swap3A_28, %swap3A_29] {strides = array<i32>} : memref<208x128xf32, #tpu.memory_space<vmem>>, vector<1x16xf32>,
    %swap3A_31 = vector.shape_cast %swap3A_30 : vector<1x16xf32> to vector<16xf32>
    %swap3A_32 = vector.shape_cast %broadcast_in_dim3A_3 : vector<16xf32> to vector<1x16xf32>
    tpu.vector_store %arg9[%swap3A_28, %swap3A_29], %swap3A_32 {strides = array<i32>} : memref<208x128xf32, #tpu.memory_space<vmem>>, vector<1x16xf32>,
    %swap3A_33 = arith.constant 200 : i32
    %swap3A_34 = arith.index_cast %swap3A_33 : i32 to index
    %swap3A_35 = arith.constant 80 : index
    %swap3A_36 = tpu.vector_load %arg9[%swap3A_34, %swap3A_35] {strides = array<i32>} : memref<208x128xf32, #tpu.memory_space<vmem>>, vector<1x16xf32>,
    %swap3A_37 = vector.shape_cast %swap3A_36 : vector<1x16xf32> to vector<16xf32>
    %swap3A_38 = vector.shape_cast %broadcast_in_dim3A_3 : vector<16xf32> to vector<1x16xf32>
    tpu.vector_store %arg9[%swap3A_34, %swap3A_35], %swap3A_38 {strides = array<i32>} : memref<208x128xf32, #tpu.memory_space<vmem>>, vector<1x16xf32>,
    %swap3A_39 = arith.constant 200 : i32
    %swap3A_40 = arith.index_cast %swap3A_39 : i32 to index
    %swap3A_41 = arith.constant 96 : index
    %swap3A_42 = tpu.vector_load %arg9[%swap3A_40, %swap3A_41] {strides = array<i32>} : memref<208x128xf32, #tpu.memory_space<vmem>>, vector<1x16xf32>,
    %swap3A_43 = vector.shape_cast %swap3A_42 : vector<1x16xf32> to vector<16xf32>
    %swap3A_44 = vector.shape_cast %broadcast_in_dim3A_3 : vector<16xf32> to vector<1x16xf32>
    tpu.vector_store %arg9[%swap3A_40, %swap3A_41], %swap3A_44 {strides = array<i32>} : memref<208x128xf32, #tpu.memory_space<vmem>>, vector<1x16xf32>,
    %swap3A_45 = arith.constant 200 : i32
    %swap3A_46 = arith.index_cast %swap3A_45 : i32 to index
    %swap3A_47 = arith.constant 112 : index
    %swap3A_48 = tpu.vector_load %arg9[%swap3A_46, %swap3A_47] {strides = array<i32>} : memref<208x128xf32, #tpu.memory_space<vmem>>, vector<1x16xf32>,
    %swap3A_49 = vector.shape_cast %swap3A_48 : vector<1x16xf32> to vector<16xf32>
    %swap3A_50 = vector.shape_cast %broadcast_in_dim3A_3 : vector<16xf32> to vector<1x16xf32>
    tpu.vector_store %arg9[%swap3A_46, %swap3A_47], %swap3A_50 {strides = array<i32>} : memref<208x128xf32, #tpu.memory_space<vmem>>, vector<1x16xf32>,
    %swap3A_51 = arith.constant 201 : i32
    %swap3A_52 = arith.index_cast %swap3A_51 : i32 to index
    %swap3A_53 = arith.constant 0 : index
    %swap3A_54 = tpu.vector_load %arg9[%swap3A_52, %swap3A_53] {strides = array<i32>} : memref<208x128xf32, #tpu.memory_space<vmem>>, vector<1x16xf32>,
    %swap3A_55 = vector.shape_cast %swap3A_54 : vector<1x16xf32> to vector<16xf32>
    %swap3A_56 = vector.shape_cast %broadcast_in_dim3A_3 : vector<16xf32> to vector<1x16xf32>
    tpu.vector_store %arg9[%swap3A_52, %swap3A_53], %swap3A_56 {strides = array<i32>} : memref<208x128xf32, #tpu.memory_space<vmem>>, vector<1x16xf32>,
    %swap3A_57 = arith.constant 201 : i32
    %swap3A_58 = arith.index_cast %swap3A_57 : i32 to index
    %swap3A_59 = arith.constant 16 : index
    %swap3A_60 = tpu.vector_load %arg9[%swap3A_58, %swap3A_59] {strides = array<i32>} : memref<208x128xf32, #tpu.memory_space<vmem>>, vector<1x16xf32>,
    %swap3A_61 = vector.shape_cast %swap3A_60 : vector<1x16xf32> to vector<16xf32>
    %swap3A_62 = vector.shape_cast %broadcast_in_dim3A_3 : vector<16xf32> to vector<1x16xf32>
    tpu.vector_store %arg9[%swap3A_58, %swap3A_59], %swap3A_62 {strides = array<i32>} : memref<208x128xf32, #tpu.memory_space<vmem>>, vector<1x16xf32>,
    %swap3A_63 = arith.constant 201 : i32
    %swap3A_64 = arith.index_cast %swap3A_63 : i32 to index
    %swap3A_65 = arith.constant 32 : index
    %swap3A_66 = tpu.vector_load %arg9[%swap3A_64, %swap3A_65] {strides = array<i32>} : memref<208x128xf32, #tpu.memory_space<vmem>>, vector<1x16xf32>,
    %swap3A_67 = vector.shape_cast %swap3A_66 : vector<1x16xf32> to vector<16xf32>
    %swap3A_68 = vector.shape_cast %broadcast_in_dim3A_3 : vector<16xf32> to vector<1x16xf32>
    tpu.vector_store %arg9[%swap3A_64, %swap3A_65], %swap3A_68 {strides = array<i32>} : memref<208x128xf32, #tpu.memory_space<vmem>>, vector<1x16xf32>,
    %swap3A_69 = arith.constant 201 : i32
    %swap3A_70 = arith.index_cast %swap3A_69 : i32 to index
    %swap3A_71 = arith.constant 48 : index
    %swap3A_72 = tpu.vector_load %arg9[%swap3A_70, %swap3A_71] {strides = array<i32>} : memref<208x128xf32, #tpu.memory_space<vmem>>, vector<1x16xf32>,
    %swap3A_73 = vector.shape_cast %swap3A_72 : vector<1x16xf32> to vector<16xf32>
    %swap3A_74 = vector.shape_cast %broadcast_in_dim3A_3 : vector<16xf32> to vector<1x16xf32>
    tpu.vector_store %arg9[%swap3A_70, %swap3A_71], %swap3A_74 {strides = array<i32>} : memref<208x128xf32, #tpu.memory_space<vmem>>, vector<1x16xf32>,
    %swap3A_75 = arith.constant 201 : i32
    %swap3A_76 = arith.index_cast %swap3A_75 : i32 to index
    %swap3A_77 = arith.constant 64 : index
    %swap3A_78 = tpu.vector_load %arg9[%swap3A_76, %swap3A_77] {strides = array<i32>} : memref<208x128xf32, #tpu.memory_space<vmem>>, vector<1x16xf32>,
    %swap3A_79 = vector.shape_cast %swap3A_78 : vector<1x16xf32> to vector<16xf32>
    %swap3A_80 = vector.shape_cast %broadcast_in_dim3A_3 : vector<16xf32> to vector<1x16xf32>
    tpu.vector_store %arg9[%swap3A_76, %swap3A_77], %swap3A_80 {strides = array<i32>} : memref<208x128xf32, #tpu.memory_space<vmem>>, vector<1x16xf32>,
    %swap3A_81 = arith.constant 201 : i32
    %swap3A_82 = arith.index_cast %swap3A_81 : i32 to index
    %swap3A_83 = arith.constant 80 : index
    %swap3A_84 = tpu.vector_load %arg9[%swap3A_82, %swap3A_83] {strides = array<i32>} : memref<208x128xf32, #tpu.memory_space<vmem>>, vector<1x16xf32>,
    %swap3A_85 = vector.shape_cast %swap3A_84 : vector<1x16xf32> to vector<16xf32>
    %swap3A_86 = vector.shape_cast %broadcast_in_dim3A_3 : vector<16xf32> to vector<1x16xf32>
    tpu.vector_store %arg9[%swap3A_82, %swap3A_83], %swap3A_86 {strides = array<i32>} : memref<208x128xf32, #tpu.memory_space<vmem>>, vector<1x16xf32>,
    %swap3A_87 = arith.constant 201 : i32
    %swap3A_88 = arith.index_cast %swap3A_87 : i32 to index
    %swap3A_89 = arith.constant 96 : index
    %swap3A_90 = tpu.vector_load %arg9[%swap3A_88, %swap3A_89] {strides = array<i32>} : memref<208x128xf32, #tpu.memory_space<vmem>>, vector<1x16xf32>,
    %swap3A_91 = vector.shape_cast %swap3A_90 : vector<1x16xf32> to vector<16xf32>
    %swap3A_92 = vector.shape_cast %broadcast_in_dim3A_3 : vector<16xf32> to vector<1x16xf32>
    tpu.vector_store %arg9[%swap3A_88, %swap3A_89], %swap3A_92 {strides = array<i32>} : memref<208x128xf32, #tpu.memory_space<vmem>>, vector<1x16xf32>,
    %swap3A_93 = arith.constant 201 : i32
    %swap3A_94 = arith.index_cast %swap3A_93 : i32 to index
    %swap3A_95 = arith.constant 112 : index
    %swap3A_96 = tpu.vector_load %arg9[%swap3A_94, %swap3A_95] {strides = array<i32>} : memref<208x128xf32, #tpu.memory_space<vmem>>, vector<1x16xf32>,
    %swap3A_97 = vector.shape_cast %swap3A_96 : vector<1x16xf32> to vector<16xf32>
    %swap3A_98 = vector.shape_cast %broadcast_in_dim3A_3 : vector<16xf32> to vector<1x16xf32>
    tpu.vector_store %arg9[%swap3A_94, %swap3A_95], %swap3A_98 {strides = array<i32>} : memref<208x128xf32, #tpu.memory_space<vmem>>, vector<1x16xf32>,
    %swap3A_99 = arith.constant 202 : i32
    %swap3A_100 = arith.index_cast %swap3A_99 : i32 to index
    %swap3A_101 = arith.constant 0 : index
    %swap3A_102 = tpu.vector_load %arg9[%swap3A_100, %swap3A_101] {strides = array<i32>} : memref<208x128xf32, #tpu.memory_space<vmem>>, vector<1x16xf32>,
    %swap3A_103 = vector.shape_cast %swap3A_102 : vector<1x16xf32> to vector<16xf32>
    %swap3A_104 = vector.shape_cast %broadcast_in_dim3A_3 : vector<16xf32> to vector<1x16xf32>
    tpu.vector_store %arg9[%swap3A_100, %swap3A_101], %swap3A_104 {strides = array<i32>} : memref<208x128xf32, #tpu.memory_space<vmem>>, vector<1x16xf32>,
    %swap3A_105 = arith.constant 202 : i32
    %swap3A_106 = arith.index_cast %swap3A_105 : i32 to index
    %swap3A_107 = arith.constant 16 : index
    %swap3A_108 = tpu.vector_load %arg9[%swap3A_106, %swap3A_107] {strides = array<i32>} : memref<208x128xf32, #tpu.memory_space<vmem>>, vector<1x16xf32>,
    %swap3A_109 = vector.shape_cast %swap3A_108 : vector<1x16xf32> to vector<16xf32>
    %swap3A_110 = vector.shape_cast %broadcast_in_dim3A_3 : vector<16xf32> to vector<1x16xf32>
    tpu.vector_store %arg9[%swap3A_106, %swap3A_107], %swap3A_110 {strides = array<i32>} : memref<208x128xf32, #tpu.memory_space<vmem>>, vector<1x16xf32>,
    %swap3A_111 = arith.constant 202 : i32
    %swap3A_112 = arith.index_cast %swap3A_111 : i32 to index
    %swap3A_113 = arith.constant 32 : index
    %swap3A_114 = tpu.vector_load %arg9[%swap3A_112, %swap3A_113] {strides = array<i32>} : memref<208x128xf32, #tpu.memory_space<vmem>>, vector<1x16xf32>,
    %swap3A_115 = vector.shape_cast %swap3A_114 : vector<1x16xf32> to vector<16xf32>
    %swap3A_116 = vector.shape_cast %broadcast_in_dim3A_3 : vector<16xf32> to vector<1x16xf32>
    tpu.vector_store %arg9[%swap3A_112, %swap3A_113], %swap3A_116 {strides = array<i32>} : memref<208x128xf32, #tpu.memory_space<vmem>>, vector<1x16xf32>,
    %swap3A_117 = arith.constant 202 : i32
    %swap3A_118 = arith.index_cast %swap3A_117 : i32 to index
    %swap3A_119 = arith.constant 48 : index
    %swap3A_120 = tpu.vector_load %arg9[%swap3A_118, %swap3A_119] {strides = array<i32>} : memref<208x128xf32, #tpu.memory_space<vmem>>, vector<1x16xf32>,
    %swap3A_121 = vector.shape_cast %swap3A_120 : vector<1x16xf32> to vector<16xf32>
    %swap3A_122 = vector.shape_cast %broadcast_in_dim3A_3 : vector<16xf32> to vector<1x16xf32>
    tpu.vector_store %arg9[%swap3A_118, %swap3A_119], %swap3A_122 {strides = array<i32>} : memref<208x128xf32, #tpu.memory_space<vmem>>, vector<1x16xf32>,
    %swap3A_123 = arith.constant 202 : i32
    %swap3A_124 = arith.index_cast %swap3A_123 : i32 to index
    %swap3A_125 = arith.constant 64 : index
    %swap3A_126 = tpu.vector_load %arg9[%swap3A_124, %swap3A_125] {strides = array<i32>} : memref<208x128xf32, #tpu.memory_space<vmem>>, vector<1x16xf32>,
    %swap3A_127 = vector.shape_cast %swap3A_126 : vector<1x16xf32> to vector<16xf32>
    %swap3A_128 = vector.shape_cast %broadcast_in_dim3A_3 : vector<16xf32> to vector<1x16xf32>
    tpu.vector_store %arg9[%swap3A_124, %swap3A_125], %swap3A_128 {strides = array<i32>} : memref<208x128xf32, #tpu.memory_space<vmem>>, vector<1x16xf32>,
    %swap3A_129 = arith.constant 202 : i32
    %swap3A_130 = arith.index_cast %swap3A_129 : i32 to index
    %swap3A_131 = arith.constant 80 : index
    %swap3A_132 = tpu.vector_load %arg9[%swap3A_130, %swap3A_131] {strides = array<i32>} : memref<208x128xf32, #tpu.memory_space<vmem>>, vector<1x16xf32>,
    %swap3A_133 = vector.shape_cast %swap3A_132 : vector<1x16xf32> to vector<16xf32>
    %swap3A_134 = vector.shape_cast %broadcast_in_dim3A_3 : vector<16xf32> to vector<1x16xf32>
    tpu.vector_store %arg9[%swap3A_130, %swap3A_131], %swap3A_134 {strides = array<i32>} : memref<208x128xf32, #tpu.memory_space<vmem>>, vector<1x16xf32>,
    %swap3A_135 = arith.constant 202 : i32
    %swap3A_136 = arith.index_cast %swap3A_135 : i32 to index
    %swap3A_137 = arith.constant 96 : index
    %swap3A_138 = tpu.vector_load %arg9[%swap3A_136, %swap3A_137] {strides = array<i32>} : memref<208x128xf32, #tpu.memory_space<vmem>>, vector<1x16xf32>,
    %swap3A_139 = vector.shape_cast %swap3A_138 : vector<1x16xf32> to vector<16xf32>
    %swap3A_140 = vector.shape_cast %broadcast_in_dim3A_3 : vector<16xf32> to vector<1x16xf32>
    tpu.vector_store %arg9[%swap3A_136, %swap3A_137], %swap3A_140 {strides = array<i32>} : memref<208x128xf32, #tpu.memory_space<vmem>>, vector<1x16xf32>,
    %swap3A_141 = arith.constant 202 : i32
    %swap3A_142 = arith.index_cast %swap3A_141 : i32 to index
    %swap3A_143 = arith.constant 112 : index
    %swap3A_144 = tpu.vector_load %arg9[%swap3A_142, %swap3A_143] {strides = array<i32>} : memref<208x128xf32, #tpu.memory_space<vmem>>, vector<1x16xf32>,
    %swap3A_145 = vector.shape_cast %swap3A_144 : vector<1x16xf32> to vector<16xf32>
    %swap3A_146 = vector.shape_cast %broadcast_in_dim3A_3 : vector<16xf32> to vector<1x16xf32>
    tpu.vector_store %arg9[%swap3A_142, %swap3A_143], %swap3A_146 {strides = array<i32>} : memref<208x128xf32, #tpu.memory_space<vmem>>, vector<1x16xf32>,
    %swap3A_147 = arith.constant 203 : i32
    %swap3A_148 = arith.index_cast %swap3A_147 : i32 to index
    %swap3A_149 = arith.constant 0 : index
    %swap3A_150 = tpu.vector_load %arg9[%swap3A_148, %swap3A_149] {strides = array<i32>} : memref<208x128xf32, #tpu.memory_space<vmem>>, vector<1x16xf32>,
    %swap3A_151 = vector.shape_cast %swap3A_150 : vector<1x16xf32> to vector<16xf32>
    %swap3A_152 = vector.shape_cast %broadcast_in_dim3A_3 : vector<16xf32> to vector<1x16xf32>
    tpu.vector_store %arg9[%swap3A_148, %swap3A_149], %swap3A_152 {strides = array<i32>} : memref<208x128xf32, #tpu.memory_space<vmem>>, vector<1x16xf32>,
    %swap3A_153 = arith.constant 203 : i32
    %swap3A_154 = arith.index_cast %swap3A_153 : i32 to index
    %swap3A_155 = arith.constant 16 : index
    %swap3A_156 = tpu.vector_load %arg9[%swap3A_154, %swap3A_155] {strides = array<i32>} : memref<208x128xf32, #tpu.memory_space<vmem>>, vector<1x16xf32>,
    %swap3A_157 = vector.shape_cast %swap3A_156 : vector<1x16xf32> to vector<16xf32>
    %swap3A_158 = vector.shape_cast %broadcast_in_dim3A_3 : vector<16xf32> to vector<1x16xf32>
    tpu.vector_store %arg9[%swap3A_154, %swap3A_155], %swap3A_158 {strides = array<i32>} : memref<208x128xf32, #tpu.memory_space<vmem>>, vector<1x16xf32>,
    %swap3A_159 = arith.constant 203 : i32
    %swap3A_160 = arith.index_cast %swap3A_159 : i32 to index
    %swap3A_161 = arith.constant 32 : index
    %swap3A_162 = tpu.vector_load %arg9[%swap3A_160, %swap3A_161] {strides = array<i32>} : memref<208x128xf32, #tpu.memory_space<vmem>>, vector<1x16xf32>,
    %swap3A_163 = vector.shape_cast %swap3A_162 : vector<1x16xf32> to vector<16xf32>
    %swap3A_164 = vector.shape_cast %broadcast_in_dim3A_3 : vector<16xf32> to vector<1x16xf32>
    tpu.vector_store %arg9[%swap3A_160, %swap3A_161], %swap3A_164 {strides = array<i32>} : memref<208x128xf32, #tpu.memory_space<vmem>>, vector<1x16xf32>,
    %swap3A_165 = arith.constant 203 : i32
    %swap3A_166 = arith.index_cast %swap3A_165 : i32 to index
    %swap3A_167 = arith.constant 48 : index
    %swap3A_168 = tpu.vector_load %arg9[%swap3A_166, %swap3A_167] {strides = array<i32>} : memref<208x128xf32, #tpu.memory_space<vmem>>, vector<1x16xf32>,
    %swap3A_169 = vector.shape_cast %swap3A_168 : vector<1x16xf32> to vector<16xf32>
    %swap3A_170 = vector.shape_cast %broadcast_in_dim3A_3 : vector<16xf32> to vector<1x16xf32>
    tpu.vector_store %arg9[%swap3A_166, %swap3A_167], %swap3A_170 {strides = array<i32>} : memref<208x128xf32, #tpu.memory_space<vmem>>, vector<1x16xf32>,
    %swap3A_171 = arith.constant 203 : i32
    %swap3A_172 = arith.index_cast %swap3A_171 : i32 to index
    %swap3A_173 = arith.constant 64 : index
    %swap3A_174 = tpu.vector_load %arg9[%swap3A_172, %swap3A_173] {strides = array<i32>} : memref<208x128xf32, #tpu.memory_space<vmem>>, vector<1x16xf32>,
    %swap3A_175 = vector.shape_cast %swap3A_174 : vector<1x16xf32> to vector<16xf32>
    %swap3A_176 = vector.shape_cast %broadcast_in_dim3A_3 : vector<16xf32> to vector<1x16xf32>
    tpu.vector_store %arg9[%swap3A_172, %swap3A_173], %swap3A_176 {strides = array<i32>} : memref<208x128xf32, #tpu.memory_space<vmem>>, vector<1x16xf32>,
    %swap3A_177 = arith.constant 203 : i32
    %swap3A_178 = arith.index_cast %swap3A_177 : i32 to index
    %swap3A_179 = arith.constant 80 : index
    %swap3A_180 = tpu.vector_load %arg9[%swap3A_178, %swap3A_179] {strides = array<i32>} : memref<208x128xf32, #tpu.memory_space<vmem>>, vector<1x16xf32>,
    %swap3A_181 = vector.shape_cast %swap3A_180 : vector<1x16xf32> to vector<16xf32>
    %swap3A_182 = vector.shape_cast %broadcast_in_dim3A_3 : vector<16xf32> to vector<1x16xf32>
    tpu.vector_store %arg9[%swap3A_178, %swap3A_179], %swap3A_182 {strides = array<i32>} : memref<208x128xf32, #tpu.memory_space<vmem>>, vector<1x16xf32>,
    %swap3A_183 = arith.constant 203 : i32
    %swap3A_184 = arith.index_cast %swap3A_183 : i32 to index
    %swap3A_185 = arith.constant 96 : index
    %swap3A_186 = tpu.vector_load %arg9[%swap3A_184, %swap3A_185] {strides = array<i32>} : memref<208x128xf32, #tpu.memory_space<vmem>>, vector<1x16xf32>,
    %swap3A_187 = vector.shape_cast %swap3A_186 : vector<1x16xf32> to vector<16xf32>
    %swap3A_188 = vector.shape_cast %broadcast_in_dim3A_3 : vector<16xf32> to vector<1x16xf32>
    tpu.vector_store %arg9[%swap3A_184, %swap3A_185], %swap3A_188 {strides = array<i32>} : memref<208x128xf32, #tpu.memory_space<vmem>>, vector<1x16xf32>,
    %swap3A_189 = arith.constant 203 : i32
    %swap3A_190 = arith.index_cast %swap3A_189 : i32 to index
    %swap3A_191 = arith.constant 112 : index
    %swap3A_192 = tpu.vector_load %arg9[%swap3A_190, %swap3A_191] {strides = array<i32>} : memref<208x128xf32, #tpu.memory_space<vmem>>, vector<1x16xf32>,
    %swap3A_193 = vector.shape_cast %swap3A_192 : vector<1x16xf32> to vector<16xf32>
    %swap3A_194 = vector.shape_cast %broadcast_in_dim3A_3 : vector<16xf32> to vector<1x16xf32>
    tpu.vector_store %arg9[%swap3A_190, %swap3A_191], %swap3A_194 {strides = array<i32>} : memref<208x128xf32, #tpu.memory_space<vmem>>, vector<1x16xf32>,
    %swap3A_195 = arith.constant 204 : i32
    %swap3A_196 = arith.index_cast %swap3A_195 : i32 to index
    %swap3A_197 = arith.constant 0 : index
    %swap3A_198 = tpu.vector_load %arg9[%swap3A_196, %swap3A_197] {strides = array<i32>} : memref<208x128xf32, #tpu.memory_space<vmem>>, vector<1x16xf32>,
    %swap3A_199 = vector.shape_cast %swap3A_198 : vector<1x16xf32> to vector<16xf32>
    %swap3A_200 = vector.shape_cast %broadcast_in_dim3A_3 : vector<16xf32> to vector<1x16xf32>
    tpu.vector_store %arg9[%swap3A_196, %swap3A_197], %swap3A_200 {strides = array<i32>} : memref<208x128xf32, #tpu.memory_space<vmem>>, vector<1x16xf32>,
    %swap3A_201 = arith.constant 204 : i32
    %swap3A_202 = arith.index_cast %swap3A_201 : i32 to index
    %swap3A_203 = arith.constant 16 : index
    %swap3A_204 = tpu.vector_load %arg9[%swap3A_202, %swap3A_203] {strides = array<i32>} : memref<208x128xf32, #tpu.memory_space<vmem>>, vector<1x16xf32>,
    %swap3A_205 = vector.shape_cast %swap3A_204 : vector<1x16xf32> to vector<16xf32>
    %swap3A_206 = vector.shape_cast %broadcast_in_dim3A_3 : vector<16xf32> to vector<1x16xf32>
    tpu.vector_store %arg9[%swap3A_202, %swap3A_203], %swap3A_206 {strides = array<i32>} : memref<208x128xf32, #tpu.memory_space<vmem>>, vector<1x16xf32>,
    %swap3A_207 = arith.constant 204 : i32
    %swap3A_208 = arith.index_cast %swap3A_207 : i32 to index
    %swap3A_209 = arith.constant 32 : index
    %swap3A_210 = tpu.vector_load %arg9[%swap3A_208, %swap3A_209] {strides = array<i32>} : memref<208x128xf32, #tpu.memory_space<vmem>>, vector<1x16xf32>,
    %swap3A_211 = vector.shape_cast %swap3A_210 : vector<1x16xf32> to vector<16xf32>
    %swap3A_212 = vector.shape_cast %broadcast_in_dim3A_3 : vector<16xf32> to vector<1x16xf32>
    tpu.vector_store %arg9[%swap3A_208, %swap3A_209], %swap3A_212 {strides = array<i32>} : memref<208x128xf32, #tpu.memory_space<vmem>>, vector<1x16xf32>,
    %swap3A_213 = arith.constant 204 : i32
    %swap3A_214 = arith.index_cast %swap3A_213 : i32 to index
    %swap3A_215 = arith.constant 48 : index
    %swap3A_216 = tpu.vector_load %arg9[%swap3A_214, %swap3A_215] {strides = array<i32>} : memref<208x128xf32, #tpu.memory_space<vmem>>, vector<1x16xf32>,
    %swap3A_217 = vector.shape_cast %swap3A_216 : vector<1x16xf32> to vector<16xf32>
    %swap3A_218 = vector.shape_cast %broadcast_in_dim3A_3 : vector<16xf32> to vector<1x16xf32>
    tpu.vector_store %arg9[%swap3A_214, %swap3A_215], %swap3A_218 {strides = array<i32>} : memref<208x128xf32, #tpu.memory_space<vmem>>, vector<1x16xf32>,
    %swap3A_219 = arith.constant 204 : i32
    %swap3A_220 = arith.index_cast %swap3A_219 : i32 to index
    %swap3A_221 = arith.constant 64 : index
    %swap3A_222 = tpu.vector_load %arg9[%swap3A_220, %swap3A_221] {strides = array<i32>} : memref<208x128xf32, #tpu.memory_space<vmem>>, vector<1x16xf32>,
    %swap3A_223 = vector.shape_cast %swap3A_222 : vector<1x16xf32> to vector<16xf32>
    %swap3A_224 = vector.shape_cast %broadcast_in_dim3A_3 : vector<16xf32> to vector<1x16xf32>
    tpu.vector_store %arg9[%swap3A_220, %swap3A_221], %swap3A_224 {strides = array<i32>} : memref<208x128xf32, #tpu.memory_space<vmem>>, vector<1x16xf32>,
    %swap3A_225 = arith.constant 204 : i32
    %swap3A_226 = arith.index_cast %swap3A_225 : i32 to index
    %swap3A_227 = arith.constant 80 : index
    %swap3A_228 = tpu.vector_load %arg9[%swap3A_226, %swap3A_227] {strides = array<i32>} : memref<208x128xf32, #tpu.memory_space<vmem>>, vector<1x16xf32>,
    %swap3A_229 = vector.shape_cast %swap3A_228 : vector<1x16xf32> to vector<16xf32>
    %swap3A_230 = vector.shape_cast %broadcast_in_dim3A_3 : vector<16xf32> to vector<1x16xf32>
    tpu.vector_store %arg9[%swap3A_226, %swap3A_227], %swap3A_230 {strides = array<i32>} : memref<208x128xf32, #tpu.memory_space<vmem>>, vector<1x16xf32>,
    %swap3A_231 = arith.constant 204 : i32
    %swap3A_232 = arith.index_cast %swap3A_231 : i32 to index
    %swap3A_233 = arith.constant 96 : index
    %swap3A_234 = tpu.vector_load %arg9[%swap3A_232, %swap3A_233] {strides = array<i32>} : memref<208x128xf32, #tpu.memory_space<vmem>>, vector<1x16xf32>,
    %swap3A_235 = vector.shape_cast %swap3A_234 : vector<1x16xf32> to vector<16xf32>
    %swap3A_236 = vector.shape_cast %broadcast_in_dim3A_3 : vector<16xf32> to vector<1x16xf32>
    tpu.vector_store %arg9[%swap3A_232, %swap3A_233], %swap3A_236 {strides = array<i32>} : memref<208x128xf32, #tpu.memory_space<vmem>>, vector<1x16xf32>,
    %swap3A_237 = arith.constant 204 : i32
    %swap3A_238 = arith.index_cast %swap3A_237 : i32 to index
    %swap3A_239 = arith.constant 112 : index
    %swap3A_240 = tpu.vector_load %arg9[%swap3A_238, %swap3A_239] {strides = array<i32>} : memref<208x128xf32, #tpu.memory_space<vmem>>, vector<1x16xf32>,
    %swap3A_241 = vector.shape_cast %swap3A_240 : vector<1x16xf32> to vector<16xf32>
    %swap3A_242 = vector.shape_cast %broadcast_in_dim3A_3 : vector<16xf32> to vector<1x16xf32>
    tpu.vector_store %arg9[%swap3A_238, %swap3A_239], %swap3A_242 {strides = array<i32>} : memref<208x128xf32, #tpu.memory_space<vmem>>, vector<1x16xf32>,
    %swap3A_243 = arith.constant 205 : i32
    %swap3A_244 = arith.index_cast %swap3A_243 : i32 to index
    %swap3A_245 = arith.constant 0 : index
    %swap3A_246 = tpu.vector_load %arg9[%swap3A_244, %swap3A_245] {strides = array<i32>} : memref<208x128xf32, #tpu.memory_space<vmem>>, vector<1x16xf32>,
    %swap3A_247 = vector.shape_cast %swap3A_246 : vector<1x16xf32> to vector<16xf32>
    %swap3A_248 = vector.shape_cast %broadcast_in_dim3A_3 : vector<16xf32> to vector<1x16xf32>
    tpu.vector_store %arg9[%swap3A_244, %swap3A_245], %swap3A_248 {strides = array<i32>} : memref<208x128xf32, #tpu.memory_space<vmem>>, vector<1x16xf32>,
    %swap3A_249 = arith.constant 205 : i32
    %swap3A_250 = arith.index_cast %swap3A_249 : i32 to index
    %swap3A_251 = arith.constant 16 : index
    %swap3A_252 = tpu.vector_load %arg9[%swap3A_250, %swap3A_251] {strides = array<i32>} : memref<208x128xf32, #tpu.memory_space<vmem>>, vector<1x16xf32>,
    %swap3A_253 = vector.shape_cast %swap3A_252 : vector<1x16xf32> to vector<16xf32>
    %swap3A_254 = vector.shape_cast %broadcast_in_dim3A_3 : vector<16xf32> to vector<1x16xf32>
    tpu.vector_store %arg9[%swap3A_250, %swap3A_251], %swap3A_254 {strides = array<i32>} : memref<208x128xf32, #tpu.memory_space<vmem>>, vector<1x16xf32>,
    %swap3A_255 = arith.constant 205 : i32
    %swap3A_256 = arith.index_cast %swap3A_255 : i32 to index
    %swap3A_257 = arith.constant 32 : index
    %swap3A_258 = tpu.vector_load %arg9[%swap3A_256, %swap3A_257] {strides = array<i32>} : memref<208x128xf32, #tpu.memory_space<vmem>>, vector<1x16xf32>,
    %swap3A_259 = vector.shape_cast %swap3A_258 : vector<1x16xf32> to vector<16xf32>
    %swap3A_260 = vector.shape_cast %broadcast_in_dim3A_3 : vector<16xf32> to vector<1x16xf32>
    tpu.vector_store %arg9[%swap3A_256, %swap3A_257], %swap3A_260 {strides = array<i32>} : memref<208x128xf32, #tpu.memory_space<vmem>>, vector<1x16xf32>,
    %swap3A_261 = arith.constant 205 : i32
    %swap3A_262 = arith.index_cast %swap3A_261 : i32 to index
    %swap3A_263 = arith.constant 48 : index
    %swap3A_264 = tpu.vector_load %arg9[%swap3A_262, %swap3A_263] {strides = array<i32>} : memref<208x128xf32, #tpu.memory_space<vmem>>, vector<1x16xf32>,
    %swap3A_265 = vector.shape_cast %swap3A_264 : vector<1x16xf32> to vector<16xf32>
    %swap3A_266 = vector.shape_cast %broadcast_in_dim3A_3 : vector<16xf32> to vector<1x16xf32>
    tpu.vector_store %arg9[%swap3A_262, %swap3A_263], %swap3A_266 {strides = array<i32>} : memref<208x128xf32, #tpu.memory_space<vmem>>, vector<1x16xf32>,
    %swap3A_267 = arith.constant 205 : i32
    %swap3A_268 = arith.index_cast %swap3A_267 : i32 to index
    %swap3A_269 = arith.constant 64 : index
    %swap3A_270 = tpu.vector_load %arg9[%swap3A_268, %swap3A_269] {strides = array<i32>} : memref<208x128xf32, #tpu.memory_space<vmem>>, vector<1x16xf32>,
    %swap3A_271 = vector.shape_cast %swap3A_270 : vector<1x16xf32> to vector<16xf32>
    %swap3A_272 = vector.shape_cast %broadcast_in_dim3A_3 : vector<16xf32> to vector<1x16xf32>
    tpu.vector_store %arg9[%swap3A_268, %swap3A_269], %swap3A_272 {strides = array<i32>} : memref<208x128xf32, #tpu.memory_space<vmem>>, vector<1x16xf32>,
    %swap3A_273 = arith.constant 205 : i32
    %swap3A_274 = arith.index_cast %swap3A_273 : i32 to index
    %swap3A_275 = arith.constant 80 : index
    %swap3A_276 = tpu.vector_load %arg9[%swap3A_274, %swap3A_275] {strides = array<i32>} : memref<208x128xf32, #tpu.memory_space<vmem>>, vector<1x16xf32>,
    %swap3A_277 = vector.shape_cast %swap3A_276 : vector<1x16xf32> to vector<16xf32>
    %swap3A_278 = vector.shape_cast %broadcast_in_dim3A_3 : vector<16xf32> to vector<1x16xf32>
    tpu.vector_store %arg9[%swap3A_274, %swap3A_275], %swap3A_278 {strides = array<i32>} : memref<208x128xf32, #tpu.memory_space<vmem>>, vector<1x16xf32>,
    %swap3A_279 = arith.constant 205 : i32
    %swap3A_280 = arith.index_cast %swap3A_279 : i32 to index
    %swap3A_281 = arith.constant 96 : index
    %swap3A_282 = tpu.vector_load %arg9[%swap3A_280, %swap3A_281] {strides = array<i32>} : memref<208x128xf32, #tpu.memory_space<vmem>>, vector<1x16xf32>,
    %swap3A_283 = vector.shape_cast %swap3A_282 : vector<1x16xf32> to vector<16xf32>
    %swap3A_284 = vector.shape_cast %broadcast_in_dim3A_3 : vector<16xf32> to vector<1x16xf32>
    tpu.vector_store %arg9[%swap3A_280, %swap3A_281], %swap3A_284 {strides = array<i32>} : memref<208x128xf32, #tpu.memory_space<vmem>>, vector<1x16xf32>,
    %swap3A_285 = arith.constant 205 : i32
    %swap3A_286 = arith.index_cast %swap3A_285 : i32 to index
    %swap3A_287 = arith.constant 112 : index
    %swap3A_288 = tpu.vector_load %arg9[%swap3A_286, %swap3A_287] {strides = array<i32>} : memref<208x128xf32, #tpu.memory_space<vmem>>, vector<1x16xf32>,
    %swap3A_289 = vector.shape_cast %swap3A_288 : vector<1x16xf32> to vector<16xf32>
    %swap3A_290 = vector.shape_cast %broadcast_in_dim3A_3 : vector<16xf32> to vector<1x16xf32>
    tpu.vector_store %arg9[%swap3A_286, %swap3A_287], %swap3A_290 {strides = array<i32>} : memref<208x128xf32, #tpu.memory_space<vmem>>, vector<1x16xf32>,
    %swap3A_291 = arith.constant 206 : i32
    %swap3A_292 = arith.index_cast %swap3A_291 : i32 to index
    %swap3A_293 = arith.constant 0 : index
    %swap3A_294 = tpu.vector_load %arg9[%swap3A_292, %swap3A_293] {strides = array<i32>} : memref<208x128xf32, #tpu.memory_space<vmem>>, vector<1x16xf32>,
    %swap3A_295 = vector.shape_cast %swap3A_294 : vector<1x16xf32> to vector<16xf32>
    %swap3A_296 = vector.shape_cast %broadcast_in_dim3A_3 : vector<16xf32> to vector<1x16xf32>
    tpu.vector_store %arg9[%swap3A_292, %swap3A_293], %swap3A_296 {strides = array<i32>} : memref<208x128xf32, #tpu.memory_space<vmem>>, vector<1x16xf32>,
    %swap3A_297 = arith.constant 206 : i32
    %swap3A_298 = arith.index_cast %swap3A_297 : i32 to index
    %swap3A_299 = arith.constant 16 : index
    %swap3A_300 = tpu.vector_load %arg9[%swap3A_298, %swap3A_299] {strides = array<i32>} : memref<208x128xf32, #tpu.memory_space<vmem>>, vector<1x16xf32>,
    %swap3A_301 = vector.shape_cast %swap3A_300 : vector<1x16xf32> to vector<16xf32>
    %swap3A_302 = vector.shape_cast %broadcast_in_dim3A_3 : vector<16xf32> to vector<1x16xf32>
    tpu.vector_store %arg9[%swap3A_298, %swap3A_299], %swap3A_302 {strides = array<i32>} : memref<208x128xf32, #tpu.memory_space<vmem>>, vector<1x16xf32>,
    %swap3A_303 = arith.constant 206 : i32
    %swap3A_304 = arith.index_cast %swap3A_303 : i32 to index
    %swap3A_305 = arith.constant 32 : index
    %swap3A_306 = tpu.vector_load %arg9[%swap3A_304, %swap3A_305] {strides = array<i32>} : memref<208x128xf32, #tpu.memory_space<vmem>>, vector<1x16xf32>,
    %swap3A_307 = vector.shape_cast %swap3A_306 : vector<1x16xf32> to vector<16xf32>
    %swap3A_308 = vector.shape_cast %broadcast_in_dim3A_3 : vector<16xf32> to vector<1x16xf32>
    tpu.vector_store %arg9[%swap3A_304, %swap3A_305], %swap3A_308 {strides = array<i32>} : memref<208x128xf32, #tpu.memory_space<vmem>>, vector<1x16xf32>,
    %swap3A_309 = arith.constant 206 : i32
    %swap3A_310 = arith.index_cast %swap3A_309 : i32 to index
    %swap3A_311 = arith.constant 48 : index
    %swap3A_312 = tpu.vector_load %arg9[%swap3A_310, %swap3A_311] {strides = array<i32>} : memref<208x128xf32, #tpu.memory_space<vmem>>, vector<1x16xf32>,
    %swap3A_313 = vector.shape_cast %swap3A_312 : vector<1x16xf32> to vector<16xf32>
    %swap3A_314 = vector.shape_cast %broadcast_in_dim3A_3 : vector<16xf32> to vector<1x16xf32>
    tpu.vector_store %arg9[%swap3A_310, %swap3A_311], %swap3A_314 {strides = array<i32>} : memref<208x128xf32, #tpu.memory_space<vmem>>, vector<1x16xf32>,
    %swap3A_315 = arith.constant 206 : i32
    %swap3A_316 = arith.index_cast %swap3A_315 : i32 to index
    %swap3A_317 = arith.constant 64 : index
    %swap3A_318 = tpu.vector_load %arg9[%swap3A_316, %swap3A_317] {strides = array<i32>} : memref<208x128xf32, #tpu.memory_space<vmem>>, vector<1x16xf32>,
    %swap3A_319 = vector.shape_cast %swap3A_318 : vector<1x16xf32> to vector<16xf32>
    %swap3A_320 = vector.shape_cast %broadcast_in_dim3A_3 : vector<16xf32> to vector<1x16xf32>
    tpu.vector_store %arg9[%swap3A_316, %swap3A_317], %swap3A_320 {strides = array<i32>} : memref<208x128xf32, #tpu.memory_space<vmem>>, vector<1x16xf32>,
    %swap3A_321 = arith.constant 206 : i32
    %swap3A_322 = arith.index_cast %swap3A_321 : i32 to index
    %swap3A_323 = arith.constant 80 : index
    %swap3A_324 = tpu.vector_load %arg9[%swap3A_322, %swap3A_323] {strides = array<i32>} : memref<208x128xf32, #tpu.memory_space<vmem>>, vector<1x16xf32>,
    %swap3A_325 = vector.shape_cast %swap3A_324 : vector<1x16xf32> to vector<16xf32>
    %swap3A_326 = vector.shape_cast %broadcast_in_dim3A_3 : vector<16xf32> to vector<1x16xf32>
    tpu.vector_store %arg9[%swap3A_322, %swap3A_323], %swap3A_326 {strides = array<i32>} : memref<208x128xf32, #tpu.memory_space<vmem>>, vector<1x16xf32>,
    %swap3A_327 = arith.constant 206 : i32
    %swap3A_328 = arith.index_cast %swap3A_327 : i32 to index
    %swap3A_329 = arith.constant 96 : index
    %swap3A_330 = tpu.vector_load %arg9[%swap3A_328, %swap3A_329] {strides = array<i32>} : memref<208x128xf32, #tpu.memory_space<vmem>>, vector<1x16xf32>,
    %swap3A_331 = vector.shape_cast %swap3A_330 : vector<1x16xf32> to vector<16xf32>
    %swap3A_332 = vector.shape_cast %broadcast_in_dim3A_3 : vector<16xf32> to vector<1x16xf32>
    tpu.vector_store %arg9[%swap3A_328, %swap3A_329], %swap3A_332 {strides = array<i32>} : memref<208x128xf32, #tpu.memory_space<vmem>>, vector<1x16xf32>,
    %swap3A_333 = arith.constant 206 : i32
    %swap3A_334 = arith.index_cast %swap3A_333 : i32 to index
    %swap3A_335 = arith.constant 112 : index
    %swap3A_336 = tpu.vector_load %arg9[%swap3A_334, %swap3A_335] {strides = array<i32>} : memref<208x128xf32, #tpu.memory_space<vmem>>, vector<1x16xf32>,
    %swap3A_337 = vector.shape_cast %swap3A_336 : vector<1x16xf32> to vector<16xf32>
    %swap3A_338 = vector.shape_cast %broadcast_in_dim3A_3 : vector<16xf32> to vector<1x16xf32>
    tpu.vector_store %arg9[%swap3A_334, %swap3A_335], %swap3A_338 {strides = array<i32>} : memref<208x128xf32, #tpu.memory_space<vmem>>, vector<1x16xf32>,
    %swap3A_339 = arith.constant 207 : i32
    %swap3A_340 = arith.index_cast %swap3A_339 : i32 to index
    %swap3A_341 = arith.constant 0 : index
    %swap3A_342 = tpu.vector_load %arg9[%swap3A_340, %swap3A_341] {strides = array<i32>} : memref<208x128xf32, #tpu.memory_space<vmem>>, vector<1x16xf32>,
    %swap3A_343 = vector.shape_cast %swap3A_342 : vector<1x16xf32> to vector<16xf32>
    %swap3A_344 = vector.shape_cast %broadcast_in_dim3A_3 : vector<16xf32> to vector<1x16xf32>
    tpu.vector_store %arg9[%swap3A_340, %swap3A_341], %swap3A_344 {strides = array<i32>} : memref<208x128xf32, #tpu.memory_space<vmem>>, vector<1x16xf32>,
    %swap3A_345 = arith.constant 207 : i32
    %swap3A_346 = arith.index_cast %swap3A_345 : i32 to index
    %swap3A_347 = arith.constant 16 : index
    %swap3A_348 = tpu.vector_load %arg9[%swap3A_346, %swap3A_347] {strides = array<i32>} : memref<208x128xf32, #tpu.memory_space<vmem>>, vector<1x16xf32>,
    %swap3A_349 = vector.shape_cast %swap3A_348 : vector<1x16xf32> to vector<16xf32>
    %swap3A_350 = vector.shape_cast %broadcast_in_dim3A_3 : vector<16xf32> to vector<1x16xf32>
    tpu.vector_store %arg9[%swap3A_346, %swap3A_347], %swap3A_350 {strides = array<i32>} : memref<208x128xf32, #tpu.memory_space<vmem>>, vector<1x16xf32>,
    %swap3A_351 = arith.constant 207 : i32
    %swap3A_352 = arith.index_cast %swap3A_351 : i32 to index
    %swap3A_353 = arith.constant 32 : index
    %swap3A_354 = tpu.vector_load %arg9[%swap3A_352, %swap3A_353] {strides = array<i32>} : memref<208x128xf32, #tpu.memory_space<vmem>>, vector<1x16xf32>,
    %swap3A_355 = vector.shape_cast %swap3A_354 : vector<1x16xf32> to vector<16xf32>
    %swap3A_356 = vector.shape_cast %broadcast_in_dim3A_3 : vector<16xf32> to vector<1x16xf32>
    tpu.vector_store %arg9[%swap3A_352, %swap3A_353], %swap3A_356 {strides = array<i32>} : memref<208x128xf32, #tpu.memory_space<vmem>>, vector<1x16xf32>,
    %swap3A_357 = arith.constant 207 : i32
    %swap3A_358 = arith.index_cast %swap3A_357 : i32 to index
    %swap3A_359 = arith.constant 48 : index
    %swap3A_360 = tpu.vector_load %arg9[%swap3A_358, %swap3A_359] {strides = array<i32>} : memref<208x128xf32, #tpu.memory_space<vmem>>, vector<1x16xf32>,
    %swap3A_361 = vector.shape_cast %swap3A_360 : vector<1x16xf32> to vector<16xf32>
    %swap3A_362 = vector.shape_cast %broadcast_in_dim3A_3 : vector<16xf32> to vector<1x16xf32>
    tpu.vector_store %arg9[%swap3A_358, %swap3A_359], %swap3A_362 {strides = array<i32>} : memref<208x128xf32, #tpu.memory_space<vmem>>, vector<1x16xf32>,
    %swap3A_363 = arith.constant 207 : i32
    %swap3A_364 = arith.index_cast %swap3A_363 : i32 to index
    %swap3A_365 = arith.constant 64 : index
    %swap3A_366 = tpu.vector_load %arg9[%swap3A_364, %swap3A_365] {strides = array<i32>} : memref<208x128xf32, #tpu.memory_space<vmem>>, vector<1x16xf32>,
    %swap3A_367 = vector.shape_cast %swap3A_366 : vector<1x16xf32> to vector<16xf32>
    %swap3A_368 = vector.shape_cast %broadcast_in_dim3A_3 : vector<16xf32> to vector<1x16xf32>
    tpu.vector_store %arg9[%swap3A_364, %swap3A_365], %swap3A_368 {strides = array<i32>} : memref<208x128xf32, #tpu.memory_space<vmem>>, vector<1x16xf32>,
    %swap3A_369 = arith.constant 207 : i32
    %swap3A_370 = arith.index_cast %swap3A_369 : i32 to index
    %swap3A_371 = arith.constant 80 : index
    %swap3A_372 = tpu.vector_load %arg9[%swap3A_370, %swap3A_371] {strides = array<i32>} : memref<208x128xf32, #tpu.memory_space<vmem>>, vector<1x16xf32>,
    %swap3A_373 = vector.shape_cast %swap3A_372 : vector<1x16xf32> to vector<16xf32>
    %swap3A_374 = vector.shape_cast %broadcast_in_dim3A_3 : vector<16xf32> to vector<1x16xf32>
    tpu.vector_store %arg9[%swap3A_370, %swap3A_371], %swap3A_374 {strides = array<i32>} : memref<208x128xf32, #tpu.memory_space<vmem>>, vector<1x16xf32>,
    %swap3A_375 = arith.constant 207 : i32
    %swap3A_376 = arith.index_cast %swap3A_375 : i32 to index
    %swap3A_377 = arith.constant 96 : index
    %swap3A_378 = tpu.vector_load %arg9[%swap3A_376, %swap3A_377] {strides = array<i32>} : memref<208x128xf32, #tpu.memory_space<vmem>>, vector<1x16xf32>,
    %swap3A_379 = vector.shape_cast %swap3A_378 : vector<1x16xf32> to vector<16xf32>
    %swap3A_380 = vector.shape_cast %broadcast_in_dim3A_3 : vector<16xf32> to vector<1x16xf32>
    tpu.vector_store %arg9[%swap3A_376, %swap3A_377], %swap3A_380 {strides = array<i32>} : memref<208x128xf32, #tpu.memory_space<vmem>>, vector<1x16xf32>,
    %swap3A_381 = arith.constant 207 : i32
    %swap3A_382 = arith.index_cast %swap3A_381 : i32 to index
    %swap3A_383 = arith.constant 112 : index
    %swap3A_384 = tpu.vector_load %arg9[%swap3A_382, %swap3A_383] {strides = array<i32>} : memref<208x128xf32, #tpu.memory_space<vmem>>, vector<1x16xf32>,
    %swap3A_385 = vector.shape_cast %swap3A_384 : vector<1x16xf32> to vector<16xf32>
    %swap3A_386 = vector.shape_cast %broadcast_in_dim3A_3 : vector<16xf32> to vector<1x16xf32>
    tpu.vector_store %arg9[%swap3A_382, %swap3A_383], %swap3A_386 {strides = array<i32>} : memref<208x128xf32, #tpu.memory_space<vmem>>, vector<1x16xf32>,
    %swap3A_387 = arith.constant 200 : i32
    %swap3A_388 = arith.index_cast %swap3A_387 : i32 to index
    %swap3A_389 = arith.constant 0 : index
    %swap3A_390 = tpu.vector_load %arg10[%swap3A_388, %swap3A_389] {strides = array<i32>} : memref<208x128xf32, #tpu.memory_space<vmem>>, vector<1x16xf32>,
    %swap3A_391 = vector.shape_cast %swap3A_390 : vector<1x16xf32> to vector<16xf32>
    %swap3A_392 = vector.shape_cast %broadcast_in_dim3A_3 : vector<16xf32> to vector<1x16xf32>
    tpu.vector_store %arg10[%swap3A_388, %swap3A_389], %swap3A_392 {strides = array<i32>} : memref<208x128xf32, #tpu.memory_space<vmem>>, vector<1x16xf32>,
    %swap3A_393 = arith.constant 200 : i32
    %swap3A_394 = arith.index_cast %swap3A_393 : i32 to index
    %swap3A_395 = arith.constant 16 : index
    %swap3A_396 = tpu.vector_load %arg10[%swap3A_394, %swap3A_395] {strides = array<i32>} : memref<208x128xf32, #tpu.memory_space<vmem>>, vector<1x16xf32>,
    %swap3A_397 = vector.shape_cast %swap3A_396 : vector<1x16xf32> to vector<16xf32>
    %swap3A_398 = vector.shape_cast %broadcast_in_dim3A_3 : vector<16xf32> to vector<1x16xf32>
    tpu.vector_store %arg10[%swap3A_394, %swap3A_395], %swap3A_398 {strides = array<i32>} : memref<208x128xf32, #tpu.memory_space<vmem>>, vector<1x16xf32>,
    %swap3A_399 = arith.constant 200 : i32
    %swap3A_400 = arith.index_cast %swap3A_399 : i32 to index
    %swap3A_401 = arith.constant 32 : index
    %swap3A_402 = tpu.vector_load %arg10[%swap3A_400, %swap3A_401] {strides = array<i32>} : memref<208x128xf32, #tpu.memory_space<vmem>>, vector<1x16xf32>,
    %swap3A_403 = vector.shape_cast %swap3A_402 : vector<1x16xf32> to vector<16xf32>
    %swap3A_404 = vector.shape_cast %broadcast_in_dim3A_3 : vector<16xf32> to vector<1x16xf32>
    tpu.vector_store %arg10[%swap3A_400, %swap3A_401], %swap3A_404 {strides = array<i32>} : memref<208x128xf32, #tpu.memory_space<vmem>>, vector<1x16xf32>,
    %swap3A_405 = arith.constant 200 : i32
    %swap3A_406 = arith.index_cast %swap3A_405 : i32 to index
    %swap3A_407 = arith.constant 48 : index
    %swap3A_408 = tpu.vector_load %arg10[%swap3A_406, %swap3A_407] {strides = array<i32>} : memref<208x128xf32, #tpu.memory_space<vmem>>, vector<1x16xf32>,
    %swap3A_409 = vector.shape_cast %swap3A_408 : vector<1x16xf32> to vector<16xf32>
    %swap3A_410 = vector.shape_cast %broadcast_in_dim3A_3 : vector<16xf32> to vector<1x16xf32>
    tpu.vector_store %arg10[%swap3A_406, %swap3A_407], %swap3A_410 {strides = array<i32>} : memref<208x128xf32, #tpu.memory_space<vmem>>, vector<1x16xf32>,
    %swap3A_411 = arith.constant 200 : i32
    %swap3A_412 = arith.index_cast %swap3A_411 : i32 to index
    %swap3A_413 = arith.constant 64 : index
    %swap3A_414 = tpu.vector_load %arg10[%swap3A_412, %swap3A_413] {strides = array<i32>} : memref<208x128xf32, #tpu.memory_space<vmem>>, vector<1x16xf32>,
    %swap3A_415 = vector.shape_cast %swap3A_414 : vector<1x16xf32> to vector<16xf32>
    %swap3A_416 = vector.shape_cast %broadcast_in_dim3A_3 : vector<16xf32> to vector<1x16xf32>
    tpu.vector_store %arg10[%swap3A_412, %swap3A_413], %swap3A_416 {strides = array<i32>} : memref<208x128xf32, #tpu.memory_space<vmem>>, vector<1x16xf32>,
    %swap3A_417 = arith.constant 200 : i32
    %swap3A_418 = arith.index_cast %swap3A_417 : i32 to index
    %swap3A_419 = arith.constant 80 : index
    %swap3A_420 = tpu.vector_load %arg10[%swap3A_418, %swap3A_419] {strides = array<i32>} : memref<208x128xf32, #tpu.memory_space<vmem>>, vector<1x16xf32>,
    %swap3A_421 = vector.shape_cast %swap3A_420 : vector<1x16xf32> to vector<16xf32>
    %swap3A_422 = vector.shape_cast %broadcast_in_dim3A_3 : vector<16xf32> to vector<1x16xf32>
    tpu.vector_store %arg10[%swap3A_418, %swap3A_419], %swap3A_422 {strides = array<i32>} : memref<208x128xf32, #tpu.memory_space<vmem>>, vector<1x16xf32>,
    %swap3A_423 = arith.constant 200 : i32
    %swap3A_424 = arith.index_cast %swap3A_423 : i32 to index
    %swap3A_425 = arith.constant 96 : index
    %swap3A_426 = tpu.vector_load %arg10[%swap3A_424, %swap3A_425] {strides = array<i32>} : memref<208x128xf32, #tpu.memory_space<vmem>>, vector<1x16xf32>,
    %swap3A_427 = vector.shape_cast %swap3A_426 : vector<1x16xf32> to vector<16xf32>
    %swap3A_428 = vector.shape_cast %broadcast_in_dim3A_3 : vector<16xf32> to vector<1x16xf32>
    tpu.vector_store %arg10[%swap3A_424, %swap3A_425], %swap3A_428 {strides = array<i32>} : memref<208x128xf32, #tpu.memory_space<vmem>>, vector<1x16xf32>,
    %swap3A_429 = arith.constant 200 : i32
    %swap3A_430 = arith.index_cast %swap3A_429 : i32 to index
    %swap3A_431 = arith.constant 112 : index
    %swap3A_432 = tpu.vector_load %arg10[%swap3A_430, %swap3A_431] {strides = array<i32>} : memref<208x128xf32, #tpu.memory_space<vmem>>, vector<1x16xf32>,
    %swap3A_433 = vector.shape_cast %swap3A_432 : vector<1x16xf32> to vector<16xf32>
    %swap3A_434 = vector.shape_cast %broadcast_in_dim3A_3 : vector<16xf32> to vector<1x16xf32>
    tpu.vector_store %arg10[%swap3A_430, %swap3A_431], %swap3A_434 {strides = array<i32>} : memref<208x128xf32, #tpu.memory_space<vmem>>, vector<1x16xf32>,
    %swap3A_435 = arith.constant 201 : i32
    %swap3A_436 = arith.index_cast %swap3A_435 : i32 to index
    %swap3A_437 = arith.constant 0 : index
    %swap3A_438 = tpu.vector_load %arg10[%swap3A_436, %swap3A_437] {strides = array<i32>} : memref<208x128xf32, #tpu.memory_space<vmem>>, vector<1x16xf32>,
    %swap3A_439 = vector.shape_cast %swap3A_438 : vector<1x16xf32> to vector<16xf32>
    %swap3A_440 = vector.shape_cast %broadcast_in_dim3A_3 : vector<16xf32> to vector<1x16xf32>
    tpu.vector_store %arg10[%swap3A_436, %swap3A_437], %swap3A_440 {strides = array<i32>} : memref<208x128xf32, #tpu.memory_space<vmem>>, vector<1x16xf32>,
    %swap3A_441 = arith.constant 201 : i32
    %swap3A_442 = arith.index_cast %swap3A_441 : i32 to index
    %swap3A_443 = arith.constant 16 : index
    %swap3A_444 = tpu.vector_load %arg10[%swap3A_442, %swap3A_443] {strides = array<i32>} : memref<208x128xf32, #tpu.memory_space<vmem>>, vector<1x16xf32>,
    %swap3A_445 = vector.shape_cast %swap3A_444 : vector<1x16xf32> to vector<16xf32>
    %swap3A_446 = vector.shape_cast %broadcast_in_dim3A_3 : vector<16xf32> to vector<1x16xf32>
    tpu.vector_store %arg10[%swap3A_442, %swap3A_443], %swap3A_446 {strides = array<i32>} : memref<208x128xf32, #tpu.memory_space<vmem>>, vector<1x16xf32>,
    %swap3A_447 = arith.constant 201 : i32
    %swap3A_448 = arith.index_cast %swap3A_447 : i32 to index
    %swap3A_449 = arith.constant 32 : index
    %swap3A_450 = tpu.vector_load %arg10[%swap3A_448, %swap3A_449] {strides = array<i32>} : memref<208x128xf32, #tpu.memory_space<vmem>>, vector<1x16xf32>,
    %swap3A_451 = vector.shape_cast %swap3A_450 : vector<1x16xf32> to vector<16xf32>
    %swap3A_452 = vector.shape_cast %broadcast_in_dim3A_3 : vector<16xf32> to vector<1x16xf32>
    tpu.vector_store %arg10[%swap3A_448, %swap3A_449], %swap3A_452 {strides = array<i32>} : memref<208x128xf32, #tpu.memory_space<vmem>>, vector<1x16xf32>,
    %swap3A_453 = arith.constant 201 : i32
    %swap3A_454 = arith.index_cast %swap3A_453 : i32 to index
    %swap3A_455 = arith.constant 48 : index
    %swap3A_456 = tpu.vector_load %arg10[%swap3A_454, %swap3A_455] {strides = array<i32>} : memref<208x128xf32, #tpu.memory_space<vmem>>, vector<1x16xf32>,
    %swap3A_457 = vector.shape_cast %swap3A_456 : vector<1x16xf32> to vector<16xf32>
    %swap3A_458 = vector.shape_cast %broadcast_in_dim3A_3 : vector<16xf32> to vector<1x16xf32>
    tpu.vector_store %arg10[%swap3A_454, %swap3A_455], %swap3A_458 {strides = array<i32>} : memref<208x128xf32, #tpu.memory_space<vmem>>, vector<1x16xf32>,
    %swap3A_459 = arith.constant 201 : i32
    %swap3A_460 = arith.index_cast %swap3A_459 : i32 to index
    %swap3A_461 = arith.constant 64 : index
    %swap3A_462 = tpu.vector_load %arg10[%swap3A_460, %swap3A_461] {strides = array<i32>} : memref<208x128xf32, #tpu.memory_space<vmem>>, vector<1x16xf32>,
    %swap3A_463 = vector.shape_cast %swap3A_462 : vector<1x16xf32> to vector<16xf32>
    %swap3A_464 = vector.shape_cast %broadcast_in_dim3A_3 : vector<16xf32> to vector<1x16xf32>
    tpu.vector_store %arg10[%swap3A_460, %swap3A_461], %swap3A_464 {strides = array<i32>} : memref<208x128xf32, #tpu.memory_space<vmem>>, vector<1x16xf32>,
    %swap3A_465 = arith.constant 201 : i32
    %swap3A_466 = arith.index_cast %swap3A_465 : i32 to index
    %swap3A_467 = arith.constant 80 : index
    %swap3A_468 = tpu.vector_load %arg10[%swap3A_466, %swap3A_467] {strides = array<i32>} : memref<208x128xf32, #tpu.memory_space<vmem>>, vector<1x16xf32>,
    %swap3A_469 = vector.shape_cast %swap3A_468 : vector<1x16xf32> to vector<16xf32>
    %swap3A_470 = vector.shape_cast %broadcast_in_dim3A_3 : vector<16xf32> to vector<1x16xf32>
    tpu.vector_store %arg10[%swap3A_466, %swap3A_467], %swap3A_470 {strides = array<i32>} : memref<208x128xf32, #tpu.memory_space<vmem>>, vector<1x16xf32>,
    %swap3A_471 = arith.constant 201 : i32
    %swap3A_472 = arith.index_cast %swap3A_471 : i32 to index
    %swap3A_473 = arith.constant 96 : index
    %swap3A_474 = tpu.vector_load %arg10[%swap3A_472, %swap3A_473] {strides = array<i32>} : memref<208x128xf32, #tpu.memory_space<vmem>>, vector<1x16xf32>,
    %swap3A_475 = vector.shape_cast %swap3A_474 : vector<1x16xf32> to vector<16xf32>
    %swap3A_476 = vector.shape_cast %broadcast_in_dim3A_3 : vector<16xf32> to vector<1x16xf32>
    tpu.vector_store %arg10[%swap3A_472, %swap3A_473], %swap3A_476 {strides = array<i32>} : memref<208x128xf32, #tpu.memory_space<vmem>>, vector<1x16xf32>,
    %swap3A_477 = arith.constant 201 : i32
    %swap3A_478 = arith.index_cast %swap3A_477 : i32 to index
    %swap3A_479 = arith.constant 112 : index
    %swap3A_480 = tpu.vector_load %arg10[%swap3A_478, %swap3A_479] {strides = array<i32>} : memref<208x128xf32, #tpu.memory_space<vmem>>, vector<1x16xf32>,
    %swap3A_481 = vector.shape_cast %swap3A_480 : vector<1x16xf32> to vector<16xf32>
    %swap3A_482 = vector.shape_cast %broadcast_in_dim3A_3 : vector<16xf32> to vector<1x16xf32>
    tpu.vector_store %arg10[%swap3A_478, %swap3A_479], %swap3A_482 {strides = array<i32>} : memref<208x128xf32, #tpu.memory_space<vmem>>, vector<1x16xf32>,
    %swap3A_483 = arith.constant 202 : i32
    %swap3A_484 = arith.index_cast %swap3A_483 : i32 to index
    %swap3A_485 = arith.constant 0 : index
    %swap3A_486 = tpu.vector_load %arg10[%swap3A_484, %swap3A_485] {strides = array<i32>} : memref<208x128xf32, #tpu.memory_space<vmem>>, vector<1x16xf32>,
    %swap3A_487 = vector.shape_cast %swap3A_486 : vector<1x16xf32> to vector<16xf32>
    %swap3A_488 = vector.shape_cast %broadcast_in_dim3A_3 : vector<16xf32> to vector<1x16xf32>
    tpu.vector_store %arg10[%swap3A_484, %swap3A_485], %swap3A_488 {strides = array<i32>} : memref<208x128xf32, #tpu.memory_space<vmem>>, vector<1x16xf32>,
    %swap3A_489 = arith.constant 202 : i32
    %swap3A_490 = arith.index_cast %swap3A_489 : i32 to index
    %swap3A_491 = arith.constant 16 : index
    %swap3A_492 = tpu.vector_load %arg10[%swap3A_490, %swap3A_491] {strides = array<i32>} : memref<208x128xf32, #tpu.memory_space<vmem>>, vector<1x16xf32>,
    %swap3A_493 = vector.shape_cast %swap3A_492 : vector<1x16xf32> to vector<16xf32>
    %swap3A_494 = vector.shape_cast %broadcast_in_dim3A_3 : vector<16xf32> to vector<1x16xf32>
    tpu.vector_store %arg10[%swap3A_490, %swap3A_491], %swap3A_494 {strides = array<i32>} : memref<208x128xf32, #tpu.memory_space<vmem>>, vector<1x16xf32>,
    %swap3A_495 = arith.constant 202 : i32
    %swap3A_496 = arith.index_cast %swap3A_495 : i32 to index
    %swap3A_497 = arith.constant 32 : index
    %swap3A_498 = tpu.vector_load %arg10[%swap3A_496, %swap3A_497] {strides = array<i32>} : memref<208x128xf32, #tpu.memory_space<vmem>>, vector<1x16xf32>,
    %swap3A_499 = vector.shape_cast %swap3A_498 : vector<1x16xf32> to vector<16xf32>
    %swap3A_500 = vector.shape_cast %broadcast_in_dim3A_3 : vector<16xf32> to vector<1x16xf32>
    tpu.vector_store %arg10[%swap3A_496, %swap3A_497], %swap3A_500 {strides = array<i32>} : memref<208x128xf32, #tpu.memory_space<vmem>>, vector<1x16xf32>,
    %swap3A_501 = arith.constant 202 : i32
    %swap3A_502 = arith.index_cast %swap3A_501 : i32 to index
    %swap3A_503 = arith.constant 48 : index
    %swap3A_504 = tpu.vector_load %arg10[%swap3A_502, %swap3A_503] {strides = array<i32>} : memref<208x128xf32, #tpu.memory_space<vmem>>, vector<1x16xf32>,
    %swap3A_505 = vector.shape_cast %swap3A_504 : vector<1x16xf32> to vector<16xf32>
    %swap3A_506 = vector.shape_cast %broadcast_in_dim3A_3 : vector<16xf32> to vector<1x16xf32>
    tpu.vector_store %arg10[%swap3A_502, %swap3A_503], %swap3A_506 {strides = array<i32>} : memref<208x128xf32, #tpu.memory_space<vmem>>, vector<1x16xf32>,
    %swap3A_507 = arith.constant 202 : i32
    %swap3A_508 = arith.index_cast %swap3A_507 : i32 to index
    %swap3A_509 = arith.constant 64 : index
    %swap3A_510 = tpu.vector_load %arg10[%swap3A_508, %swap3A_509] {strides = array<i32>} : memref<208x128xf32, #tpu.memory_space<vmem>>, vector<1x16xf32>,
    %swap3A_511 = vector.shape_cast %swap3A_510 : vector<1x16xf32> to vector<16xf32>
    %swap3A_512 = vector.shape_cast %broadcast_in_dim3A_3 : vector<16xf32> to vector<1x16xf32>
    tpu.vector_store %arg10[%swap3A_508, %swap3A_509], %swap3A_512 {strides = array<i32>} : memref<208x128xf32, #tpu.memory_space<vmem>>, vector<1x16xf32>,
    %swap3A_513 = arith.constant 202 : i32
    %swap3A_514 = arith.index_cast %swap3A_513 : i32 to index
    %swap3A_515 = arith.constant 80 : index
    %swap3A_516 = tpu.vector_load %arg10[%swap3A_514, %swap3A_515] {strides = array<i32>} : memref<208x128xf32, #tpu.memory_space<vmem>>, vector<1x16xf32>,
    %swap3A_517 = vector.shape_cast %swap3A_516 : vector<1x16xf32> to vector<16xf32>
    %swap3A_518 = vector.shape_cast %broadcast_in_dim3A_3 : vector<16xf32> to vector<1x16xf32>
    tpu.vector_store %arg10[%swap3A_514, %swap3A_515], %swap3A_518 {strides = array<i32>} : memref<208x128xf32, #tpu.memory_space<vmem>>, vector<1x16xf32>,
    %swap3A_519 = arith.constant 202 : i32
    %swap3A_520 = arith.index_cast %swap3A_519 : i32 to index
    %swap3A_521 = arith.constant 96 : index
    %swap3A_522 = tpu.vector_load %arg10[%swap3A_520, %swap3A_521] {strides = array<i32>} : memref<208x128xf32, #tpu.memory_space<vmem>>, vector<1x16xf32>,
    %swap3A_523 = vector.shape_cast %swap3A_522 : vector<1x16xf32> to vector<16xf32>
    %swap3A_524 = vector.shape_cast %broadcast_in_dim3A_3 : vector<16xf32> to vector<1x16xf32>
    tpu.vector_store %arg10[%swap3A_520, %swap3A_521], %swap3A_524 {strides = array<i32>} : memref<208x128xf32, #tpu.memory_space<vmem>>, vector<1x16xf32>,
    %swap3A_525 = arith.constant 202 : i32
    %swap3A_526 = arith.index_cast %swap3A_525 : i32 to index
    %swap3A_527 = arith.constant 112 : index
    %swap3A_528 = tpu.vector_load %arg10[%swap3A_526, %swap3A_527] {strides = array<i32>} : memref<208x128xf32, #tpu.memory_space<vmem>>, vector<1x16xf32>,
    %swap3A_529 = vector.shape_cast %swap3A_528 : vector<1x16xf32> to vector<16xf32>
    %swap3A_530 = vector.shape_cast %broadcast_in_dim3A_3 : vector<16xf32> to vector<1x16xf32>
    tpu.vector_store %arg10[%swap3A_526, %swap3A_527], %swap3A_530 {strides = array<i32>} : memref<208x128xf32, #tpu.memory_space<vmem>>, vector<1x16xf32>,
    %swap3A_531 = arith.constant 203 : i32
    %swap3A_532 = arith.index_cast %swap3A_531 : i32 to index
    %swap3A_533 = arith.constant 0 : index
    %swap3A_534 = tpu.vector_load %arg10[%swap3A_532, %swap3A_533] {strides = array<i32>} : memref<208x128xf32, #tpu.memory_space<vmem>>, vector<1x16xf32>,
    %swap3A_535 = vector.shape_cast %swap3A_534 : vector<1x16xf32> to vector<16xf32>
    %swap3A_536 = vector.shape_cast %broadcast_in_dim3A_3 : vector<16xf32> to vector<1x16xf32>
    tpu.vector_store %arg10[%swap3A_532, %swap3A_533], %swap3A_536 {strides = array<i32>} : memref<208x128xf32, #tpu.memory_space<vmem>>, vector<1x16xf32>,
    %swap3A_537 = arith.constant 203 : i32
    %swap3A_538 = arith.index_cast %swap3A_537 : i32 to index
    %swap3A_539 = arith.constant 16 : index
    %swap3A_540 = tpu.vector_load %arg10[%swap3A_538, %swap3A_539] {strides = array<i32>} : memref<208x128xf32, #tpu.memory_space<vmem>>, vector<1x16xf32>,
    %swap3A_541 = vector.shape_cast %swap3A_540 : vector<1x16xf32> to vector<16xf32>
    %swap3A_542 = vector.shape_cast %broadcast_in_dim3A_3 : vector<16xf32> to vector<1x16xf32>
    tpu.vector_store %arg10[%swap3A_538, %swap3A_539], %swap3A_542 {strides = array<i32>} : memref<208x128xf32, #tpu.memory_space<vmem>>, vector<1x16xf32>,
    %swap3A_543 = arith.constant 203 : i32
    %swap3A_544 = arith.index_cast %swap3A_543 : i32 to index
    %swap3A_545 = arith.constant 32 : index
    %swap3A_546 = tpu.vector_load %arg10[%swap3A_544, %swap3A_545] {strides = array<i32>} : memref<208x128xf32, #tpu.memory_space<vmem>>, vector<1x16xf32>,
    %swap3A_547 = vector.shape_cast %swap3A_546 : vector<1x16xf32> to vector<16xf32>
    %swap3A_548 = vector.shape_cast %broadcast_in_dim3A_3 : vector<16xf32> to vector<1x16xf32>
    tpu.vector_store %arg10[%swap3A_544, %swap3A_545], %swap3A_548 {strides = array<i32>} : memref<208x128xf32, #tpu.memory_space<vmem>>, vector<1x16xf32>,
    %swap3A_549 = arith.constant 203 : i32
    %swap3A_550 = arith.index_cast %swap3A_549 : i32 to index
    %swap3A_551 = arith.constant 48 : index
    %swap3A_552 = tpu.vector_load %arg10[%swap3A_550, %swap3A_551] {strides = array<i32>} : memref<208x128xf32, #tpu.memory_space<vmem>>, vector<1x16xf32>,
    %swap3A_553 = vector.shape_cast %swap3A_552 : vector<1x16xf32> to vector<16xf32>
    %swap3A_554 = vector.shape_cast %broadcast_in_dim3A_3 : vector<16xf32> to vector<1x16xf32>
    tpu.vector_store %arg10[%swap3A_550, %swap3A_551], %swap3A_554 {strides = array<i32>} : memref<208x128xf32, #tpu.memory_space<vmem>>, vector<1x16xf32>,
    %swap3A_555 = arith.constant 203 : i32
    %swap3A_556 = arith.index_cast %swap3A_555 : i32 to index
    %swap3A_557 = arith.constant 64 : index
    %swap3A_558 = tpu.vector_load %arg10[%swap3A_556, %swap3A_557] {strides = array<i32>} : memref<208x128xf32, #tpu.memory_space<vmem>>, vector<1x16xf32>,
    %swap3A_559 = vector.shape_cast %swap3A_558 : vector<1x16xf32> to vector<16xf32>
    %swap3A_560 = vector.shape_cast %broadcast_in_dim3A_3 : vector<16xf32> to vector<1x16xf32>
    tpu.vector_store %arg10[%swap3A_556, %swap3A_557], %swap3A_560 {strides = array<i32>} : memref<208x128xf32, #tpu.memory_space<vmem>>, vector<1x16xf32>,
    %swap3A_561 = arith.constant 203 : i32
    %swap3A_562 = arith.index_cast %swap3A_561 : i32 to index
    %swap3A_563 = arith.constant 80 : index
    %swap3A_564 = tpu.vector_load %arg10[%swap3A_562, %swap3A_563] {strides = array<i32>} : memref<208x128xf32, #tpu.memory_space<vmem>>, vector<1x16xf32>,
    %swap3A_565 = vector.shape_cast %swap3A_564 : vector<1x16xf32> to vector<16xf32>
    %swap3A_566 = vector.shape_cast %broadcast_in_dim3A_3 : vector<16xf32> to vector<1x16xf32>
    tpu.vector_store %arg10[%swap3A_562, %swap3A_563], %swap3A_566 {strides = array<i32>} : memref<208x128xf32, #tpu.memory_space<vmem>>, vector<1x16xf32>,
    %swap3A_567 = arith.constant 203 : i32
    %swap3A_568 = arith.index_cast %swap3A_567 : i32 to index
    %swap3A_569 = arith.constant 96 : index
    %swap3A_570 = tpu.vector_load %arg10[%swap3A_568, %swap3A_569] {strides = array<i32>} : memref<208x128xf32, #tpu.memory_space<vmem>>, vector<1x16xf32>,
    %swap3A_571 = vector.shape_cast %swap3A_570 : vector<1x16xf32> to vector<16xf32>
    %swap3A_572 = vector.shape_cast %broadcast_in_dim3A_3 : vector<16xf32> to vector<1x16xf32>
    tpu.vector_store %arg10[%swap3A_568, %swap3A_569], %swap3A_572 {strides = array<i32>} : memref<208x128xf32, #tpu.memory_space<vmem>>, vector<1x16xf32>,
    %swap3A_573 = arith.constant 203 : i32
    %swap3A_574 = arith.index_cast %swap3A_573 : i32 to index
    %swap3A_575 = arith.constant 112 : index
    %swap3A_576 = tpu.vector_load %arg10[%swap3A_574, %swap3A_575] {strides = array<i32>} : memref<208x128xf32, #tpu.memory_space<vmem>>, vector<1x16xf32>,
    %swap3A_577 = vector.shape_cast %swap3A_576 : vector<1x16xf32> to vector<16xf32>
    %swap3A_578 = vector.shape_cast %broadcast_in_dim3A_3 : vector<16xf32> to vector<1x16xf32>
    tpu.vector_store %arg10[%swap3A_574, %swap3A_575], %swap3A_578 {strides = array<i32>} : memref<208x128xf32, #tpu.memory_space<vmem>>, vector<1x16xf32>,
    %swap3A_579 = arith.constant 204 : i32
    %swap3A_580 = arith.index_cast %swap3A_579 : i32 to index
    %swap3A_581 = arith.constant 0 : index
    %swap3A_582 = tpu.vector_load %arg10[%swap3A_580, %swap3A_581] {strides = array<i32>} : memref<208x128xf32, #tpu.memory_space<vmem>>, vector<1x16xf32>,
    %swap3A_583 = vector.shape_cast %swap3A_582 : vector<1x16xf32> to vector<16xf32>
    %swap3A_584 = vector.shape_cast %broadcast_in_dim3A_3 : vector<16xf32> to vector<1x16xf32>
    tpu.vector_store %arg10[%swap3A_580, %swap3A_581], %swap3A_584 {strides = array<i32>} : memref<208x128xf32, #tpu.memory_space<vmem>>, vector<1x16xf32>,
    %swap3A_585 = arith.constant 204 : i32
    %swap3A_586 = arith.index_cast %swap3A_585 : i32 to index
    %swap3A_587 = arith.constant 16 : index
    %swap3A_588 = tpu.vector_load %arg10[%swap3A_586, %swap3A_587] {strides = array<i32>} : memref<208x128xf32, #tpu.memory_space<vmem>>, vector<1x16xf32>,
    %swap3A_589 = vector.shape_cast %swap3A_588 : vector<1x16xf32> to vector<16xf32>
    %swap3A_590 = vector.shape_cast %broadcast_in_dim3A_3 : vector<16xf32> to vector<1x16xf32>
    tpu.vector_store %arg10[%swap3A_586, %swap3A_587], %swap3A_590 {strides = array<i32>} : memref<208x128xf32, #tpu.memory_space<vmem>>, vector<1x16xf32>,
    %swap3A_591 = arith.constant 204 : i32
    %swap3A_592 = arith.index_cast %swap3A_591 : i32 to index
    %swap3A_593 = arith.constant 32 : index
    %swap3A_594 = tpu.vector_load %arg10[%swap3A_592, %swap3A_593] {strides = array<i32>} : memref<208x128xf32, #tpu.memory_space<vmem>>, vector<1x16xf32>,
    %swap3A_595 = vector.shape_cast %swap3A_594 : vector<1x16xf32> to vector<16xf32>
    %swap3A_596 = vector.shape_cast %broadcast_in_dim3A_3 : vector<16xf32> to vector<1x16xf32>
    tpu.vector_store %arg10[%swap3A_592, %swap3A_593], %swap3A_596 {strides = array<i32>} : memref<208x128xf32, #tpu.memory_space<vmem>>, vector<1x16xf32>,
    %swap3A_597 = arith.constant 204 : i32
    %swap3A_598 = arith.index_cast %swap3A_597 : i32 to index
    %swap3A_599 = arith.constant 48 : index
    %swap3A_600 = tpu.vector_load %arg10[%swap3A_598, %swap3A_599] {strides = array<i32>} : memref<208x128xf32, #tpu.memory_space<vmem>>, vector<1x16xf32>,
    %swap3A_601 = vector.shape_cast %swap3A_600 : vector<1x16xf32> to vector<16xf32>
    %swap3A_602 = vector.shape_cast %broadcast_in_dim3A_3 : vector<16xf32> to vector<1x16xf32>
    tpu.vector_store %arg10[%swap3A_598, %swap3A_599], %swap3A_602 {strides = array<i32>} : memref<208x128xf32, #tpu.memory_space<vmem>>, vector<1x16xf32>,
    %swap3A_603 = arith.constant 204 : i32
    %swap3A_604 = arith.index_cast %swap3A_603 : i32 to index
    %swap3A_605 = arith.constant 64 : index
    %swap3A_606 = tpu.vector_load %arg10[%swap3A_604, %swap3A_605] {strides = array<i32>} : memref<208x128xf32, #tpu.memory_space<vmem>>, vector<1x16xf32>,
    %swap3A_607 = vector.shape_cast %swap3A_606 : vector<1x16xf32> to vector<16xf32>
    %swap3A_608 = vector.shape_cast %broadcast_in_dim3A_3 : vector<16xf32> to vector<1x16xf32>
    tpu.vector_store %arg10[%swap3A_604, %swap3A_605], %swap3A_608 {strides = array<i32>} : memref<208x128xf32, #tpu.memory_space<vmem>>, vector<1x16xf32>,
    %swap3A_609 = arith.constant 204 : i32
    %swap3A_610 = arith.index_cast %swap3A_609 : i32 to index
    %swap3A_611 = arith.constant 80 : index
    %swap3A_612 = tpu.vector_load %arg10[%swap3A_610, %swap3A_611] {strides = array<i32>} : memref<208x128xf32, #tpu.memory_space<vmem>>, vector<1x16xf32>,
    %swap3A_613 = vector.shape_cast %swap3A_612 : vector<1x16xf32> to vector<16xf32>
    %swap3A_614 = vector.shape_cast %broadcast_in_dim3A_3 : vector<16xf32> to vector<1x16xf32>
    tpu.vector_store %arg10[%swap3A_610, %swap3A_611], %swap3A_614 {strides = array<i32>} : memref<208x128xf32, #tpu.memory_space<vmem>>, vector<1x16xf32>,
    %swap3A_615 = arith.constant 204 : i32
    %swap3A_616 = arith.index_cast %swap3A_615 : i32 to index
    %swap3A_617 = arith.constant 96 : index
    %swap3A_618 = tpu.vector_load %arg10[%swap3A_616, %swap3A_617] {strides = array<i32>} : memref<208x128xf32, #tpu.memory_space<vmem>>, vector<1x16xf32>,
    %swap3A_619 = vector.shape_cast %swap3A_618 : vector<1x16xf32> to vector<16xf32>
    %swap3A_620 = vector.shape_cast %broadcast_in_dim3A_3 : vector<16xf32> to vector<1x16xf32>
    tpu.vector_store %arg10[%swap3A_616, %swap3A_617], %swap3A_620 {strides = array<i32>} : memref<208x128xf32, #tpu.memory_space<vmem>>, vector<1x16xf32>,
    %swap3A_621 = arith.constant 204 : i32
    %swap3A_622 = arith.index_cast %swap3A_621 : i32 to index
    %swap3A_623 = arith.constant 112 : index
    %swap3A_624 = tpu.vector_load %arg10[%swap3A_622, %swap3A_623] {strides = array<i32>} : memref<208x128xf32, #tpu.memory_space<vmem>>, vector<1x16xf32>,
    %swap3A_625 = vector.shape_cast %swap3A_624 : vector<1x16xf32> to vector<16xf32>
    %swap3A_626 = vector.shape_cast %broadcast_in_dim3A_3 : vector<16xf32> to vector<1x16xf32>
    tpu.vector_store %arg10[%swap3A_622, %swap3A_623], %swap3A_626 {strides = array<i32>} : memref<208x128xf32, #tpu.memory_space<vmem>>, vector<1x16xf32>,
    %swap3A_627 = arith.constant 205 : i32
    %swap3A_628 = arith.index_cast %swap3A_627 : i32 to index
    %swap3A_629 = arith.constant 0 : index
    %swap3A_630 = tpu.vector_load %arg10[%swap3A_628, %swap3A_629] {strides = array<i32>} : memref<208x128xf32, #tpu.memory_space<vmem>>, vector<1x16xf32>,
    %swap3A_631 = vector.shape_cast %swap3A_630 : vector<1x16xf32> to vector<16xf32>
    %swap3A_632 = vector.shape_cast %broadcast_in_dim3A_3 : vector<16xf32> to vector<1x16xf32>
    tpu.vector_store %arg10[%swap3A_628, %swap3A_629], %swap3A_632 {strides = array<i32>} : memref<208x128xf32, #tpu.memory_space<vmem>>, vector<1x16xf32>,
    %swap3A_633 = arith.constant 205 : i32
    %swap3A_634 = arith.index_cast %swap3A_633 : i32 to index
    %swap3A_635 = arith.constant 16 : index
    %swap3A_636 = tpu.vector_load %arg10[%swap3A_634, %swap3A_635] {strides = array<i32>} : memref<208x128xf32, #tpu.memory_space<vmem>>, vector<1x16xf32>,
    %swap3A_637 = vector.shape_cast %swap3A_636 : vector<1x16xf32> to vector<16xf32>
    %swap3A_638 = vector.shape_cast %broadcast_in_dim3A_3 : vector<16xf32> to vector<1x16xf32>
    tpu.vector_store %arg10[%swap3A_634, %swap3A_635], %swap3A_638 {strides = array<i32>} : memref<208x128xf32, #tpu.memory_space<vmem>>, vector<1x16xf32>,
    %swap3A_639 = arith.constant 205 : i32
    %swap3A_640 = arith.index_cast %swap3A_639 : i32 to index
    %swap3A_641 = arith.constant 32 : index
    %swap3A_642 = tpu.vector_load %arg10[%swap3A_640, %swap3A_641] {strides = array<i32>} : memref<208x128xf32, #tpu.memory_space<vmem>>, vector<1x16xf32>,
    %swap3A_643 = vector.shape_cast %swap3A_642 : vector<1x16xf32> to vector<16xf32>
    %swap3A_644 = vector.shape_cast %broadcast_in_dim3A_3 : vector<16xf32> to vector<1x16xf32>
    tpu.vector_store %arg10[%swap3A_640, %swap3A_641], %swap3A_644 {strides = array<i32>} : memref<208x128xf32, #tpu.memory_space<vmem>>, vector<1x16xf32>,
    %swap3A_645 = arith.constant 205 : i32
    %swap3A_646 = arith.index_cast %swap3A_645 : i32 to index
    %swap3A_647 = arith.constant 48 : index
    %swap3A_648 = tpu.vector_load %arg10[%swap3A_646, %swap3A_647] {strides = array<i32>} : memref<208x128xf32, #tpu.memory_space<vmem>>, vector<1x16xf32>,
    %swap3A_649 = vector.shape_cast %swap3A_648 : vector<1x16xf32> to vector<16xf32>
    %swap3A_650 = vector.shape_cast %broadcast_in_dim3A_3 : vector<16xf32> to vector<1x16xf32>
    tpu.vector_store %arg10[%swap3A_646, %swap3A_647], %swap3A_650 {strides = array<i32>} : memref<208x128xf32, #tpu.memory_space<vmem>>, vector<1x16xf32>,
    %swap3A_651 = arith.constant 205 : i32
    %swap3A_652 = arith.index_cast %swap3A_651 : i32 to index
    %swap3A_653 = arith.constant 64 : index
    %swap3A_654 = tpu.vector_load %arg10[%swap3A_652, %swap3A_653] {strides = array<i32>} : memref<208x128xf32, #tpu.memory_space<vmem>>, vector<1x16xf32>,
    %swap3A_655 = vector.shape_cast %swap3A_654 : vector<1x16xf32> to vector<16xf32>
    %swap3A_656 = vector.shape_cast %broadcast_in_dim3A_3 : vector<16xf32> to vector<1x16xf32>
    tpu.vector_store %arg10[%swap3A_652, %swap3A_653], %swap3A_656 {strides = array<i32>} : memref<208x128xf32, #tpu.memory_space<vmem>>, vector<1x16xf32>,
    %swap3A_657 = arith.constant 205 : i32
    %swap3A_658 = arith.index_cast %swap3A_657 : i32 to index
    %swap3A_659 = arith.constant 80 : index
    %swap3A_660 = tpu.vector_load %arg10[%swap3A_658, %swap3A_659] {strides = array<i32>} : memref<208x128xf32, #tpu.memory_space<vmem>>, vector<1x16xf32>,
    %swap3A_661 = vector.shape_cast %swap3A_660 : vector<1x16xf32> to vector<16xf32>
    %swap3A_662 = vector.shape_cast %broadcast_in_dim3A_3 : vector<16xf32> to vector<1x16xf32>
    tpu.vector_store %arg10[%swap3A_658, %swap3A_659], %swap3A_662 {strides = array<i32>} : memref<208x128xf32, #tpu.memory_space<vmem>>, vector<1x16xf32>,
    %swap3A_663 = arith.constant 205 : i32
    %swap3A_664 = arith.index_cast %swap3A_663 : i32 to index
    %swap3A_665 = arith.constant 96 : index
    %swap3A_666 = tpu.vector_load %arg10[%swap3A_664, %swap3A_665] {strides = array<i32>} : memref<208x128xf32, #tpu.memory_space<vmem>>, vector<1x16xf32>,
    %swap3A_667 = vector.shape_cast %swap3A_666 : vector<1x16xf32> to vector<16xf32>
    %swap3A_668 = vector.shape_cast %broadcast_in_dim3A_3 : vector<16xf32> to vector<1x16xf32>
    tpu.vector_store %arg10[%swap3A_664, %swap3A_665], %swap3A_668 {strides = array<i32>} : memref<208x128xf32, #tpu.memory_space<vmem>>, vector<1x16xf32>,
    %swap3A_669 = arith.constant 205 : i32
    %swap3A_670 = arith.index_cast %swap3A_669 : i32 to index
    %swap3A_671 = arith.constant 112 : index
    %swap3A_672 = tpu.vector_load %arg10[%swap3A_670, %swap3A_671] {strides = array<i32>} : memref<208x128xf32, #tpu.memory_space<vmem>>, vector<1x16xf32>,
    %swap3A_673 = vector.shape_cast %swap3A_672 : vector<1x16xf32> to vector<16xf32>
    %swap3A_674 = vector.shape_cast %broadcast_in_dim3A_3 : vector<16xf32> to vector<1x16xf32>
    tpu.vector_store %arg10[%swap3A_670, %swap3A_671], %swap3A_674 {strides = array<i32>} : memref<208x128xf32, #tpu.memory_space<vmem>>, vector<1x16xf32>,
    %swap3A_675 = arith.constant 206 : i32
    %swap3A_676 = arith.index_cast %swap3A_675 : i32 to index
    %swap3A_677 = arith.constant 0 : index
    %swap3A_678 = tpu.vector_load %arg10[%swap3A_676, %swap3A_677] {strides = array<i32>} : memref<208x128xf32, #tpu.memory_space<vmem>>, vector<1x16xf32>,
    %swap3A_679 = vector.shape_cast %swap3A_678 : vector<1x16xf32> to vector<16xf32>
    %swap3A_680 = vector.shape_cast %broadcast_in_dim3A_3 : vector<16xf32> to vector<1x16xf32>
    tpu.vector_store %arg10[%swap3A_676, %swap3A_677], %swap3A_680 {strides = array<i32>} : memref<208x128xf32, #tpu.memory_space<vmem>>, vector<1x16xf32>,
    %swap3A_681 = arith.constant 206 : i32
    %swap3A_682 = arith.index_cast %swap3A_681 : i32 to index
    %swap3A_683 = arith.constant 16 : index
    %swap3A_684 = tpu.vector_load %arg10[%swap3A_682, %swap3A_683] {strides = array<i32>} : memref<208x128xf32, #tpu.memory_space<vmem>>, vector<1x16xf32>,
    %swap3A_685 = vector.shape_cast %swap3A_684 : vector<1x16xf32> to vector<16xf32>
    %swap3A_686 = vector.shape_cast %broadcast_in_dim3A_3 : vector<16xf32> to vector<1x16xf32>
    tpu.vector_store %arg10[%swap3A_682, %swap3A_683], %swap3A_686 {strides = array<i32>} : memref<208x128xf32, #tpu.memory_space<vmem>>, vector<1x16xf32>,
    %swap3A_687 = arith.constant 206 : i32
    %swap3A_688 = arith.index_cast %swap3A_687 : i32 to index
    %swap3A_689 = arith.constant 32 : index
    %swap3A_690 = tpu.vector_load %arg10[%swap3A_688, %swap3A_689] {strides = array<i32>} : memref<208x128xf32, #tpu.memory_space<vmem>>, vector<1x16xf32>,
    %swap3A_691 = vector.shape_cast %swap3A_690 : vector<1x16xf32> to vector<16xf32>
    %swap3A_692 = vector.shape_cast %broadcast_in_dim3A_3 : vector<16xf32> to vector<1x16xf32>
    tpu.vector_store %arg10[%swap3A_688, %swap3A_689], %swap3A_692 {strides = array<i32>} : memref<208x128xf32, #tpu.memory_space<vmem>>, vector<1x16xf32>,
    %swap3A_693 = arith.constant 206 : i32
    %swap3A_694 = arith.index_cast %swap3A_693 : i32 to index
    %swap3A_695 = arith.constant 48 : index
    %swap3A_696 = tpu.vector_load %arg10[%swap3A_694, %swap3A_695] {strides = array<i32>} : memref<208x128xf32, #tpu.memory_space<vmem>>, vector<1x16xf32>,
    %swap3A_697 = vector.shape_cast %swap3A_696 : vector<1x16xf32> to vector<16xf32>
    %swap3A_698 = vector.shape_cast %broadcast_in_dim3A_3 : vector<16xf32> to vector<1x16xf32>
    tpu.vector_store %arg10[%swap3A_694, %swap3A_695], %swap3A_698 {strides = array<i32>} : memref<208x128xf32, #tpu.memory_space<vmem>>, vector<1x16xf32>,
    %swap3A_699 = arith.constant 206 : i32
    %swap3A_700 = arith.index_cast %swap3A_699 : i32 to index
    %swap3A_701 = arith.constant 64 : index
    %swap3A_702 = tpu.vector_load %arg10[%swap3A_700, %swap3A_701] {strides = array<i32>} : memref<208x128xf32, #tpu.memory_space<vmem>>, vector<1x16xf32>,
    %swap3A_703 = vector.shape_cast %swap3A_702 : vector<1x16xf32> to vector<16xf32>
    %swap3A_704 = vector.shape_cast %broadcast_in_dim3A_3 : vector<16xf32> to vector<1x16xf32>
    tpu.vector_store %arg10[%swap3A_700, %swap3A_701], %swap3A_704 {strides = array<i32>} : memref<208x128xf32, #tpu.memory_space<vmem>>, vector<1x16xf32>,
    %swap3A_705 = arith.constant 206 : i32
    %swap3A_706 = arith.index_cast %swap3A_705 : i32 to index
    %swap3A_707 = arith.constant 80 : index
    %swap3A_708 = tpu.vector_load %arg10[%swap3A_706, %swap3A_707] {strides = array<i32>} : memref<208x128xf32, #tpu.memory_space<vmem>>, vector<1x16xf32>,
    %swap3A_709 = vector.shape_cast %swap3A_708 : vector<1x16xf32> to vector<16xf32>
    %swap3A_710 = vector.shape_cast %broadcast_in_dim3A_3 : vector<16xf32> to vector<1x16xf32>
    tpu.vector_store %arg10[%swap3A_706, %swap3A_707], %swap3A_710 {strides = array<i32>} : memref<208x128xf32, #tpu.memory_space<vmem>>, vector<1x16xf32>,
    %swap3A_711 = arith.constant 206 : i32
    %swap3A_712 = arith.index_cast %swap3A_711 : i32 to index
    %swap3A_713 = arith.constant 96 : index
    %swap3A_714 = tpu.vector_load %arg10[%swap3A_712, %swap3A_713] {strides = array<i32>} : memref<208x128xf32, #tpu.memory_space<vmem>>, vector<1x16xf32>,
    %swap3A_715 = vector.shape_cast %swap3A_714 : vector<1x16xf32> to vector<16xf32>
    %swap3A_716 = vector.shape_cast %broadcast_in_dim3A_3 : vector<16xf32> to vector<1x16xf32>
    tpu.vector_store %arg10[%swap3A_712, %swap3A_713], %swap3A_716 {strides = array<i32>} : memref<208x128xf32, #tpu.memory_space<vmem>>, vector<1x16xf32>,
    %swap3A_717 = arith.constant 206 : i32
    %swap3A_718 = arith.index_cast %swap3A_717 : i32 to index
    %swap3A_719 = arith.constant 112 : index
    %swap3A_720 = tpu.vector_load %arg10[%swap3A_718, %swap3A_719] {strides = array<i32>} : memref<208x128xf32, #tpu.memory_space<vmem>>, vector<1x16xf32>,
    %swap3A_721 = vector.shape_cast %swap3A_720 : vector<1x16xf32> to vector<16xf32>
    %swap3A_722 = vector.shape_cast %broadcast_in_dim3A_3 : vector<16xf32> to vector<1x16xf32>
    tpu.vector_store %arg10[%swap3A_718, %swap3A_719], %swap3A_722 {strides = array<i32>} : memref<208x128xf32, #tpu.memory_space<vmem>>, vector<1x16xf32>,
    %swap3A_723 = arith.constant 207 : i32
    %swap3A_724 = arith.index_cast %swap3A_723 : i32 to index
    %swap3A_725 = arith.constant 0 : index
    %swap3A_726 = tpu.vector_load %arg10[%swap3A_724, %swap3A_725] {strides = array<i32>} : memref<208x128xf32, #tpu.memory_space<vmem>>, vector<1x16xf32>,
    %swap3A_727 = vector.shape_cast %swap3A_726 : vector<1x16xf32> to vector<16xf32>
    %swap3A_728 = vector.shape_cast %broadcast_in_dim3A_3 : vector<16xf32> to vector<1x16xf32>
    tpu.vector_store %arg10[%swap3A_724, %swap3A_725], %swap3A_728 {strides = array<i32>} : memref<208x128xf32, #tpu.memory_space<vmem>>, vector<1x16xf32>,
    %swap3A_729 = arith.constant 207 : i32
    %swap3A_730 = arith.index_cast %swap3A_729 : i32 to index
    %swap3A_731 = arith.constant 16 : index
    %swap3A_732 = tpu.vector_load %arg10[%swap3A_730, %swap3A_731] {strides = array<i32>} : memref<208x128xf32, #tpu.memory_space<vmem>>, vector<1x16xf32>,
    %swap3A_733 = vector.shape_cast %swap3A_732 : vector<1x16xf32> to vector<16xf32>
    %swap3A_734 = vector.shape_cast %broadcast_in_dim3A_3 : vector<16xf32> to vector<1x16xf32>
    tpu.vector_store %arg10[%swap3A_730, %swap3A_731], %swap3A_734 {strides = array<i32>} : memref<208x128xf32, #tpu.memory_space<vmem>>, vector<1x16xf32>,
    %swap3A_735 = arith.constant 207 : i32
    %swap3A_736 = arith.index_cast %swap3A_735 : i32 to index
    %swap3A_737 = arith.constant 32 : index
    %swap3A_738 = tpu.vector_load %arg10[%swap3A_736, %swap3A_737] {strides = array<i32>} : memref<208x128xf32, #tpu.memory_space<vmem>>, vector<1x16xf32>,
    %swap3A_739 = vector.shape_cast %swap3A_738 : vector<1x16xf32> to vector<16xf32>
    %swap3A_740 = vector.shape_cast %broadcast_in_dim3A_3 : vector<16xf32> to vector<1x16xf32>
    tpu.vector_store %arg10[%swap3A_736, %swap3A_737], %swap3A_740 {strides = array<i32>} : memref<208x128xf32, #tpu.memory_space<vmem>>, vector<1x16xf32>,
    %swap3A_741 = arith.constant 207 : i32
    %swap3A_742 = arith.index_cast %swap3A_741 : i32 to index
    %swap3A_743 = arith.constant 48 : index
    %swap3A_744 = tpu.vector_load %arg10[%swap3A_742, %swap3A_743] {strides = array<i32>} : memref<208x128xf32, #tpu.memory_space<vmem>>, vector<1x16xf32>,
    %swap3A_745 = vector.shape_cast %swap3A_744 : vector<1x16xf32> to vector<16xf32>
    %swap3A_746 = vector.shape_cast %broadcast_in_dim3A_3 : vector<16xf32> to vector<1x16xf32>
    tpu.vector_store %arg10[%swap3A_742, %swap3A_743], %swap3A_746 {strides = array<i32>} : memref<208x128xf32, #tpu.memory_space<vmem>>, vector<1x16xf32>,
    %swap3A_747 = arith.constant 207 : i32
    %swap3A_748 = arith.index_cast %swap3A_747 : i32 to index
    %swap3A_749 = arith.constant 64 : index
    %swap3A_750 = tpu.vector_load %arg10[%swap3A_748, %swap3A_749] {strides = array<i32>} : memref<208x128xf32, #tpu.memory_space<vmem>>, vector<1x16xf32>,
    %swap3A_751 = vector.shape_cast %swap3A_750 : vector<1x16xf32> to vector<16xf32>
    %swap3A_752 = vector.shape_cast %broadcast_in_dim3A_3 : vector<16xf32> to vector<1x16xf32>
    tpu.vector_store %arg10[%swap3A_748, %swap3A_749], %swap3A_752 {strides = array<i32>} : memref<208x128xf32, #tpu.memory_space<vmem>>, vector<1x16xf32>,
    %swap3A_753 = arith.constant 207 : i32
    %swap3A_754 = arith.index_cast %swap3A_753 : i32 to index
    %swap3A_755 = arith.constant 80 : index
    %swap3A_756 = tpu.vector_load %arg10[%swap3A_754, %swap3A_755] {strides = array<i32>} : memref<208x128xf32, #tpu.memory_space<vmem>>, vector<1x16xf32>,
    %swap3A_757 = vector.shape_cast %swap3A_756 : vector<1x16xf32> to vector<16xf32>
    %swap3A_758 = vector.shape_cast %broadcast_in_dim3A_3 : vector<16xf32> to vector<1x16xf32>
    tpu.vector_store %arg10[%swap3A_754, %swap3A_755], %swap3A_758 {strides = array<i32>} : memref<208x128xf32, #tpu.memory_space<vmem>>, vector<1x16xf32>,
    %swap3A_759 = arith.constant 207 : i32
    %swap3A_760 = arith.index_cast %swap3A_759 : i32 to index
    %swap3A_761 = arith.constant 96 : index
    %swap3A_762 = tpu.vector_load %arg10[%swap3A_760, %swap3A_761] {strides = array<i32>} : memref<208x128xf32, #tpu.memory_space<vmem>>, vector<1x16xf32>,
    %swap3A_763 = vector.shape_cast %swap3A_762 : vector<1x16xf32> to vector<16xf32>
    %swap3A_764 = vector.shape_cast %broadcast_in_dim3A_3 : vector<16xf32> to vector<1x16xf32>
    tpu.vector_store %arg10[%swap3A_760, %swap3A_761], %swap3A_764 {strides = array<i32>} : memref<208x128xf32, #tpu.memory_space<vmem>>, vector<1x16xf32>,
    %swap3A_765 = arith.constant 207 : i32
    %swap3A_766 = arith.index_cast %swap3A_765 : i32 to index
    %swap3A_767 = arith.constant 112 : index
    %swap3A_768 = tpu.vector_load %arg10[%swap3A_766, %swap3A_767] {strides = array<i32>} : memref<208x128xf32, #tpu.memory_space<vmem>>, vector<1x16xf32>,
    %swap3A_769 = vector.shape_cast %swap3A_768 : vector<1x16xf32> to vector<16xf32>
    %swap3A_770 = vector.shape_cast %broadcast_in_dim3A_3 : vector<16xf32> to vector<1x16xf32>
    tpu.vector_store %arg10[%swap3A_766, %swap3A_767], %swap3A_770 {strides = array<i32>} : memref<208x128xf32, #tpu.memory_space<vmem>>, vector<1x16xf32>,
    %broadcast_in_dim3A_771 = arith.constant 0 : i32
    %broadcast_in_dim3A_772 = vector.broadcast %broadcast_in_dim3A_771 : i32 to vector<16xi32>
    %scan3A = arith.constant 0 : i32
    %scan3A_773 = arith.constant 0 : i32
    %scan3A_774 = arith.constant 128 : i32
    %scan3A_775 = arith.addi %scan3A_773, %scan3A_774 : i32
    %scan3A_776 = arith.constant 1 : i32
    scf.for %scan3A_874 = %scan3A_773 to %scan3A_775 step %scan3A_776  : i32 {
      %swap3A_875 = arith.index_cast %scan3A_874 : i32 to index
      %swap3A_876 = arith.constant 192 : index
      %swap3A_877 = tpu.vector_load %arg6[%swap3A_875, %swap3A_876] {strides = array<i32>} : memref<128x208xi32, #tpu.memory_space<vmem>>, vector<1x16xi32>,
      %swap3A_878 = vector.shape_cast %swap3A_877 : vector<1x16xi32> to vector<16xi32>
      %swap3A_879 = vector.shape_cast %broadcast_in_dim3A_772 : vector<16xi32> to vector<1x16xi32>
      tpu.vector_store %arg6[%swap3A_875, %swap3A_876], %swap3A_879 {strides = array<i32>} : memref<128x208xi32, #tpu.memory_space<vmem>>, vector<1x16xi32>,
    }
    %scan3A_777 = arith.constant 128 : i32
    %dma_start3A = arith.constant 0 : i32
    %dma_start3A_778 = arith.constant 0 : i32
    %dma_start3A_779 = tpu.memref_slice %arg6[%dma_start3A, %dma_start3A_778] : memref<128x208xi32, #tpu.memory_space<vmem>> -> memref<128x200xi32, #tpu.memory_space<vmem>>
    %dma_start3A_780 = arith.constant 0 : i32
    %dma_start3A_781 = tpu.memref_slice %arg2[%mul3A_2, %dma_start3A_780] : memref<4096x200xi32, #tpu.memory_space<hbm>> -> memref<128x200xi32, #tpu.memory_space<hbm>>
    %dma_start3A_782 = arith.constant 0 : i32
    %dma_start3A_783 = arith.constant 0 : i32
    %dma_start3A_784 = tpu.memref_slice %arg6[%dma_start3A_782, %dma_start3A_783] : memref<128x208xi32, #tpu.memory_space<vmem>> -> memref<128x200xi32, #tpu.memory_space<vmem>>
    %dma_start3A_785 = arith.constant 0 : i32
    %dma_start3A_786 = tpu.memref_slice %arg2[%mul3A_2, %dma_start3A_785] : memref<4096x200xi32, #tpu.memory_space<hbm>> -> memref<128x200xi32, #tpu.memory_space<hbm>>
    tpu.enqueue_dma source(%dma_start3A_786 : memref<128x200xi32, #tpu.memory_space<hbm>>) target(%dma_start3A_784 : memref<128x200xi32, #tpu.memory_space<vmem>>) target_semaphore(%arg12 : memref<!tpu.dma_semaphore, #tpu.memory_space<semaphore_mem>>)
    %dma_wait3A = arith.constant 0 : i32
    %dma_wait3A_787 = arith.constant 0 : i32
    %dma_wait3A_788 = tpu.memref_slice %arg6[%dma_wait3A, %dma_wait3A_787] : memref<128x208xi32, #tpu.memory_space<vmem>> -> memref<128x200xi32, #tpu.memory_space<vmem>>
    %dma_wait3A_789 = arith.constant 0 : i32
    %dma_wait3A_790 = tpu.memref_slice %arg2[%mul3A_2, %dma_wait3A_789] : memref<4096x200xi32, #tpu.memory_space<hbm>> -> memref<128x200xi32, #tpu.memory_space<hbm>>
    %dma_wait3A_791 = arith.constant 0 : i32
    %dma_wait3A_792 = arith.constant 0 : i32
    %dma_wait3A_793 = tpu.memref_slice %arg6[%dma_wait3A_791, %dma_wait3A_792] : memref<128x208xi32, #tpu.memory_space<vmem>> -> memref<128x200xi32, #tpu.memory_space<vmem>>
    %dma_wait3A_794 = arith.constant 0 : i32
    %dma_wait3A_795 = tpu.memref_slice %arg2[%mul3A_2, %dma_wait3A_794] : memref<4096x200xi32, #tpu.memory_space<hbm>> -> memref<128x200xi32, #tpu.memory_space<hbm>>
    tpu.wait_dma2 semaphore(%arg12 : memref<!tpu.dma_semaphore, #tpu.memory_space<semaphore_mem>>) src(%dma_wait3A_795 : memref<128x200xi32, #tpu.memory_space<hbm>>) dst(%dma_wait3A_793 : memref<128x200xi32, #tpu.memory_space<vmem>>)
    %dma_start3A_796 = arith.constant 0 : i32
    %dma_start3A_797 = arith.constant 0 : i32
    %dma_start3A_798 = arith.constant 0 : i32
    %dma_start3A_799 = tpu.memref_slice %arg9[%dma_start3A_797, %dma_start3A_798] : memref<208x128xf32, #tpu.memory_space<vmem>> -> memref<112x128xf32, #tpu.memory_space<vmem>>
    %dma_start3A_800 = arith.constant 0 : i32
    %dma_start3A_801 = tpu.memref_slice %arg6[%dma_start3A_796, %dma_start3A_800] : memref<128x208xi32, #tpu.memory_space<vmem>> -> memref<1x112xi32, #tpu.memory_space<vmem>>
    %dma_start3A_802 = tpu.memref_squeeze %dma_start3A_801 : memref<1x112xi32, #tpu.memory_space<vmem>> -> memref<112xi32, #tpu.memory_space<vmem>>
    %dma_start3A_803 = arith.constant 0 : i32
    %dma_start3A_804 = arith.constant 0 : i32
    %dma_start3A_805 = tpu.memref_slice %arg4[%dma_start3A_803, %dma_start3A_804] : memref<1015808x128xf32, #tpu.memory_space<hbm>> -> memref<1015808x128xf32, #tpu.memory_space<hbm>>
    tpu.enqueue_indirect_dma source(%dma_start3A_805 : memref<1015808x128xf32, #tpu.memory_space<hbm>>) target(%dma_start3A_799 : memref<112x128xf32, #tpu.memory_space<vmem>>) offsets(%dma_start3A_802 : memref<112xi32, #tpu.memory_space<vmem>>) semaphore(%arg13 : memref<!tpu.dma_semaphore, #tpu.memory_space<semaphore_mem>>)
    %dma_start3A_806 = arith.constant 0 : i32
    %dma_start3A_807 = arith.constant 112 : i32
    %dma_start3A_808 = arith.constant 0 : i32
    %dma_start3A_809 = tpu.memref_slice %arg9[%dma_start3A_807, %dma_start3A_808] : memref<208x128xf32, #tpu.memory_space<vmem>> -> memref<88x128xf32, #tpu.memory_space<vmem>>
    %dma_start3A_810 = arith.constant 112 : i32
    %dma_start3A_811 = tpu.memref_slice %arg6[%dma_start3A_806, %dma_start3A_810] : memref<128x208xi32, #tpu.memory_space<vmem>> -> memref<1x88xi32, #tpu.memory_space<vmem>>
    %dma_start3A_812 = tpu.memref_squeeze %dma_start3A_811 : memref<1x88xi32, #tpu.memory_space<vmem>> -> memref<88xi32, #tpu.memory_space<vmem>>
    %dma_start3A_813 = arith.constant 0 : i32
    %dma_start3A_814 = arith.constant 0 : i32
    %dma_start3A_815 = tpu.memref_slice %arg4[%dma_start3A_813, %dma_start3A_814] : memref<1015808x128xf32, #tpu.memory_space<hbm>> -> memref<1015808x128xf32, #tpu.memory_space<hbm>>
    tpu.enqueue_indirect_dma source(%dma_start3A_815 : memref<1015808x128xf32, #tpu.memory_space<hbm>>) target(%dma_start3A_809 : memref<88x128xf32, #tpu.memory_space<vmem>>) offsets(%dma_start3A_812 : memref<88xi32, #tpu.memory_space<vmem>>) semaphore(%arg13 : memref<!tpu.dma_semaphore, #tpu.memory_space<semaphore_mem>>)
    %dma_start3A_816 = arith.constant 0 : i32
    %dma_start3A_817 = arith.constant 0 : i32
    %dma_start3A_818 = tpu.memref_slice %arg7[%dma_start3A_817] : memref<208xf32, #tpu.memory_space<vmem>> -> memref<112xf32, #tpu.memory_space<vmem>>
    %dma_start3A_819 = arith.constant 0 : i32
    %dma_start3A_820 = tpu.memref_slice %arg6[%dma_start3A_816, %dma_start3A_819] : memref<128x208xi32, #tpu.memory_space<vmem>> -> memref<1x112xi32, #tpu.memory_space<vmem>>
    %dma_start3A_821 = tpu.memref_squeeze %dma_start3A_820 : memref<1x112xi32, #tpu.memory_space<vmem>> -> memref<112xi32, #tpu.memory_space<vmem>>
    %dma_start3A_822 = arith.constant 0 : i32
    %dma_start3A_823 = tpu.memref_slice %arg3[%dma_start3A_822] : memref<1015808xf32, #tpu.memory_space<hbm>> -> memref<1015808xf32, #tpu.memory_space<hbm>>
    tpu.enqueue_indirect_dma source(%dma_start3A_823 : memref<1015808xf32, #tpu.memory_space<hbm>>) target(%dma_start3A_818 : memref<112xf32, #tpu.memory_space<vmem>>) offsets(%dma_start3A_821 : memref<112xi32, #tpu.memory_space<vmem>>) semaphore(%arg13 : memref<!tpu.dma_semaphore, #tpu.memory_space<semaphore_mem>>)
    %dma_start3A_824 = arith.constant 0 : i32
    %dma_start3A_825 = arith.constant 112 : i32
    %dma_start3A_826 = tpu.memref_slice %arg7[%dma_start3A_825] : memref<208xf32, #tpu.memory_space<vmem>> -> memref<88xf32, #tpu.memory_space<vmem>>
    %dma_start3A_827 = arith.constant 112 : i32
    %dma_start3A_828 = tpu.memref_slice %arg6[%dma_start3A_824, %dma_start3A_827] : memref<128x208xi32, #tpu.memory_space<vmem>> -> memref<1x88xi32, #tpu.memory_space<vmem>>
    %dma_start3A_829 = tpu.memref_squeeze %dma_start3A_828 : memref<1x88xi32, #tpu.memory_space<vmem>> -> memref<88xi32, #tpu.memory_space<vmem>>
    %dma_start3A_830 = arith.constant 0 : i32
    %dma_start3A_831 = tpu.memref_slice %arg3[%dma_start3A_830] : memref<1015808xf32, #tpu.memory_space<hbm>> -> memref<1015808xf32, #tpu.memory_space<hbm>>
    tpu.enqueue_indirect_dma source(%dma_start3A_831 : memref<1015808xf32, #tpu.memory_space<hbm>>) target(%dma_start3A_826 : memref<88xf32, #tpu.memory_space<vmem>>) offsets(%dma_start3A_829 : memref<88xi32, #tpu.memory_space<vmem>>) semaphore(%arg13 : memref<!tpu.dma_semaphore, #tpu.memory_space<semaphore_mem>>)
    %dma_start3A_832 = arith.constant 1 : i32
    %dma_start3A_833 = arith.constant 0 : i32
    %dma_start3A_834 = arith.constant 0 : i32
    %dma_start3A_835 = tpu.memref_slice %arg10[%dma_start3A_833, %dma_start3A_834] : memref<208x128xf32, #tpu.memory_space<vmem>> -> memref<112x128xf32, #tpu.memory_space<vmem>>
    %dma_start3A_836 = arith.constant 0 : i32
    %dma_start3A_837 = tpu.memref_slice %arg6[%dma_start3A_832, %dma_start3A_836] : memref<128x208xi32, #tpu.memory_space<vmem>> -> memref<1x112xi32, #tpu.memory_space<vmem>>
    %dma_start3A_838 = tpu.memref_squeeze %dma_start3A_837 : memref<1x112xi32, #tpu.memory_space<vmem>> -> memref<112xi32, #tpu.memory_space<vmem>>
    %dma_start3A_839 = arith.constant 0 : i32
    %dma_start3A_840 = arith.constant 0 : i32
    %dma_start3A_841 = tpu.memref_slice %arg4[%dma_start3A_839, %dma_start3A_840] : memref<1015808x128xf32, #tpu.memory_space<hbm>> -> memref<1015808x128xf32, #tpu.memory_space<hbm>>
    tpu.enqueue_indirect_dma source(%dma_start3A_841 : memref<1015808x128xf32, #tpu.memory_space<hbm>>) target(%dma_start3A_835 : memref<112x128xf32, #tpu.memory_space<vmem>>) offsets(%dma_start3A_838 : memref<112xi32, #tpu.memory_space<vmem>>) semaphore(%arg14 : memref<!tpu.dma_semaphore, #tpu.memory_space<semaphore_mem>>)
    %dma_start3A_842 = arith.constant 1 : i32
    %dma_start3A_843 = arith.constant 112 : i32
    %dma_start3A_844 = arith.constant 0 : i32
    %dma_start3A_845 = tpu.memref_slice %arg10[%dma_start3A_843, %dma_start3A_844] : memref<208x128xf32, #tpu.memory_space<vmem>> -> memref<88x128xf32, #tpu.memory_space<vmem>>
    %dma_start3A_846 = arith.constant 112 : i32
    %dma_start3A_847 = tpu.memref_slice %arg6[%dma_start3A_842, %dma_start3A_846] : memref<128x208xi32, #tpu.memory_space<vmem>> -> memref<1x88xi32, #tpu.memory_space<vmem>>
    %dma_start3A_848 = tpu.memref_squeeze %dma_start3A_847 : memref<1x88xi32, #tpu.memory_space<vmem>> -> memref<88xi32, #tpu.memory_space<vmem>>
    %dma_start3A_849 = arith.constant 0 : i32
    %dma_start3A_850 = arith.constant 0 : i32
    %dma_start3A_851 = tpu.memref_slice %arg4[%dma_start3A_849, %dma_start3A_850] : memref<1015808x128xf32, #tpu.memory_space<hbm>> -> memref<1015808x128xf32, #tpu.memory_space<hbm>>
    tpu.enqueue_indirect_dma source(%dma_start3A_851 : memref<1015808x128xf32, #tpu.memory_space<hbm>>) target(%dma_start3A_845 : memref<88x128xf32, #tpu.memory_space<vmem>>) offsets(%dma_start3A_848 : memref<88xi32, #tpu.memory_space<vmem>>) semaphore(%arg14 : memref<!tpu.dma_semaphore, #tpu.memory_space<semaphore_mem>>)
    %dma_start3A_852 = arith.constant 1 : i32
    %dma_start3A_853 = arith.constant 0 : i32
    %dma_start3A_854 = tpu.memref_slice %arg8[%dma_start3A_853] : memref<208xf32, #tpu.memory_space<vmem>> -> memref<112xf32, #tpu.memory_space<vmem>>
    %dma_start3A_855 = arith.constant 0 : i32
    %dma_start3A_856 = tpu.memref_slice %arg6[%dma_start3A_852, %dma_start3A_855] : memref<128x208xi32, #tpu.memory_space<vmem>> -> memref<1x112xi32, #tpu.memory_space<vmem>>
    %dma_start3A_857 = tpu.memref_squeeze %dma_start3A_856 : memref<1x112xi32, #tpu.memory_space<vmem>> -> memref<112xi32, #tpu.memory_space<vmem>>
    %dma_start3A_858 = arith.constant 0 : i32
    %dma_start3A_859 = tpu.memref_slice %arg3[%dma_start3A_858] : memref<1015808xf32, #tpu.memory_space<hbm>> -> memref<1015808xf32, #tpu.memory_space<hbm>>
    tpu.enqueue_indirect_dma source(%dma_start3A_859 : memref<1015808xf32, #tpu.memory_space<hbm>>) target(%dma_start3A_854 : memref<112xf32, #tpu.memory_space<vmem>>) offsets(%dma_start3A_857 : memref<112xi32, #tpu.memory_space<vmem>>) semaphore(%arg14 : memref<!tpu.dma_semaphore, #tpu.memory_space<semaphore_mem>>)
    %dma_start3A_860 = arith.constant 1 : i32
    %dma_start3A_861 = arith.constant 112 : i32
    %dma_start3A_862 = tpu.memref_slice %arg8[%dma_start3A_861] : memref<208xf32, #tpu.memory_space<vmem>> -> memref<88xf32, #tpu.memory_space<vmem>>
    %dma_start3A_863 = arith.constant 112 : i32
    %dma_start3A_864 = tpu.memref_slice %arg6[%dma_start3A_860, %dma_start3A_863] : memref<128x208xi32, #tpu.memory_space<vmem>> -> memref<1x88xi32, #tpu.memory_space<vmem>>
    %dma_start3A_865 = tpu.memref_squeeze %dma_start3A_864 : memref<1x88xi32, #tpu.memory_space<vmem>> -> memref<88xi32, #tpu.memory_space<vmem>>
    %dma_start3A_866 = arith.constant 0 : i32
    %dma_start3A_867 = tpu.memref_slice %arg3[%dma_start3A_866] : memref<1015808xf32, #tpu.memory_space<hbm>> -> memref<1015808xf32, #tpu.memory_space<hbm>>
    tpu.enqueue_indirect_dma source(%dma_start3A_867 : memref<1015808xf32, #tpu.memory_space<hbm>>) target(%dma_start3A_862 : memref<88xf32, #tpu.memory_space<vmem>>) offsets(%dma_start3A_865 : memref<88xi32, #tpu.memory_space<vmem>>) semaphore(%arg14 : memref<!tpu.dma_semaphore, #tpu.memory_space<semaphore_mem>>)
    %scan3A_868 = arith.constant 0 : i32
    %scan3A_869 = arith.constant 0 : i32
    %scan3A_870 = arith.constant 64 : i32
    %scan3A_871 = arith.addi %scan3A_869, %scan3A_870 : i32
    %scan3A_872 = arith.constant 1 : i32
    scf.for %scan3A_874 = %scan3A_869 to %scan3A_871 step %scan3A_872  : i32 {
      %mul3A_875 = arith.constant 2 : i32
      %mul3A_876 = arith.muli %scan3A_874, %mul3A_875 : i32
      %add3A_877 = arith.constant 0 : i32
      %add3A_878 = arith.addi %mul3A_876, %add3A_877 : i32
      %dma_wait3A_879 = arith.constant 0 : i32
      %dma_wait3A_880 = arith.constant 0 : i32
      %dma_wait3A_881 = tpu.memref_slice %arg9[%dma_wait3A_879, %dma_wait3A_880] : memref<208x128xf32, #tpu.memory_space<vmem>> -> memref<112x128xf32, #tpu.memory_space<vmem>>
      %dma_wait3A_882 = arith.constant 0 : i32
      %dma_wait3A_883 = tpu.memref_slice %arg6[%add3A_878, %dma_wait3A_882] : memref<128x208xi32, #tpu.memory_space<vmem>> -> memref<1x112xi32, #tpu.memory_space<vmem>>
      %dma_wait3A_884 = tpu.memref_squeeze %dma_wait3A_883 : memref<1x112xi32, #tpu.memory_space<vmem>> -> memref<112xi32, #tpu.memory_space<vmem>>
      %dma_wait3A_885 = arith.constant 0 : i32
      %dma_wait3A_886 = arith.constant 0 : i32
      %dma_wait3A_887 = tpu.memref_slice %arg4[%dma_wait3A_885, %dma_wait3A_886] : memref<1015808x128xf32, #tpu.memory_space<hbm>> -> memref<1015808x128xf32, #tpu.memory_space<hbm>>
      tpu.wait_indirect_dma semaphore(%arg13 : memref<!tpu.dma_semaphore, #tpu.memory_space<semaphore_mem>>) src(%dma_wait3A_887 : memref<1015808x128xf32, #tpu.memory_space<hbm>>) dst(%dma_wait3A_881 : memref<112x128xf32, #tpu.memory_space<vmem>>)
      %dma_wait3A_888 = arith.constant 112 : i32
      %dma_wait3A_889 = arith.constant 0 : i32
      %dma_wait3A_890 = tpu.memref_slice %arg9[%dma_wait3A_888, %dma_wait3A_889] : memref<208x128xf32, #tpu.memory_space<vmem>> -> memref<88x128xf32, #tpu.memory_space<vmem>>
      %dma_wait3A_891 = arith.constant 112 : i32
      %dma_wait3A_892 = tpu.memref_slice %arg6[%add3A_878, %dma_wait3A_891] : memref<128x208xi32, #tpu.memory_space<vmem>> -> memref<1x88xi32, #tpu.memory_space<vmem>>
      %dma_wait3A_893 = tpu.memref_squeeze %dma_wait3A_892 : memref<1x88xi32, #tpu.memory_space<vmem>> -> memref<88xi32, #tpu.memory_space<vmem>>
      %dma_wait3A_894 = arith.constant 0 : i32
      %dma_wait3A_895 = arith.constant 0 : i32
      %dma_wait3A_896 = tpu.memref_slice %arg4[%dma_wait3A_894, %dma_wait3A_895] : memref<1015808x128xf32, #tpu.memory_space<hbm>> -> memref<1015808x128xf32, #tpu.memory_space<hbm>>
      tpu.wait_indirect_dma semaphore(%arg13 : memref<!tpu.dma_semaphore, #tpu.memory_space<semaphore_mem>>) src(%dma_wait3A_896 : memref<1015808x128xf32, #tpu.memory_space<hbm>>) dst(%dma_wait3A_890 : memref<88x128xf32, #tpu.memory_space<vmem>>)
      %dma_wait3A_897 = arith.constant 0 : i32
      %dma_wait3A_898 = tpu.memref_slice %arg7[%dma_wait3A_897] : memref<208xf32, #tpu.memory_space<vmem>> -> memref<112xf32, #tpu.memory_space<vmem>>
      %dma_wait3A_899 = arith.constant 0 : i32
      %dma_wait3A_900 = tpu.memref_slice %arg6[%add3A_878, %dma_wait3A_899] : memref<128x208xi32, #tpu.memory_space<vmem>> -> memref<1x112xi32, #tpu.memory_space<vmem>>
      %dma_wait3A_901 = tpu.memref_squeeze %dma_wait3A_900 : memref<1x112xi32, #tpu.memory_space<vmem>> -> memref<112xi32, #tpu.memory_space<vmem>>
      %dma_wait3A_902 = arith.constant 0 : i32
      %dma_wait3A_903 = tpu.memref_slice %arg3[%dma_wait3A_902] : memref<1015808xf32, #tpu.memory_space<hbm>> -> memref<1015808xf32, #tpu.memory_space<hbm>>
      tpu.wait_indirect_dma semaphore(%arg13 : memref<!tpu.dma_semaphore, #tpu.memory_space<semaphore_mem>>) src(%dma_wait3A_903 : memref<1015808xf32, #tpu.memory_space<hbm>>) dst(%dma_wait3A_898 : memref<112xf32, #tpu.memory_space<vmem>>)
      %dma_wait3A_904 = arith.constant 112 : i32
      %dma_wait3A_905 = tpu.memref_slice %arg7[%dma_wait3A_904] : memref<208xf32, #tpu.memory_space<vmem>> -> memref<88xf32, #tpu.memory_space<vmem>>
      %dma_wait3A_906 = arith.constant 112 : i32
      %dma_wait3A_907 = tpu.memref_slice %arg6[%add3A_878, %dma_wait3A_906] : memref<128x208xi32, #tpu.memory_space<vmem>> -> memref<1x88xi32, #tpu.memory_space<vmem>>
      %dma_wait3A_908 = tpu.memref_squeeze %dma_wait3A_907 : memref<1x88xi32, #tpu.memory_space<vmem>> -> memref<88xi32, #tpu.memory_space<vmem>>
      %dma_wait3A_909 = arith.constant 0 : i32
      %dma_wait3A_910 = tpu.memref_slice %arg3[%dma_wait3A_909] : memref<1015808xf32, #tpu.memory_space<hbm>> -> memref<1015808xf32, #tpu.memory_space<hbm>>
      tpu.wait_indirect_dma semaphore(%arg13 : memref<!tpu.dma_semaphore, #tpu.memory_space<semaphore_mem>>) src(%dma_wait3A_910 : memref<1015808xf32, #tpu.memory_space<hbm>>) dst(%dma_wait3A_905 : memref<88xf32, #tpu.memory_space<vmem>>)
      %scan3A_911 = arith.constant 0 : i32
      %scan3A_912 = arith.constant 13 : i32
      %scan3A_913 = arith.addi %scan3A_911, %scan3A_912 : i32
      %scan3A_914 = arith.constant 1 : i32
      %scan3A_915:4 = scf.for %scan3A_1006 = %scan3A_911 to %scan3A_913 step %scan3A_914 iter_args(%scan3A_1007 = %broadcast_in_dim3A_3, %scan3A_1008 = %broadcast_in_dim3A_3, %scan3A_1009 = %broadcast_in_dim3A_3, %scan3A_1010 = %broadcast_in_dim3A_3) -> (vector<16xf32>, vector<16xf32>, vector<16xf32>, vector<16xf32>)  : i32 {
        %mul3A_1011 = arith.constant 16 : i32
        %mul3A_1012 = arith.muli %scan3A_1006, %mul3A_1011 : i32
        %get3A = arith.index_cast %add3A_878 : i32 to index
        %get3A_1013 = arith.index_cast %mul3A_1012 : i32 to index
        %get3A_1014 = tpu.vector_load %arg6[%get3A, %get3A_1013] {strides = array<i32>} : memref<128x208xi32, #tpu.memory_space<vmem>>, vector<1x16xi32>,
        %get3A_1015 = vector.shape_cast %get3A_1014 : vector<1x16xi32> to vector<16xi32>
        %get3A_1016 = arith.index_cast %mul3A_1012 : i32 to index
        %get3A_1017 = tpu.vector_load %arg7[%get3A_1016] {strides = array<i32>} : memref<208xf32, #tpu.memory_space<vmem>>, vector<16xf32>,
        %get3A_1018 = vector.shape_cast %get3A_1017 : vector<16xf32> to vector<16xf32>
        %eq3A = arith.constant 0 : i32
        %eq3A_1019 = vector.broadcast %eq3A : i32 to vector<16xi32>
        %eq3A_1020 = arith.cmpi eq, %get3A_1015, %eq3A_1019 : vector<16xi32>
        %exp3A = math.exp %get3A_1018 : vector<16xf32>
        %select_n3A = arith.select %eq3A_1020, %broadcast_in_dim3A_3, %exp3A : vector<16xi1>, vector<16xf32>
        %add3A_1021 = arith.constant 0 : i32
        %add3A_1022 = arith.addi %mul3A_1012, %add3A_1021 : i32
        %slice3A = vector.extract_strided_slice %select_n3A {offsets = [0], sizes = [1], strides = [1]} : vector<16xf32> to vector<1xf32>
        %squeeze3A = vector.extract %slice3A[0] : f32 from vector<1xf32>
        %get3A_1023 = arith.index_cast %add3A_1022 : i32 to index
        %get3A_1024 = arith.constant 0 : index
        %get3A_1025 = tpu.vector_load %arg9[%get3A_1023, %get3A_1024] {strides = array<i32>} : memref<208x128xf32, #tpu.memory_space<vmem>>, vector<1x16xf32>,
        %get3A_1026 = vector.shape_cast %get3A_1025 : vector<1x16xf32> to vector<16xf32>
        %mul3A_1027 = vector.broadcast %squeeze3A : f32 to vector<16xf32>
        %mul3A_1028 = arith.mulf %mul3A_1027, %get3A_1026 : vector<16xf32>
        %add3A_1029 = arith.addf %scan3A_1007, %mul3A_1028 : vector<16xf32>
        %get3A_1030 = arith.index_cast %add3A_1022 : i32 to index
        %get3A_1031 = arith.constant 16 : index
        %get3A_1032 = tpu.vector_load %arg9[%get3A_1030, %get3A_1031] {strides = array<i32>} : memref<208x128xf32, #tpu.memory_space<vmem>>, vector<1x16xf32>,
        %get3A_1033 = vector.shape_cast %get3A_1032 : vector<1x16xf32> to vector<16xf32>
        %mul3A_1034 = vector.broadcast %squeeze3A : f32 to vector<16xf32>
        %mul3A_1035 = arith.mulf %mul3A_1034, %get3A_1033 : vector<16xf32>
        %add3A_1036 = arith.addf %scan3A_1008, %mul3A_1035 : vector<16xf32>
        %get3A_1037 = arith.index_cast %add3A_1022 : i32 to index
        %get3A_1038 = arith.constant 32 : index
        %get3A_1039 = tpu.vector_load %arg9[%get3A_1037, %get3A_1038] {strides = array<i32>} : memref<208x128xf32, #tpu.memory_space<vmem>>, vector<1x16xf32>,
        %get3A_1040 = vector.shape_cast %get3A_1039 : vector<1x16xf32> to vector<16xf32>
        %mul3A_1041 = vector.broadcast %squeeze3A : f32 to vector<16xf32>
        %mul3A_1042 = arith.mulf %mul3A_1041, %get3A_1040 : vector<16xf32>
        %add3A_1043 = arith.addf %scan3A_1009, %mul3A_1042 : vector<16xf32>
        %get3A_1044 = arith.index_cast %add3A_1022 : i32 to index
        %get3A_1045 = arith.constant 48 : index
        %get3A_1046 = tpu.vector_load %arg9[%get3A_1044, %get3A_1045] {strides = array<i32>} : memref<208x128xf32, #tpu.memory_space<vmem>>, vector<1x16xf32>,
        %get3A_1047 = vector.shape_cast %get3A_1046 : vector<1x16xf32> to vector<16xf32>
        %mul3A_1048 = vector.broadcast %squeeze3A : f32 to vector<16xf32>
        %mul3A_1049 = arith.mulf %mul3A_1048, %get3A_1047 : vector<16xf32>
        %add3A_1050 = arith.addf %scan3A_1010, %mul3A_1049 : vector<16xf32>
        %add3A_1051 = arith.constant 1 : i32
        %add3A_1052 = arith.addi %mul3A_1012, %add3A_1051 : i32
        %slice3A_1053 = vector.extract_strided_slice %select_n3A {offsets = [1], sizes = [1], strides = [1]} : vector<16xf32> to vector<1xf32>
        %squeeze3A_1054 = vector.extract %slice3A_1053[0] : f32 from vector<1xf32>
        %get3A_1055 = arith.index_cast %add3A_1052 : i32 to index
        %get3A_1056 = arith.constant 0 : index
        %get3A_1057 = tpu.vector_load %arg9[%get3A_1055, %get3A_1056] {strides = array<i32>} : memref<208x128xf32, #tpu.memory_space<vmem>>, vector<1x16xf32>,
        %get3A_1058 = vector.shape_cast %get3A_1057 : vector<1x16xf32> to vector<16xf32>
        %mul3A_1059 = vector.broadcast %squeeze3A_1054 : f32 to vector<16xf32>
        %mul3A_1060 = arith.mulf %mul3A_1059, %get3A_1058 : vector<16xf32>
        %add3A_1061 = arith.addf %add3A_1029, %mul3A_1060 : vector<16xf32>
        %get3A_1062 = arith.index_cast %add3A_1052 : i32 to index
        %get3A_1063 = arith.constant 16 : index
        %get3A_1064 = tpu.vector_load %arg9[%get3A_1062, %get3A_1063] {strides = array<i32>} : memref<208x128xf32, #tpu.memory_space<vmem>>, vector<1x16xf32>,
        %get3A_1065 = vector.shape_cast %get3A_1064 : vector<1x16xf32> to vector<16xf32>
        %mul3A_1066 = vector.broadcast %squeeze3A_1054 : f32 to vector<16xf32>
        %mul3A_1067 = arith.mulf %mul3A_1066, %get3A_1065 : vector<16xf32>
        %add3A_1068 = arith.addf %add3A_1036, %mul3A_1067 : vector<16xf32>
        %get3A_1069 = arith.index_cast %add3A_1052 : i32 to index
        %get3A_1070 = arith.constant 32 : index
        %get3A_1071 = tpu.vector_load %arg9[%get3A_1069, %get3A_1070] {strides = array<i32>} : memref<208x128xf32, #tpu.memory_space<vmem>>, vector<1x16xf32>,
        %get3A_1072 = vector.shape_cast %get3A_1071 : vector<1x16xf32> to vector<16xf32>
        %mul3A_1073 = vector.broadcast %squeeze3A_1054 : f32 to vector<16xf32>
        %mul3A_1074 = arith.mulf %mul3A_1073, %get3A_1072 : vector<16xf32>
        %add3A_1075 = arith.addf %add3A_1043, %mul3A_1074 : vector<16xf32>
        %get3A_1076 = arith.index_cast %add3A_1052 : i32 to index
        %get3A_1077 = arith.constant 48 : index
        %get3A_1078 = tpu.vector_load %arg9[%get3A_1076, %get3A_1077] {strides = array<i32>} : memref<208x128xf32, #tpu.memory_space<vmem>>, vector<1x16xf32>,
        %get3A_1079 = vector.shape_cast %get3A_1078 : vector<1x16xf32> to vector<16xf32>
        %mul3A_1080 = vector.broadcast %squeeze3A_1054 : f32 to vector<16xf32>
        %mul3A_1081 = arith.mulf %mul3A_1080, %get3A_1079 : vector<16xf32>
        %add3A_1082 = arith.addf %add3A_1050, %mul3A_1081 : vector<16xf32>
        %add3A_1083 = arith.constant 2 : i32
        %add3A_1084 = arith.addi %mul3A_1012, %add3A_1083 : i32
        %slice3A_1085 = vector.extract_strided_slice %select_n3A {offsets = [2], sizes = [1], strides = [1]} : vector<16xf32> to vector<1xf32>
        %squeeze3A_1086 = vector.extract %slice3A_1085[0] : f32 from vector<1xf32>
        %get3A_1087 = arith.index_cast %add3A_1084 : i32 to index
        %get3A_1088 = arith.constant 0 : index
        %get3A_1089 = tpu.vector_load %arg9[%get3A_1087, %get3A_1088] {strides = array<i32>} : memref<208x128xf32, #tpu.memory_space<vmem>>, vector<1x16xf32>,
        %get3A_1090 = vector.shape_cast %get3A_1089 : vector<1x16xf32> to vector<16xf32>
        %mul3A_1091 = vector.broadcast %squeeze3A_1086 : f32 to vector<16xf32>
        %mul3A_1092 = arith.mulf %mul3A_1091, %get3A_1090 : vector<16xf32>
        %add3A_1093 = arith.addf %add3A_1061, %mul3A_1092 : vector<16xf32>
        %get3A_1094 = arith.index_cast %add3A_1084 : i32 to index
        %get3A_1095 = arith.constant 16 : index
        %get3A_1096 = tpu.vector_load %arg9[%get3A_1094, %get3A_1095] {strides = array<i32>} : memref<208x128xf32, #tpu.memory_space<vmem>>, vector<1x16xf32>,
        %get3A_1097 = vector.shape_cast %get3A_1096 : vector<1x16xf32> to vector<16xf32>
        %mul3A_1098 = vector.broadcast %squeeze3A_1086 : f32 to vector<16xf32>
        %mul3A_1099 = arith.mulf %mul3A_1098, %get3A_1097 : vector<16xf32>
        %add3A_1100 = arith.addf %add3A_1068, %mul3A_1099 : vector<16xf32>
        %get3A_1101 = arith.index_cast %add3A_1084 : i32 to index
        %get3A_1102 = arith.constant 32 : index
        %get3A_1103 = tpu.vector_load %arg9[%get3A_1101, %get3A_1102] {strides = array<i32>} : memref<208x128xf32, #tpu.memory_space<vmem>>, vector<1x16xf32>,
        %get3A_1104 = vector.shape_cast %get3A_1103 : vector<1x16xf32> to vector<16xf32>
        %mul3A_1105 = vector.broadcast %squeeze3A_1086 : f32 to vector<16xf32>
        %mul3A_1106 = arith.mulf %mul3A_1105, %get3A_1104 : vector<16xf32>
        %add3A_1107 = arith.addf %add3A_1075, %mul3A_1106 : vector<16xf32>
        %get3A_1108 = arith.index_cast %add3A_1084 : i32 to index
        %get3A_1109 = arith.constant 48 : index
        %get3A_1110 = tpu.vector_load %arg9[%get3A_1108, %get3A_1109] {strides = array<i32>} : memref<208x128xf32, #tpu.memory_space<vmem>>, vector<1x16xf32>,
        %get3A_1111 = vector.shape_cast %get3A_1110 : vector<1x16xf32> to vector<16xf32>
        %mul3A_1112 = vector.broadcast %squeeze3A_1086 : f32 to vector<16xf32>
        %mul3A_1113 = arith.mulf %mul3A_1112, %get3A_1111 : vector<16xf32>
        %add3A_1114 = arith.addf %add3A_1082, %mul3A_1113 : vector<16xf32>
        %add3A_1115 = arith.constant 3 : i32
        %add3A_1116 = arith.addi %mul3A_1012, %add3A_1115 : i32
        %slice3A_1117 = vector.extract_strided_slice %select_n3A {offsets = [3], sizes = [1], strides = [1]} : vector<16xf32> to vector<1xf32>
        %squeeze3A_1118 = vector.extract %slice3A_1117[0] : f32 from vector<1xf32>
        %get3A_1119 = arith.index_cast %add3A_1116 : i32 to index
        %get3A_1120 = arith.constant 0 : index
        %get3A_1121 = tpu.vector_load %arg9[%get3A_1119, %get3A_1120] {strides = array<i32>} : memref<208x128xf32, #tpu.memory_space<vmem>>, vector<1x16xf32>,
        %get3A_1122 = vector.shape_cast %get3A_1121 : vector<1x16xf32> to vector<16xf32>
        %mul3A_1123 = vector.broadcast %squeeze3A_1118 : f32 to vector<16xf32>
        %mul3A_1124 = arith.mulf %mul3A_1123, %get3A_1122 : vector<16xf32>
        %add3A_1125 = arith.addf %add3A_1093, %mul3A_1124 : vector<16xf32>
        %get3A_1126 = arith.index_cast %add3A_1116 : i32 to index
        %get3A_1127 = arith.constant 16 : index
        %get3A_1128 = tpu.vector_load %arg9[%get3A_1126, %get3A_1127] {strides = array<i32>} : memref<208x128xf32, #tpu.memory_space<vmem>>, vector<1x16xf32>,
        %get3A_1129 = vector.shape_cast %get3A_1128 : vector<1x16xf32> to vector<16xf32>
        %mul3A_1130 = vector.broadcast %squeeze3A_1118 : f32 to vector<16xf32>
        %mul3A_1131 = arith.mulf %mul3A_1130, %get3A_1129 : vector<16xf32>
        %add3A_1132 = arith.addf %add3A_1100, %mul3A_1131 : vector<16xf32>
        %get3A_1133 = arith.index_cast %add3A_1116 : i32 to index
        %get3A_1134 = arith.constant 32 : index
        %get3A_1135 = tpu.vector_load %arg9[%get3A_1133, %get3A_1134] {strides = array<i32>} : memref<208x128xf32, #tpu.memory_space<vmem>>, vector<1x16xf32>,
        %get3A_1136 = vector.shape_cast %get3A_1135 : vector<1x16xf32> to vector<16xf32>
        %mul3A_1137 = vector.broadcast %squeeze3A_1118 : f32 to vector<16xf32>
        %mul3A_1138 = arith.mulf %mul3A_1137, %get3A_1136 : vector<16xf32>
        %add3A_1139 = arith.addf %add3A_1107, %mul3A_1138 : vector<16xf32>
        %get3A_1140 = arith.index_cast %add3A_1116 : i32 to index
        %get3A_1141 = arith.constant 48 : index
        %get3A_1142 = tpu.vector_load %arg9[%get3A_1140, %get3A_1141] {strides = array<i32>} : memref<208x128xf32, #tpu.memory_space<vmem>>, vector<1x16xf32>,
        %get3A_1143 = vector.shape_cast %get3A_1142 : vector<1x16xf32> to vector<16xf32>
        %mul3A_1144 = vector.broadcast %squeeze3A_1118 : f32 to vector<16xf32>
        %mul3A_1145 = arith.mulf %mul3A_1144, %get3A_1143 : vector<16xf32>
        %add3A_1146 = arith.addf %add3A_1114, %mul3A_1145 : vector<16xf32>
        %add3A_1147 = arith.constant 4 : i32
        %add3A_1148 = arith.addi %mul3A_1012, %add3A_1147 : i32
        %slice3A_1149 = vector.extract_strided_slice %select_n3A {offsets = [4], sizes = [1], strides = [1]} : vector<16xf32> to vector<1xf32>
        %squeeze3A_1150 = vector.extract %slice3A_1149[0] : f32 from vector<1xf32>
        %get3A_1151 = arith.index_cast %add3A_1148 : i32 to index
        %get3A_1152 = arith.constant 0 : index
        %get3A_1153 = tpu.vector_load %arg9[%get3A_1151, %get3A_1152] {strides = array<i32>} : memref<208x128xf32, #tpu.memory_space<vmem>>, vector<1x16xf32>,
        %get3A_1154 = vector.shape_cast %get3A_1153 : vector<1x16xf32> to vector<16xf32>
        %mul3A_1155 = vector.broadcast %squeeze3A_1150 : f32 to vector<16xf32>
        %mul3A_1156 = arith.mulf %mul3A_1155, %get3A_1154 : vector<16xf32>
        %add3A_1157 = arith.addf %add3A_1125, %mul3A_1156 : vector<16xf32>
        %get3A_1158 = arith.index_cast %add3A_1148 : i32 to index
        %get3A_1159 = arith.constant 16 : index
        %get3A_1160 = tpu.vector_load %arg9[%get3A_1158, %get3A_1159] {strides = array<i32>} : memref<208x128xf32, #tpu.memory_space<vmem>>, vector<1x16xf32>,
        %get3A_1161 = vector.shape_cast %get3A_1160 : vector<1x16xf32> to vector<16xf32>
        %mul3A_1162 = vector.broadcast %squeeze3A_1150 : f32 to vector<16xf32>
        %mul3A_1163 = arith.mulf %mul3A_1162, %get3A_1161 : vector<16xf32>
        %add3A_1164 = arith.addf %add3A_1132, %mul3A_1163 : vector<16xf32>
        %get3A_1165 = arith.index_cast %add3A_1148 : i32 to index
        %get3A_1166 = arith.constant 32 : index
        %get3A_1167 = tpu.vector_load %arg9[%get3A_1165, %get3A_1166] {strides = array<i32>} : memref<208x128xf32, #tpu.memory_space<vmem>>, vector<1x16xf32>,
        %get3A_1168 = vector.shape_cast %get3A_1167 : vector<1x16xf32> to vector<16xf32>
        %mul3A_1169 = vector.broadcast %squeeze3A_1150 : f32 to vector<16xf32>
        %mul3A_1170 = arith.mulf %mul3A_1169, %get3A_1168 : vector<16xf32>
        %add3A_1171 = arith.addf %add3A_1139, %mul3A_1170 : vector<16xf32>
        %get3A_1172 = arith.index_cast %add3A_1148 : i32 to index
        %get3A_1173 = arith.constant 48 : index
        %get3A_1174 = tpu.vector_load %arg9[%get3A_1172, %get3A_1173] {strides = array<i32>} : memref<208x128xf32, #tpu.memory_space<vmem>>, vector<1x16xf32>,
        %get3A_1175 = vector.shape_cast %get3A_1174 : vector<1x16xf32> to vector<16xf32>
        %mul3A_1176 = vector.broadcast %squeeze3A_1150 : f32 to vector<16xf32>
        %mul3A_1177 = arith.mulf %mul3A_1176, %get3A_1175 : vector<16xf32>
        %add3A_1178 = arith.addf %add3A_1146, %mul3A_1177 : vector<16xf32>
        %add3A_1179 = arith.constant 5 : i32
        %add3A_1180 = arith.addi %mul3A_1012, %add3A_1179 : i32
        %slice3A_1181 = vector.extract_strided_slice %select_n3A {offsets = [5], sizes = [1], strides = [1]} : vector<16xf32> to vector<1xf32>
        %squeeze3A_1182 = vector.extract %slice3A_1181[0] : f32 from vector<1xf32>
        %get3A_1183 = arith.index_cast %add3A_1180 : i32 to index
        %get3A_1184 = arith.constant 0 : index
        %get3A_1185 = tpu.vector_load %arg9[%get3A_1183, %get3A_1184] {strides = array<i32>} : memref<208x128xf32, #tpu.memory_space<vmem>>, vector<1x16xf32>,
        %get3A_1186 = vector.shape_cast %get3A_1185 : vector<1x16xf32> to vector<16xf32>
        %mul3A_1187 = vector.broadcast %squeeze3A_1182 : f32 to vector<16xf32>
        %mul3A_1188 = arith.mulf %mul3A_1187, %get3A_1186 : vector<16xf32>
        %add3A_1189 = arith.addf %add3A_1157, %mul3A_1188 : vector<16xf32>
        %get3A_1190 = arith.index_cast %add3A_1180 : i32 to index
        %get3A_1191 = arith.constant 16 : index
        %get3A_1192 = tpu.vector_load %arg9[%get3A_1190, %get3A_1191] {strides = array<i32>} : memref<208x128xf32, #tpu.memory_space<vmem>>, vector<1x16xf32>,
        %get3A_1193 = vector.shape_cast %get3A_1192 : vector<1x16xf32> to vector<16xf32>
        %mul3A_1194 = vector.broadcast %squeeze3A_1182 : f32 to vector<16xf32>
        %mul3A_1195 = arith.mulf %mul3A_1194, %get3A_1193 : vector<16xf32>
        %add3A_1196 = arith.addf %add3A_1164, %mul3A_1195 : vector<16xf32>
        %get3A_1197 = arith.index_cast %add3A_1180 : i32 to index
        %get3A_1198 = arith.constant 32 : index
        %get3A_1199 = tpu.vector_load %arg9[%get3A_1197, %get3A_1198] {strides = array<i32>} : memref<208x128xf32, #tpu.memory_space<vmem>>, vector<1x16xf32>,
        %get3A_1200 = vector.shape_cast %get3A_1199 : vector<1x16xf32> to vector<16xf32>
        %mul3A_1201 = vector.broadcast %squeeze3A_1182 : f32 to vector<16xf32>
        %mul3A_1202 = arith.mulf %mul3A_1201, %get3A_1200 : vector<16xf32>
        %add3A_1203 = arith.addf %add3A_1171, %mul3A_1202 : vector<16xf32>
        %get3A_1204 = arith.index_cast %add3A_1180 : i32 to index
        %get3A_1205 = arith.constant 48 : index
        %get3A_1206 = tpu.vector_load %arg9[%get3A_1204, %get3A_1205] {strides = array<i32>} : memref<208x128xf32, #tpu.memory_space<vmem>>, vector<1x16xf32>,
        %get3A_1207 = vector.shape_cast %get3A_1206 : vector<1x16xf32> to vector<16xf32>
        %mul3A_1208 = vector.broadcast %squeeze3A_1182 : f32 to vector<16xf32>
        %mul3A_1209 = arith.mulf %mul3A_1208, %get3A_1207 : vector<16xf32>
        %add3A_1210 = arith.addf %add3A_1178, %mul3A_1209 : vector<16xf32>
        %add3A_1211 = arith.constant 6 : i32
        %add3A_1212 = arith.addi %mul3A_1012, %add3A_1211 : i32
        %slice3A_1213 = vector.extract_strided_slice %select_n3A {offsets = [6], sizes = [1], strides = [1]} : vector<16xf32> to vector<1xf32>
        %squeeze3A_1214 = vector.extract %slice3A_1213[0] : f32 from vector<1xf32>
        %get3A_1215 = arith.index_cast %add3A_1212 : i32 to index
        %get3A_1216 = arith.constant 0 : index
        %get3A_1217 = tpu.vector_load %arg9[%get3A_1215, %get3A_1216] {strides = array<i32>} : memref<208x128xf32, #tpu.memory_space<vmem>>, vector<1x16xf32>,
        %get3A_1218 = vector.shape_cast %get3A_1217 : vector<1x16xf32> to vector<16xf32>
        %mul3A_1219 = vector.broadcast %squeeze3A_1214 : f32 to vector<16xf32>
        %mul3A_1220 = arith.mulf %mul3A_1219, %get3A_1218 : vector<16xf32>
        %add3A_1221 = arith.addf %add3A_1189, %mul3A_1220 : vector<16xf32>
        %get3A_1222 = arith.index_cast %add3A_1212 : i32 to index
        %get3A_1223 = arith.constant 16 : index
        %get3A_1224 = tpu.vector_load %arg9[%get3A_1222, %get3A_1223] {strides = array<i32>} : memref<208x128xf32, #tpu.memory_space<vmem>>, vector<1x16xf32>,
        %get3A_1225 = vector.shape_cast %get3A_1224 : vector<1x16xf32> to vector<16xf32>
        %mul3A_1226 = vector.broadcast %squeeze3A_1214 : f32 to vector<16xf32>
        %mul3A_1227 = arith.mulf %mul3A_1226, %get3A_1225 : vector<16xf32>
        %add3A_1228 = arith.addf %add3A_1196, %mul3A_1227 : vector<16xf32>
        %get3A_1229 = arith.index_cast %add3A_1212 : i32 to index
        %get3A_1230 = arith.constant 32 : index
        %get3A_1231 = tpu.vector_load %arg9[%get3A_1229, %get3A_1230] {strides = array<i32>} : memref<208x128xf32, #tpu.memory_space<vmem>>, vector<1x16xf32>,
        %get3A_1232 = vector.shape_cast %get3A_1231 : vector<1x16xf32> to vector<16xf32>
        %mul3A_1233 = vector.broadcast %squeeze3A_1214 : f32 to vector<16xf32>
        %mul3A_1234 = arith.mulf %mul3A_1233, %get3A_1232 : vector<16xf32>
        %add3A_1235 = arith.addf %add3A_1203, %mul3A_1234 : vector<16xf32>
        %get3A_1236 = arith.index_cast %add3A_1212 : i32 to index
        %get3A_1237 = arith.constant 48 : index
        %get3A_1238 = tpu.vector_load %arg9[%get3A_1236, %get3A_1237] {strides = array<i32>} : memref<208x128xf32, #tpu.memory_space<vmem>>, vector<1x16xf32>,
        %get3A_1239 = vector.shape_cast %get3A_1238 : vector<1x16xf32> to vector<16xf32>
        %mul3A_1240 = vector.broadcast %squeeze3A_1214 : f32 to vector<16xf32>
        %mul3A_1241 = arith.mulf %mul3A_1240, %get3A_1239 : vector<16xf32>
        %add3A_1242 = arith.addf %add3A_1210, %mul3A_1241 : vector<16xf32>
        %add3A_1243 = arith.constant 7 : i32
        %add3A_1244 = arith.addi %mul3A_1012, %add3A_1243 : i32
        %slice3A_1245 = vector.extract_strided_slice %select_n3A {offsets = [7], sizes = [1], strides = [1]} : vector<16xf32> to vector<1xf32>
        %squeeze3A_1246 = vector.extract %slice3A_1245[0] : f32 from vector<1xf32>
        %get3A_1247 = arith.index_cast %add3A_1244 : i32 to index
        %get3A_1248 = arith.constant 0 : index
        %get3A_1249 = tpu.vector_load %arg9[%get3A_1247, %get3A_1248] {strides = array<i32>} : memref<208x128xf32, #tpu.memory_space<vmem>>, vector<1x16xf32>,
        %get3A_1250 = vector.shape_cast %get3A_1249 : vector<1x16xf32> to vector<16xf32>
        %mul3A_1251 = vector.broadcast %squeeze3A_1246 : f32 to vector<16xf32>
        %mul3A_1252 = arith.mulf %mul3A_1251, %get3A_1250 : vector<16xf32>
        %add3A_1253 = arith.addf %add3A_1221, %mul3A_1252 : vector<16xf32>
        %get3A_1254 = arith.index_cast %add3A_1244 : i32 to index
        %get3A_1255 = arith.constant 16 : index
        %get3A_1256 = tpu.vector_load %arg9[%get3A_1254, %get3A_1255] {strides = array<i32>} : memref<208x128xf32, #tpu.memory_space<vmem>>, vector<1x16xf32>,
        %get3A_1257 = vector.shape_cast %get3A_1256 : vector<1x16xf32> to vector<16xf32>
        %mul3A_1258 = vector.broadcast %squeeze3A_1246 : f32 to vector<16xf32>
        %mul3A_1259 = arith.mulf %mul3A_1258, %get3A_1257 : vector<16xf32>
        %add3A_1260 = arith.addf %add3A_1228, %mul3A_1259 : vector<16xf32>
        %get3A_1261 = arith.index_cast %add3A_1244 : i32 to index
        %get3A_1262 = arith.constant 32 : index
        %get3A_1263 = tpu.vector_load %arg9[%get3A_1261, %get3A_1262] {strides = array<i32>} : memref<208x128xf32, #tpu.memory_space<vmem>>, vector<1x16xf32>,
        %get3A_1264 = vector.shape_cast %get3A_1263 : vector<1x16xf32> to vector<16xf32>
        %mul3A_1265 = vector.broadcast %squeeze3A_1246 : f32 to vector<16xf32>
        %mul3A_1266 = arith.mulf %mul3A_1265, %get3A_1264 : vector<16xf32>
        %add3A_1267 = arith.addf %add3A_1235, %mul3A_1266 : vector<16xf32>
        %get3A_1268 = arith.index_cast %add3A_1244 : i32 to index
        %get3A_1269 = arith.constant 48 : index
        %get3A_1270 = tpu.vector_load %arg9[%get3A_1268, %get3A_1269] {strides = array<i32>} : memref<208x128xf32, #tpu.memory_space<vmem>>, vector<1x16xf32>,
        %get3A_1271 = vector.shape_cast %get3A_1270 : vector<1x16xf32> to vector<16xf32>
        %mul3A_1272 = vector.broadcast %squeeze3A_1246 : f32 to vector<16xf32>
        %mul3A_1273 = arith.mulf %mul3A_1272, %get3A_1271 : vector<16xf32>
        %add3A_1274 = arith.addf %add3A_1242, %mul3A_1273 : vector<16xf32>
        %add3A_1275 = arith.constant 8 : i32
        %add3A_1276 = arith.addi %mul3A_1012, %add3A_1275 : i32
        %slice3A_1277 = vector.extract_strided_slice %select_n3A {offsets = [8], sizes = [1], strides = [1]} : vector<16xf32> to vector<1xf32>
        %squeeze3A_1278 = vector.extract %slice3A_1277[0] : f32 from vector<1xf32>
        %get3A_1279 = arith.index_cast %add3A_1276 : i32 to index
        %get3A_1280 = arith.constant 0 : index
        %get3A_1281 = tpu.vector_load %arg9[%get3A_1279, %get3A_1280] {strides = array<i32>} : memref<208x128xf32, #tpu.memory_space<vmem>>, vector<1x16xf32>,
        %get3A_1282 = vector.shape_cast %get3A_1281 : vector<1x16xf32> to vector<16xf32>
        %mul3A_1283 = vector.broadcast %squeeze3A_1278 : f32 to vector<16xf32>
        %mul3A_1284 = arith.mulf %mul3A_1283, %get3A_1282 : vector<16xf32>
        %add3A_1285 = arith.addf %add3A_1253, %mul3A_1284 : vector<16xf32>
        %get3A_1286 = arith.index_cast %add3A_1276 : i32 to index
        %get3A_1287 = arith.constant 16 : index
        %get3A_1288 = tpu.vector_load %arg9[%get3A_1286, %get3A_1287] {strides = array<i32>} : memref<208x128xf32, #tpu.memory_space<vmem>>, vector<1x16xf32>,
        %get3A_1289 = vector.shape_cast %get3A_1288 : vector<1x16xf32> to vector<16xf32>
        %mul3A_1290 = vector.broadcast %squeeze3A_1278 : f32 to vector<16xf32>
        %mul3A_1291 = arith.mulf %mul3A_1290, %get3A_1289 : vector<16xf32>
        %add3A_1292 = arith.addf %add3A_1260, %mul3A_1291 : vector<16xf32>
        %get3A_1293 = arith.index_cast %add3A_1276 : i32 to index
        %get3A_1294 = arith.constant 32 : index
        %get3A_1295 = tpu.vector_load %arg9[%get3A_1293, %get3A_1294] {strides = array<i32>} : memref<208x128xf32, #tpu.memory_space<vmem>>, vector<1x16xf32>,
        %get3A_1296 = vector.shape_cast %get3A_1295 : vector<1x16xf32> to vector<16xf32>
        %mul3A_1297 = vector.broadcast %squeeze3A_1278 : f32 to vector<16xf32>
        %mul3A_1298 = arith.mulf %mul3A_1297, %get3A_1296 : vector<16xf32>
        %add3A_1299 = arith.addf %add3A_1267, %mul3A_1298 : vector<16xf32>
        %get3A_1300 = arith.index_cast %add3A_1276 : i32 to index
        %get3A_1301 = arith.constant 48 : index
        %get3A_1302 = tpu.vector_load %arg9[%get3A_1300, %get3A_1301] {strides = array<i32>} : memref<208x128xf32, #tpu.memory_space<vmem>>, vector<1x16xf32>,
        %get3A_1303 = vector.shape_cast %get3A_1302 : vector<1x16xf32> to vector<16xf32>
        %mul3A_1304 = vector.broadcast %squeeze3A_1278 : f32 to vector<16xf32>
        %mul3A_1305 = arith.mulf %mul3A_1304, %get3A_1303 : vector<16xf32>
        %add3A_1306 = arith.addf %add3A_1274, %mul3A_1305 : vector<16xf32>
        %add3A_1307 = arith.constant 9 : i32
        %add3A_1308 = arith.addi %mul3A_1012, %add3A_1307 : i32
        %slice3A_1309 = vector.extract_strided_slice %select_n3A {offsets = [9], sizes = [1], strides = [1]} : vector<16xf32> to vector<1xf32>
        %squeeze3A_1310 = vector.extract %slice3A_1309[0] : f32 from vector<1xf32>
        %get3A_1311 = arith.index_cast %add3A_1308 : i32 to index
        %get3A_1312 = arith.constant 0 : index
        %get3A_1313 = tpu.vector_load %arg9[%get3A_1311, %get3A_1312] {strides = array<i32>} : memref<208x128xf32, #tpu.memory_space<vmem>>, vector<1x16xf32>,
        %get3A_1314 = vector.shape_cast %get3A_1313 : vector<1x16xf32> to vector<16xf32>
        %mul3A_1315 = vector.broadcast %squeeze3A_1310 : f32 to vector<16xf32>
        %mul3A_1316 = arith.mulf %mul3A_1315, %get3A_1314 : vector<16xf32>
        %add3A_1317 = arith.addf %add3A_1285, %mul3A_1316 : vector<16xf32>
        %get3A_1318 = arith.index_cast %add3A_1308 : i32 to index
        %get3A_1319 = arith.constant 16 : index
        %get3A_1320 = tpu.vector_load %arg9[%get3A_1318, %get3A_1319] {strides = array<i32>} : memref<208x128xf32, #tpu.memory_space<vmem>>, vector<1x16xf32>,
        %get3A_1321 = vector.shape_cast %get3A_1320 : vector<1x16xf32> to vector<16xf32>
        %mul3A_1322 = vector.broadcast %squeeze3A_1310 : f32 to vector<16xf32>
        %mul3A_1323 = arith.mulf %mul3A_1322, %get3A_1321 : vector<16xf32>
        %add3A_1324 = arith.addf %add3A_1292, %mul3A_1323 : vector<16xf32>
        %get3A_1325 = arith.index_cast %add3A_1308 : i32 to index
        %get3A_1326 = arith.constant 32 : index
        %get3A_1327 = tpu.vector_load %arg9[%get3A_1325, %get3A_1326] {strides = array<i32>} : memref<208x128xf32, #tpu.memory_space<vmem>>, vector<1x16xf32>,
        %get3A_1328 = vector.shape_cast %get3A_1327 : vector<1x16xf32> to vector<16xf32>
        %mul3A_1329 = vector.broadcast %squeeze3A_1310 : f32 to vector<16xf32>
        %mul3A_1330 = arith.mulf %mul3A_1329, %get3A_1328 : vector<16xf32>
        %add3A_1331 = arith.addf %add3A_1299, %mul3A_1330 : vector<16xf32>
        %get3A_1332 = arith.index_cast %add3A_1308 : i32 to index
        %get3A_1333 = arith.constant 48 : index
        %get3A_1334 = tpu.vector_load %arg9[%get3A_1332, %get3A_1333] {strides = array<i32>} : memref<208x128xf32, #tpu.memory_space<vmem>>, vector<1x16xf32>,
        %get3A_1335 = vector.shape_cast %get3A_1334 : vector<1x16xf32> to vector<16xf32>
        %mul3A_1336 = vector.broadcast %squeeze3A_1310 : f32 to vector<16xf32>
        %mul3A_1337 = arith.mulf %mul3A_1336, %get3A_1335 : vector<16xf32>
        %add3A_1338 = arith.addf %add3A_1306, %mul3A_1337 : vector<16xf32>
        %add3A_1339 = arith.constant 10 : i32
        %add3A_1340 = arith.addi %mul3A_1012, %add3A_1339 : i32
        %slice3A_1341 = vector.extract_strided_slice %select_n3A {offsets = [10], sizes = [1], strides = [1]} : vector<16xf32> to vector<1xf32>
        %squeeze3A_1342 = vector.extract %slice3A_1341[0] : f32 from vector<1xf32>
        %get3A_1343 = arith.index_cast %add3A_1340 : i32 to index
        %get3A_1344 = arith.constant 0 : index
        %get3A_1345 = tpu.vector_load %arg9[%get3A_1343, %get3A_1344] {strides = array<i32>} : memref<208x128xf32, #tpu.memory_space<vmem>>, vector<1x16xf32>,
        %get3A_1346 = vector.shape_cast %get3A_1345 : vector<1x16xf32> to vector<16xf32>
        %mul3A_1347 = vector.broadcast %squeeze3A_1342 : f32 to vector<16xf32>
        %mul3A_1348 = arith.mulf %mul3A_1347, %get3A_1346 : vector<16xf32>
        %add3A_1349 = arith.addf %add3A_1317, %mul3A_1348 : vector<16xf32>
        %get3A_1350 = arith.index_cast %add3A_1340 : i32 to index
        %get3A_1351 = arith.constant 16 : index
        %get3A_1352 = tpu.vector_load %arg9[%get3A_1350, %get3A_1351] {strides = array<i32>} : memref<208x128xf32, #tpu.memory_space<vmem>>, vector<1x16xf32>,
        %get3A_1353 = vector.shape_cast %get3A_1352 : vector<1x16xf32> to vector<16xf32>
        %mul3A_1354 = vector.broadcast %squeeze3A_1342 : f32 to vector<16xf32>
        %mul3A_1355 = arith.mulf %mul3A_1354, %get3A_1353 : vector<16xf32>
        %add3A_1356 = arith.addf %add3A_1324, %mul3A_1355 : vector<16xf32>
        %get3A_1357 = arith.index_cast %add3A_1340 : i32 to index
        %get3A_1358 = arith.constant 32 : index
        %get3A_1359 = tpu.vector_load %arg9[%get3A_1357, %get3A_1358] {strides = array<i32>} : memref<208x128xf32, #tpu.memory_space<vmem>>, vector<1x16xf32>,
        %get3A_1360 = vector.shape_cast %get3A_1359 : vector<1x16xf32> to vector<16xf32>
        %mul3A_1361 = vector.broadcast %squeeze3A_1342 : f32 to vector<16xf32>
        %mul3A_1362 = arith.mulf %mul3A_1361, %get3A_1360 : vector<16xf32>
        %add3A_1363 = arith.addf %add3A_1331, %mul3A_1362 : vector<16xf32>
        %get3A_1364 = arith.index_cast %add3A_1340 : i32 to index
        %get3A_1365 = arith.constant 48 : index
        %get3A_1366 = tpu.vector_load %arg9[%get3A_1364, %get3A_1365] {strides = array<i32>} : memref<208x128xf32, #tpu.memory_space<vmem>>, vector<1x16xf32>,
        %get3A_1367 = vector.shape_cast %get3A_1366 : vector<1x16xf32> to vector<16xf32>
        %mul3A_1368 = vector.broadcast %squeeze3A_1342 : f32 to vector<16xf32>
        %mul3A_1369 = arith.mulf %mul3A_1368, %get3A_1367 : vector<16xf32>
        %add3A_1370 = arith.addf %add3A_1338, %mul3A_1369 : vector<16xf32>
        %add3A_1371 = arith.constant 11 : i32
        %add3A_1372 = arith.addi %mul3A_1012, %add3A_1371 : i32
        %slice3A_1373 = vector.extract_strided_slice %select_n3A {offsets = [11], sizes = [1], strides = [1]} : vector<16xf32> to vector<1xf32>
        %squeeze3A_1374 = vector.extract %slice3A_1373[0] : f32 from vector<1xf32>
        %get3A_1375 = arith.index_cast %add3A_1372 : i32 to index
        %get3A_1376 = arith.constant 0 : index
        %get3A_1377 = tpu.vector_load %arg9[%get3A_1375, %get3A_1376] {strides = array<i32>} : memref<208x128xf32, #tpu.memory_space<vmem>>, vector<1x16xf32>,
        %get3A_1378 = vector.shape_cast %get3A_1377 : vector<1x16xf32> to vector<16xf32>
        %mul3A_1379 = vector.broadcast %squeeze3A_1374 : f32 to vector<16xf32>
        %mul3A_1380 = arith.mulf %mul3A_1379, %get3A_1378 : vector<16xf32>
        %add3A_1381 = arith.addf %add3A_1349, %mul3A_1380 : vector<16xf32>
        %get3A_1382 = arith.index_cast %add3A_1372 : i32 to index
        %get3A_1383 = arith.constant 16 : index
        %get3A_1384 = tpu.vector_load %arg9[%get3A_1382, %get3A_1383] {strides = array<i32>} : memref<208x128xf32, #tpu.memory_space<vmem>>, vector<1x16xf32>,
        %get3A_1385 = vector.shape_cast %get3A_1384 : vector<1x16xf32> to vector<16xf32>
        %mul3A_1386 = vector.broadcast %squeeze3A_1374 : f32 to vector<16xf32>
        %mul3A_1387 = arith.mulf %mul3A_1386, %get3A_1385 : vector<16xf32>
        %add3A_1388 = arith.addf %add3A_1356, %mul3A_1387 : vector<16xf32>
        %get3A_1389 = arith.index_cast %add3A_1372 : i32 to index
        %get3A_1390 = arith.constant 32 : index
        %get3A_1391 = tpu.vector_load %arg9[%get3A_1389, %get3A_1390] {strides = array<i32>} : memref<208x128xf32, #tpu.memory_space<vmem>>, vector<1x16xf32>,
        %get3A_1392 = vector.shape_cast %get3A_1391 : vector<1x16xf32> to vector<16xf32>
        %mul3A_1393 = vector.broadcast %squeeze3A_1374 : f32 to vector<16xf32>
        %mul3A_1394 = arith.mulf %mul3A_1393, %get3A_1392 : vector<16xf32>
        %add3A_1395 = arith.addf %add3A_1363, %mul3A_1394 : vector<16xf32>
        %get3A_1396 = arith.index_cast %add3A_1372 : i32 to index
        %get3A_1397 = arith.constant 48 : index
        %get3A_1398 = tpu.vector_load %arg9[%get3A_1396, %get3A_1397] {strides = array<i32>} : memref<208x128xf32, #tpu.memory_space<vmem>>, vector<1x16xf32>,
        %get3A_1399 = vector.shape_cast %get3A_1398 : vector<1x16xf32> to vector<16xf32>
        %mul3A_1400 = vector.broadcast %squeeze3A_1374 : f32 to vector<16xf32>
        %mul3A_1401 = arith.mulf %mul3A_1400, %get3A_1399 : vector<16xf32>
        %add3A_1402 = arith.addf %add3A_1370, %mul3A_1401 : vector<16xf32>
        %add3A_1403 = arith.constant 12 : i32
        %add3A_1404 = arith.addi %mul3A_1012, %add3A_1403 : i32
        %slice3A_1405 = vector.extract_strided_slice %select_n3A {offsets = [12], sizes = [1], strides = [1]} : vector<16xf32> to vector<1xf32>
        %squeeze3A_1406 = vector.extract %slice3A_1405[0] : f32 from vector<1xf32>
        %get3A_1407 = arith.index_cast %add3A_1404 : i32 to index
        %get3A_1408 = arith.constant 0 : index
        %get3A_1409 = tpu.vector_load %arg9[%get3A_1407, %get3A_1408] {strides = array<i32>} : memref<208x128xf32, #tpu.memory_space<vmem>>, vector<1x16xf32>,
        %get3A_1410 = vector.shape_cast %get3A_1409 : vector<1x16xf32> to vector<16xf32>
        %mul3A_1411 = vector.broadcast %squeeze3A_1406 : f32 to vector<16xf32>
        %mul3A_1412 = arith.mulf %mul3A_1411, %get3A_1410 : vector<16xf32>
        %add3A_1413 = arith.addf %add3A_1381, %mul3A_1412 : vector<16xf32>
        %get3A_1414 = arith.index_cast %add3A_1404 : i32 to index
        %get3A_1415 = arith.constant 16 : index
        %get3A_1416 = tpu.vector_load %arg9[%get3A_1414, %get3A_1415] {strides = array<i32>} : memref<208x128xf32, #tpu.memory_space<vmem>>, vector<1x16xf32>,
        %get3A_1417 = vector.shape_cast %get3A_1416 : vector<1x16xf32> to vector<16xf32>
        %mul3A_1418 = vector.broadcast %squeeze3A_1406 : f32 to vector<16xf32>
        %mul3A_1419 = arith.mulf %mul3A_1418, %get3A_1417 : vector<16xf32>
        %add3A_1420 = arith.addf %add3A_1388, %mul3A_1419 : vector<16xf32>
        %get3A_1421 = arith.index_cast %add3A_1404 : i32 to index
        %get3A_1422 = arith.constant 32 : index
        %get3A_1423 = tpu.vector_load %arg9[%get3A_1421, %get3A_1422] {strides = array<i32>} : memref<208x128xf32, #tpu.memory_space<vmem>>, vector<1x16xf32>,
        %get3A_1424 = vector.shape_cast %get3A_1423 : vector<1x16xf32> to vector<16xf32>
        %mul3A_1425 = vector.broadcast %squeeze3A_1406 : f32 to vector<16xf32>
        %mul3A_1426 = arith.mulf %mul3A_1425, %get3A_1424 : vector<16xf32>
        %add3A_1427 = arith.addf %add3A_1395, %mul3A_1426 : vector<16xf32>
        %get3A_1428 = arith.index_cast %add3A_1404 : i32 to index
        %get3A_1429 = arith.constant 48 : index
        %get3A_1430 = tpu.vector_load %arg9[%get3A_1428, %get3A_1429] {strides = array<i32>} : memref<208x128xf32, #tpu.memory_space<vmem>>, vector<1x16xf32>,
        %get3A_1431 = vector.shape_cast %get3A_1430 : vector<1x16xf32> to vector<16xf32>
        %mul3A_1432 = vector.broadcast %squeeze3A_1406 : f32 to vector<16xf32>
        %mul3A_1433 = arith.mulf %mul3A_1432, %get3A_1431 : vector<16xf32>
        %add3A_1434 = arith.addf %add3A_1402, %mul3A_1433 : vector<16xf32>
        %add3A_1435 = arith.constant 13 : i32
        %add3A_1436 = arith.addi %mul3A_1012, %add3A_1435 : i32
        %slice3A_1437 = vector.extract_strided_slice %select_n3A {offsets = [13], sizes = [1], strides = [1]} : vector<16xf32> to vector<1xf32>
        %squeeze3A_1438 = vector.extract %slice3A_1437[0] : f32 from vector<1xf32>
        %get3A_1439 = arith.index_cast %add3A_1436 : i32 to index
        %get3A_1440 = arith.constant 0 : index
        %get3A_1441 = tpu.vector_load %arg9[%get3A_1439, %get3A_1440] {strides = array<i32>} : memref<208x128xf32, #tpu.memory_space<vmem>>, vector<1x16xf32>,
        %get3A_1442 = vector.shape_cast %get3A_1441 : vector<1x16xf32> to vector<16xf32>
        %mul3A_1443 = vector.broadcast %squeeze3A_1438 : f32 to vector<16xf32>
        %mul3A_1444 = arith.mulf %mul3A_1443, %get3A_1442 : vector<16xf32>
        %add3A_1445 = arith.addf %add3A_1413, %mul3A_1444 : vector<16xf32>
        %get3A_1446 = arith.index_cast %add3A_1436 : i32 to index
        %get3A_1447 = arith.constant 16 : index
        %get3A_1448 = tpu.vector_load %arg9[%get3A_1446, %get3A_1447] {strides = array<i32>} : memref<208x128xf32, #tpu.memory_space<vmem>>, vector<1x16xf32>,
        %get3A_1449 = vector.shape_cast %get3A_1448 : vector<1x16xf32> to vector<16xf32>
        %mul3A_1450 = vector.broadcast %squeeze3A_1438 : f32 to vector<16xf32>
        %mul3A_1451 = arith.mulf %mul3A_1450, %get3A_1449 : vector<16xf32>
        %add3A_1452 = arith.addf %add3A_1420, %mul3A_1451 : vector<16xf32>
        %get3A_1453 = arith.index_cast %add3A_1436 : i32 to index
        %get3A_1454 = arith.constant 32 : index
        %get3A_1455 = tpu.vector_load %arg9[%get3A_1453, %get3A_1454] {strides = array<i32>} : memref<208x128xf32, #tpu.memory_space<vmem>>, vector<1x16xf32>,
        %get3A_1456 = vector.shape_cast %get3A_1455 : vector<1x16xf32> to vector<16xf32>
        %mul3A_1457 = vector.broadcast %squeeze3A_1438 : f32 to vector<16xf32>
        %mul3A_1458 = arith.mulf %mul3A_1457, %get3A_1456 : vector<16xf32>
        %add3A_1459 = arith.addf %add3A_1427, %mul3A_1458 : vector<16xf32>
        %get3A_1460 = arith.index_cast %add3A_1436 : i32 to index
        %get3A_1461 = arith.constant 48 : index
        %get3A_1462 = tpu.vector_load %arg9[%get3A_1460, %get3A_1461] {strides = array<i32>} : memref<208x128xf32, #tpu.memory_space<vmem>>, vector<1x16xf32>,
        %get3A_1463 = vector.shape_cast %get3A_1462 : vector<1x16xf32> to vector<16xf32>
        %mul3A_1464 = vector.broadcast %squeeze3A_1438 : f32 to vector<16xf32>
        %mul3A_1465 = arith.mulf %mul3A_1464, %get3A_1463 : vector<16xf32>
        %add3A_1466 = arith.addf %add3A_1434, %mul3A_1465 : vector<16xf32>
        %add3A_1467 = arith.constant 14 : i32
        %add3A_1468 = arith.addi %mul3A_1012, %add3A_1467 : i32
        %slice3A_1469 = vector.extract_strided_slice %select_n3A {offsets = [14], sizes = [1], strides = [1]} : vector<16xf32> to vector<1xf32>
        %squeeze3A_1470 = vector.extract %slice3A_1469[0] : f32 from vector<1xf32>
        %get3A_1471 = arith.index_cast %add3A_1468 : i32 to index
        %get3A_1472 = arith.constant 0 : index
        %get3A_1473 = tpu.vector_load %arg9[%get3A_1471, %get3A_1472] {strides = array<i32>} : memref<208x128xf32, #tpu.memory_space<vmem>>, vector<1x16xf32>,
        %get3A_1474 = vector.shape_cast %get3A_1473 : vector<1x16xf32> to vector<16xf32>
        %mul3A_1475 = vector.broadcast %squeeze3A_1470 : f32 to vector<16xf32>
        %mul3A_1476 = arith.mulf %mul3A_1475, %get3A_1474 : vector<16xf32>
        %add3A_1477 = arith.addf %add3A_1445, %mul3A_1476 : vector<16xf32>
        %get3A_1478 = arith.index_cast %add3A_1468 : i32 to index
        %get3A_1479 = arith.constant 16 : index
        %get3A_1480 = tpu.vector_load %arg9[%get3A_1478, %get3A_1479] {strides = array<i32>} : memref<208x128xf32, #tpu.memory_space<vmem>>, vector<1x16xf32>,
        %get3A_1481 = vector.shape_cast %get3A_1480 : vector<1x16xf32> to vector<16xf32>
        %mul3A_1482 = vector.broadcast %squeeze3A_1470 : f32 to vector<16xf32>
        %mul3A_1483 = arith.mulf %mul3A_1482, %get3A_1481 : vector<16xf32>
        %add3A_1484 = arith.addf %add3A_1452, %mul3A_1483 : vector<16xf32>
        %get3A_1485 = arith.index_cast %add3A_1468 : i32 to index
        %get3A_1486 = arith.constant 32 : index
        %get3A_1487 = tpu.vector_load %arg9[%get3A_1485, %get3A_1486] {strides = array<i32>} : memref<208x128xf32, #tpu.memory_space<vmem>>, vector<1x16xf32>,
        %get3A_1488 = vector.shape_cast %get3A_1487 : vector<1x16xf32> to vector<16xf32>
        %mul3A_1489 = vector.broadcast %squeeze3A_1470 : f32 to vector<16xf32>
        %mul3A_1490 = arith.mulf %mul3A_1489, %get3A_1488 : vector<16xf32>
        %add3A_1491 = arith.addf %add3A_1459, %mul3A_1490 : vector<16xf32>
        %get3A_1492 = arith.index_cast %add3A_1468 : i32 to index
        %get3A_1493 = arith.constant 48 : index
        %get3A_1494 = tpu.vector_load %arg9[%get3A_1492, %get3A_1493] {strides = array<i32>} : memref<208x128xf32, #tpu.memory_space<vmem>>, vector<1x16xf32>,
        %get3A_1495 = vector.shape_cast %get3A_1494 : vector<1x16xf32> to vector<16xf32>
        %mul3A_1496 = vector.broadcast %squeeze3A_1470 : f32 to vector<16xf32>
        %mul3A_1497 = arith.mulf %mul3A_1496, %get3A_1495 : vector<16xf32>
        %add3A_1498 = arith.addf %add3A_1466, %mul3A_1497 : vector<16xf32>
        %add3A_1499 = arith.constant 15 : i32
        %add3A_1500 = arith.addi %mul3A_1012, %add3A_1499 : i32
        %slice3A_1501 = vector.extract_strided_slice %select_n3A {offsets = [15], sizes = [1], strides = [1]} : vector<16xf32> to vector<1xf32>
        %squeeze3A_1502 = vector.extract %slice3A_1501[0] : f32 from vector<1xf32>
        %get3A_1503 = arith.index_cast %add3A_1500 : i32 to index
        %get3A_1504 = arith.constant 0 : index
        %get3A_1505 = tpu.vector_load %arg9[%get3A_1503, %get3A_1504] {strides = array<i32>} : memref<208x128xf32, #tpu.memory_space<vmem>>, vector<1x16xf32>,
        %get3A_1506 = vector.shape_cast %get3A_1505 : vector<1x16xf32> to vector<16xf32>
        %mul3A_1507 = vector.broadcast %squeeze3A_1502 : f32 to vector<16xf32>
        %mul3A_1508 = arith.mulf %mul3A_1507, %get3A_1506 : vector<16xf32>
        %add3A_1509 = arith.addf %add3A_1477, %mul3A_1508 : vector<16xf32>
        %get3A_1510 = arith.index_cast %add3A_1500 : i32 to index
        %get3A_1511 = arith.constant 16 : index
        %get3A_1512 = tpu.vector_load %arg9[%get3A_1510, %get3A_1511] {strides = array<i32>} : memref<208x128xf32, #tpu.memory_space<vmem>>, vector<1x16xf32>,
        %get3A_1513 = vector.shape_cast %get3A_1512 : vector<1x16xf32> to vector<16xf32>
        %mul3A_1514 = vector.broadcast %squeeze3A_1502 : f32 to vector<16xf32>
        %mul3A_1515 = arith.mulf %mul3A_1514, %get3A_1513 : vector<16xf32>
        %add3A_1516 = arith.addf %add3A_1484, %mul3A_1515 : vector<16xf32>
        %get3A_1517 = arith.index_cast %add3A_1500 : i32 to index
        %get3A_1518 = arith.constant 32 : index
        %get3A_1519 = tpu.vector_load %arg9[%get3A_1517, %get3A_1518] {strides = array<i32>} : memref<208x128xf32, #tpu.memory_space<vmem>>, vector<1x16xf32>,
        %get3A_1520 = vector.shape_cast %get3A_1519 : vector<1x16xf32> to vector<16xf32>
        %mul3A_1521 = vector.broadcast %squeeze3A_1502 : f32 to vector<16xf32>
        %mul3A_1522 = arith.mulf %mul3A_1521, %get3A_1520 : vector<16xf32>
        %add3A_1523 = arith.addf %add3A_1491, %mul3A_1522 : vector<16xf32>
        %get3A_1524 = arith.index_cast %add3A_1500 : i32 to index
        %get3A_1525 = arith.constant 48 : index
        %get3A_1526 = tpu.vector_load %arg9[%get3A_1524, %get3A_1525] {strides = array<i32>} : memref<208x128xf32, #tpu.memory_space<vmem>>, vector<1x16xf32>,
        %get3A_1527 = vector.shape_cast %get3A_1526 : vector<1x16xf32> to vector<16xf32>
        %mul3A_1528 = vector.broadcast %squeeze3A_1502 : f32 to vector<16xf32>
        %mul3A_1529 = arith.mulf %mul3A_1528, %get3A_1527 : vector<16xf32>
        %add3A_1530 = arith.addf %add3A_1498, %mul3A_1529 : vector<16xf32>
        scf.yield %add3A_1509, %add3A_1516, %add3A_1523, %add3A_1530 : vector<16xf32>, vector<16xf32>, vector<16xf32>, vector<16xf32>
      }
      %scan3A_916 = arith.constant 13 : i32
      %swap3A_917 = arith.index_cast %add3A_878 : i32 to index
      %swap3A_918 = arith.constant 0 : index
      %swap3A_919 = tpu.vector_load %arg11[%swap3A_917, %swap3A_918] {strides = array<i32>} : memref<128x64xf32, #tpu.memory_space<vmem>>, vector<1x16xf32>,
      %swap3A_920 = vector.shape_cast %swap3A_919 : vector<1x16xf32> to vector<16xf32>
      %swap3A_921 = vector.shape_cast %scan3A_915#0 : vector<16xf32> to vector<1x16xf32>
      tpu.vector_store %arg11[%swap3A_917, %swap3A_918], %swap3A_921 {strides = array<i32>} : memref<128x64xf32, #tpu.memory_space<vmem>>, vector<1x16xf32>,
      %swap3A_922 = arith.index_cast %add3A_878 : i32 to index
      %swap3A_923 = arith.constant 16 : index
      %swap3A_924 = tpu.vector_load %arg11[%swap3A_922, %swap3A_923] {strides = array<i32>} : memref<128x64xf32, #tpu.memory_space<vmem>>, vector<1x16xf32>,
      %swap3A_925 = vector.shape_cast %swap3A_924 : vector<1x16xf32> to vector<16xf32>
      %swap3A_926 = vector.shape_cast %scan3A_915#1 : vector<16xf32> to vector<1x16xf32>
      tpu.vector_store %arg11[%swap3A_922, %swap3A_923], %swap3A_926 {strides = array<i32>} : memref<128x64xf32, #tpu.memory_space<vmem>>, vector<1x16xf32>,
      %swap3A_927 = arith.index_cast %add3A_878 : i32 to index
      %swap3A_928 = arith.constant 32 : index
      %swap3A_929 = tpu.vector_load %arg11[%swap3A_927, %swap3A_928] {strides = array<i32>} : memref<128x64xf32, #tpu.memory_space<vmem>>, vector<1x16xf32>,
      %swap3A_930 = vector.shape_cast %swap3A_929 : vector<1x16xf32> to vector<16xf32>
      %swap3A_931 = vector.shape_cast %scan3A_915#2 : vector<16xf32> to vector<1x16xf32>
      tpu.vector_store %arg11[%swap3A_927, %swap3A_928], %swap3A_931 {strides = array<i32>} : memref<128x64xf32, #tpu.memory_space<vmem>>, vector<1x16xf32>,
      %swap3A_932 = arith.index_cast %add3A_878 : i32 to index
      %swap3A_933 = arith.constant 48 : index
      %swap3A_934 = tpu.vector_load %arg11[%swap3A_932, %swap3A_933] {strides = array<i32>} : memref<128x64xf32, #tpu.memory_space<vmem>>, vector<1x16xf32>,
      %swap3A_935 = vector.shape_cast %swap3A_934 : vector<1x16xf32> to vector<16xf32>
      %swap3A_936 = vector.shape_cast %scan3A_915#3 : vector<16xf32> to vector<1x16xf32>
      tpu.vector_store %arg11[%swap3A_932, %swap3A_933], %swap3A_936 {strides = array<i32>} : memref<128x64xf32, #tpu.memory_space<vmem>>, vector<1x16xf32>,
      %lt3A = arith.constant 63 : i32
      %lt3A_937 = arith.cmpi slt, %scan3A_874, %lt3A : i32
      %convert_element_type3A = arith.extui %lt3A_937 : i1 to i32
      %cond3A = arith.constant 0 : i32
      %cond3A_938 = arith.cmpi ne, %convert_element_type3A, %cond3A : i32
      scf.if %cond3A_938 {
        %add3A_1006 = arith.constant 2 : i32
        %add3A_1007 = arith.addi %add3A_878, %add3A_1006 : i32
        %dma_start3A_1008 = arith.constant 0 : i32
        %dma_start3A_1009 = arith.constant 0 : i32
        %dma_start3A_1010 = tpu.memref_slice %arg9[%dma_start3A_1008, %dma_start3A_1009] : memref<208x128xf32, #tpu.memory_space<vmem>> -> memref<112x128xf32, #tpu.memory_space<vmem>>
        %dma_start3A_1011 = arith.constant 0 : i32
        %dma_start3A_1012 = tpu.memref_slice %arg6[%add3A_1007, %dma_start3A_1011] : memref<128x208xi32, #tpu.memory_space<vmem>> -> memref<1x112xi32, #tpu.memory_space<vmem>>
        %dma_start3A_1013 = tpu.memref_squeeze %dma_start3A_1012 : memref<1x112xi32, #tpu.memory_space<vmem>> -> memref<112xi32, #tpu.memory_space<vmem>>
        %dma_start3A_1014 = arith.constant 0 : i32
        %dma_start3A_1015 = arith.constant 0 : i32
        %dma_start3A_1016 = tpu.memref_slice %arg4[%dma_start3A_1014, %dma_start3A_1015] : memref<1015808x128xf32, #tpu.memory_space<hbm>> -> memref<1015808x128xf32, #tpu.memory_space<hbm>>
        tpu.enqueue_indirect_dma source(%dma_start3A_1016 : memref<1015808x128xf32, #tpu.memory_space<hbm>>) target(%dma_start3A_1010 : memref<112x128xf32, #tpu.memory_space<vmem>>) offsets(%dma_start3A_1013 : memref<112xi32, #tpu.memory_space<vmem>>) semaphore(%arg13 : memref<!tpu.dma_semaphore, #tpu.memory_space<semaphore_mem>>)
        %dma_start3A_1017 = arith.constant 112 : i32
        %dma_start3A_1018 = arith.constant 0 : i32
        %dma_start3A_1019 = tpu.memref_slice %arg9[%dma_start3A_1017, %dma_start3A_1018] : memref<208x128xf32, #tpu.memory_space<vmem>> -> memref<88x128xf32, #tpu.memory_space<vmem>>
        %dma_start3A_1020 = arith.constant 112 : i32
        %dma_start3A_1021 = tpu.memref_slice %arg6[%add3A_1007, %dma_start3A_1020] : memref<128x208xi32, #tpu.memory_space<vmem>> -> memref<1x88xi32, #tpu.memory_space<vmem>>
        %dma_start3A_1022 = tpu.memref_squeeze %dma_start3A_1021 : memref<1x88xi32, #tpu.memory_space<vmem>> -> memref<88xi32, #tpu.memory_space<vmem>>
        %dma_start3A_1023 = arith.constant 0 : i32
        %dma_start3A_1024 = arith.constant 0 : i32
        %dma_start3A_1025 = tpu.memref_slice %arg4[%dma_start3A_1023, %dma_start3A_1024] : memref<1015808x128xf32, #tpu.memory_space<hbm>> -> memref<1015808x128xf32, #tpu.memory_space<hbm>>
        tpu.enqueue_indirect_dma source(%dma_start3A_1025 : memref<1015808x128xf32, #tpu.memory_space<hbm>>) target(%dma_start3A_1019 : memref<88x128xf32, #tpu.memory_space<vmem>>) offsets(%dma_start3A_1022 : memref<88xi32, #tpu.memory_space<vmem>>) semaphore(%arg13 : memref<!tpu.dma_semaphore, #tpu.memory_space<semaphore_mem>>)
        %dma_start3A_1026 = arith.constant 0 : i32
        %dma_start3A_1027 = tpu.memref_slice %arg7[%dma_start3A_1026] : memref<208xf32, #tpu.memory_space<vmem>> -> memref<112xf32, #tpu.memory_space<vmem>>
        %dma_start3A_1028 = arith.constant 0 : i32
        %dma_start3A_1029 = tpu.memref_slice %arg6[%add3A_1007, %dma_start3A_1028] : memref<128x208xi32, #tpu.memory_space<vmem>> -> memref<1x112xi32, #tpu.memory_space<vmem>>
        %dma_start3A_1030 = tpu.memref_squeeze %dma_start3A_1029 : memref<1x112xi32, #tpu.memory_space<vmem>> -> memref<112xi32, #tpu.memory_space<vmem>>
        %dma_start3A_1031 = arith.constant 0 : i32
        %dma_start3A_1032 = tpu.memref_slice %arg3[%dma_start3A_1031] : memref<1015808xf32, #tpu.memory_space<hbm>> -> memref<1015808xf32, #tpu.memory_space<hbm>>
        tpu.enqueue_indirect_dma source(%dma_start3A_1032 : memref<1015808xf32, #tpu.memory_space<hbm>>) target(%dma_start3A_1027 : memref<112xf32, #tpu.memory_space<vmem>>) offsets(%dma_start3A_1030 : memref<112xi32, #tpu.memory_space<vmem>>) semaphore(%arg13 : memref<!tpu.dma_semaphore, #tpu.memory_space<semaphore_mem>>)
        %dma_start3A_1033 = arith.constant 112 : i32
        %dma_start3A_1034 = tpu.memref_slice %arg7[%dma_start3A_1033] : memref<208xf32, #tpu.memory_space<vmem>> -> memref<88xf32, #tpu.memory_space<vmem>>
        %dma_start3A_1035 = arith.constant 112 : i32
        %dma_start3A_1036 = tpu.memref_slice %arg6[%add3A_1007, %dma_start3A_1035] : memref<128x208xi32, #tpu.memory_space<vmem>> -> memref<1x88xi32, #tpu.memory_space<vmem>>
        %dma_start3A_1037 = tpu.memref_squeeze %dma_start3A_1036 : memref<1x88xi32, #tpu.memory_space<vmem>> -> memref<88xi32, #tpu.memory_space<vmem>>
        %dma_start3A_1038 = arith.constant 0 : i32
        %dma_start3A_1039 = tpu.memref_slice %arg3[%dma_start3A_1038] : memref<1015808xf32, #tpu.memory_space<hbm>> -> memref<1015808xf32, #tpu.memory_space<hbm>>
        tpu.enqueue_indirect_dma source(%dma_start3A_1039 : memref<1015808xf32, #tpu.memory_space<hbm>>) target(%dma_start3A_1034 : memref<88xf32, #tpu.memory_space<vmem>>) offsets(%dma_start3A_1037 : memref<88xi32, #tpu.memory_space<vmem>>) semaphore(%arg13 : memref<!tpu.dma_semaphore, #tpu.memory_space<semaphore_mem>>)
      } else {
      }
      %mul3A_939 = arith.constant 2 : i32
      %mul3A_940 = arith.muli %scan3A_874, %mul3A_939 : i32
      %add3A_941 = arith.constant 1 : i32
      %add3A_942 = arith.addi %mul3A_940, %add3A_941 : i32
      %dma_wait3A_943 = arith.constant 0 : i32
      %dma_wait3A_944 = arith.constant 0 : i32
      %dma_wait3A_945 = tpu.memref_slice %arg10[%dma_wait3A_943, %dma_wait3A_944] : memref<208x128xf32, #tpu.memory_space<vmem>> -> memref<112x128xf32, #tpu.memory_space<vmem>>
      %dma_wait3A_946 = arith.constant 0 : i32
      %dma_wait3A_947 = tpu.memref_slice %arg6[%add3A_942, %dma_wait3A_946] : memref<128x208xi32, #tpu.memory_space<vmem>> -> memref<1x112xi32, #tpu.memory_space<vmem>>
      %dma_wait3A_948 = tpu.memref_squeeze %dma_wait3A_947 : memref<1x112xi32, #tpu.memory_space<vmem>> -> memref<112xi32, #tpu.memory_space<vmem>>
      %dma_wait3A_949 = arith.constant 0 : i32
      %dma_wait3A_950 = arith.constant 0 : i32
      %dma_wait3A_951 = tpu.memref_slice %arg4[%dma_wait3A_949, %dma_wait3A_950] : memref<1015808x128xf32, #tpu.memory_space<hbm>> -> memref<1015808x128xf32, #tpu.memory_space<hbm>>
      tpu.wait_indirect_dma semaphore(%arg14 : memref<!tpu.dma_semaphore, #tpu.memory_space<semaphore_mem>>) src(%dma_wait3A_951 : memref<1015808x128xf32, #tpu.memory_space<hbm>>) dst(%dma_wait3A_945 : memref<112x128xf32, #tpu.memory_space<vmem>>)
      %dma_wait3A_952 = arith.constant 112 : i32
      %dma_wait3A_953 = arith.constant 0 : i32
      %dma_wait3A_954 = tpu.memref_slice %arg10[%dma_wait3A_952, %dma_wait3A_953] : memref<208x128xf32, #tpu.memory_space<vmem>> -> memref<88x128xf32, #tpu.memory_space<vmem>>
      %dma_wait3A_955 = arith.constant 112 : i32
      %dma_wait3A_956 = tpu.memref_slice %arg6[%add3A_942, %dma_wait3A_955] : memref<128x208xi32, #tpu.memory_space<vmem>> -> memref<1x88xi32, #tpu.memory_space<vmem>>
      %dma_wait3A_957 = tpu.memref_squeeze %dma_wait3A_956 : memref<1x88xi32, #tpu.memory_space<vmem>> -> memref<88xi32, #tpu.memory_space<vmem>>
      %dma_wait3A_958 = arith.constant 0 : i32
      %dma_wait3A_959 = arith.constant 0 : i32
      %dma_wait3A_960 = tpu.memref_slice %arg4[%dma_wait3A_958, %dma_wait3A_959] : memref<1015808x128xf32, #tpu.memory_space<hbm>> -> memref<1015808x128xf32, #tpu.memory_space<hbm>>
      tpu.wait_indirect_dma semaphore(%arg14 : memref<!tpu.dma_semaphore, #tpu.memory_space<semaphore_mem>>) src(%dma_wait3A_960 : memref<1015808x128xf32, #tpu.memory_space<hbm>>) dst(%dma_wait3A_954 : memref<88x128xf32, #tpu.memory_space<vmem>>)
      %dma_wait3A_961 = arith.constant 0 : i32
      %dma_wait3A_962 = tpu.memref_slice %arg8[%dma_wait3A_961] : memref<208xf32, #tpu.memory_space<vmem>> -> memref<112xf32, #tpu.memory_space<vmem>>
      %dma_wait3A_963 = arith.constant 0 : i32
      %dma_wait3A_964 = tpu.memref_slice %arg6[%add3A_942, %dma_wait3A_963] : memref<128x208xi32, #tpu.memory_space<vmem>> -> memref<1x112xi32, #tpu.memory_space<vmem>>
      %dma_wait3A_965 = tpu.memref_squeeze %dma_wait3A_964 : memref<1x112xi32, #tpu.memory_space<vmem>> -> memref<112xi32, #tpu.memory_space<vmem>>
      %dma_wait3A_966 = arith.constant 0 : i32
      %dma_wait3A_967 = tpu.memref_slice %arg3[%dma_wait3A_966] : memref<1015808xf32, #tpu.memory_space<hbm>> -> memref<1015808xf32, #tpu.memory_space<hbm>>
      tpu.wait_indirect_dma semaphore(%arg14 : memref<!tpu.dma_semaphore, #tpu.memory_space<semaphore_mem>>) src(%dma_wait3A_967 : memref<1015808xf32, #tpu.memory_space<hbm>>) dst(%dma_wait3A_962 : memref<112xf32, #tpu.memory_space<vmem>>)
      %dma_wait3A_968 = arith.constant 112 : i32
      %dma_wait3A_969 = tpu.memref_slice %arg8[%dma_wait3A_968] : memref<208xf32, #tpu.memory_space<vmem>> -> memref<88xf32, #tpu.memory_space<vmem>>
      %dma_wait3A_970 = arith.constant 112 : i32
      %dma_wait3A_971 = tpu.memref_slice %arg6[%add3A_942, %dma_wait3A_970] : memref<128x208xi32, #tpu.memory_space<vmem>> -> memref<1x88xi32, #tpu.memory_space<vmem>>
      %dma_wait3A_972 = tpu.memref_squeeze %dma_wait3A_971 : memref<1x88xi32, #tpu.memory_space<vmem>> -> memref<88xi32, #tpu.memory_space<vmem>>
      %dma_wait3A_973 = arith.constant 0 : i32
      %dma_wait3A_974 = tpu.memref_slice %arg3[%dma_wait3A_973] : memref<1015808xf32, #tpu.memory_space<hbm>> -> memref<1015808xf32, #tpu.memory_space<hbm>>
      tpu.wait_indirect_dma semaphore(%arg14 : memref<!tpu.dma_semaphore, #tpu.memory_space<semaphore_mem>>) src(%dma_wait3A_974 : memref<1015808xf32, #tpu.memory_space<hbm>>) dst(%dma_wait3A_969 : memref<88xf32, #tpu.memory_space<vmem>>)
      %scan3A_975 = arith.constant 0 : i32
      %scan3A_976 = arith.constant 13 : i32
      %scan3A_977 = arith.addi %scan3A_975, %scan3A_976 : i32
      %scan3A_978 = arith.constant 1 : i32
      %scan3A_979:4 = scf.for %scan3A_1006 = %scan3A_975 to %scan3A_977 step %scan3A_978 iter_args(%scan3A_1007 = %broadcast_in_dim3A_3, %scan3A_1008 = %broadcast_in_dim3A_3, %scan3A_1009 = %broadcast_in_dim3A_3, %scan3A_1010 = %broadcast_in_dim3A_3) -> (vector<16xf32>, vector<16xf32>, vector<16xf32>, vector<16xf32>)  : i32 {
        %mul3A_1011 = arith.constant 16 : i32
        %mul3A_1012 = arith.muli %scan3A_1006, %mul3A_1011 : i32
        %get3A = arith.index_cast %add3A_942 : i32 to index
        %get3A_1013 = arith.index_cast %mul3A_1012 : i32 to index
        %get3A_1014 = tpu.vector_load %arg6[%get3A, %get3A_1013] {strides = array<i32>} : memref<128x208xi32, #tpu.memory_space<vmem>>, vector<1x16xi32>,
        %get3A_1015 = vector.shape_cast %get3A_1014 : vector<1x16xi32> to vector<16xi32>
        %get3A_1016 = arith.index_cast %mul3A_1012 : i32 to index
        %get3A_1017 = tpu.vector_load %arg8[%get3A_1016] {strides = array<i32>} : memref<208xf32, #tpu.memory_space<vmem>>, vector<16xf32>,
        %get3A_1018 = vector.shape_cast %get3A_1017 : vector<16xf32> to vector<16xf32>
        %eq3A = arith.constant 0 : i32
        %eq3A_1019 = vector.broadcast %eq3A : i32 to vector<16xi32>
        %eq3A_1020 = arith.cmpi eq, %get3A_1015, %eq3A_1019 : vector<16xi32>
        %exp3A = math.exp %get3A_1018 : vector<16xf32>
        %select_n3A = arith.select %eq3A_1020, %broadcast_in_dim3A_3, %exp3A : vector<16xi1>, vector<16xf32>
        %add3A_1021 = arith.constant 0 : i32
        %add3A_1022 = arith.addi %mul3A_1012, %add3A_1021 : i32
        %slice3A = vector.extract_strided_slice %select_n3A {offsets = [0], sizes = [1], strides = [1]} : vector<16xf32> to vector<1xf32>
        %squeeze3A = vector.extract %slice3A[0] : f32 from vector<1xf32>
        %get3A_1023 = arith.index_cast %add3A_1022 : i32 to index
        %get3A_1024 = arith.constant 0 : index
        %get3A_1025 = tpu.vector_load %arg10[%get3A_1023, %get3A_1024] {strides = array<i32>} : memref<208x128xf32, #tpu.memory_space<vmem>>, vector<1x16xf32>,
        %get3A_1026 = vector.shape_cast %get3A_1025 : vector<1x16xf32> to vector<16xf32>
        %mul3A_1027 = vector.broadcast %squeeze3A : f32 to vector<16xf32>
        %mul3A_1028 = arith.mulf %mul3A_1027, %get3A_1026 : vector<16xf32>
        %add3A_1029 = arith.addf %scan3A_1007, %mul3A_1028 : vector<16xf32>
        %get3A_1030 = arith.index_cast %add3A_1022 : i32 to index
        %get3A_1031 = arith.constant 16 : index
        %get3A_1032 = tpu.vector_load %arg10[%get3A_1030, %get3A_1031] {strides = array<i32>} : memref<208x128xf32, #tpu.memory_space<vmem>>, vector<1x16xf32>,
        %get3A_1033 = vector.shape_cast %get3A_1032 : vector<1x16xf32> to vector<16xf32>
        %mul3A_1034 = vector.broadcast %squeeze3A : f32 to vector<16xf32>
        %mul3A_1035 = arith.mulf %mul3A_1034, %get3A_1033 : vector<16xf32>
        %add3A_1036 = arith.addf %scan3A_1008, %mul3A_1035 : vector<16xf32>
        %get3A_1037 = arith.index_cast %add3A_1022 : i32 to index
        %get3A_1038 = arith.constant 32 : index
        %get3A_1039 = tpu.vector_load %arg10[%get3A_1037, %get3A_1038] {strides = array<i32>} : memref<208x128xf32, #tpu.memory_space<vmem>>, vector<1x16xf32>,
        %get3A_1040 = vector.shape_cast %get3A_1039 : vector<1x16xf32> to vector<16xf32>
        %mul3A_1041 = vector.broadcast %squeeze3A : f32 to vector<16xf32>
        %mul3A_1042 = arith.mulf %mul3A_1041, %get3A_1040 : vector<16xf32>
        %add3A_1043 = arith.addf %scan3A_1009, %mul3A_1042 : vector<16xf32>
        %get3A_1044 = arith.index_cast %add3A_1022 : i32 to index
        %get3A_1045 = arith.constant 48 : index
        %get3A_1046 = tpu.vector_load %arg10[%get3A_1044, %get3A_1045] {strides = array<i32>} : memref<208x128xf32, #tpu.memory_space<vmem>>, vector<1x16xf32>,
        %get3A_1047 = vector.shape_cast %get3A_1046 : vector<1x16xf32> to vector<16xf32>
        %mul3A_1048 = vector.broadcast %squeeze3A : f32 to vector<16xf32>
        %mul3A_1049 = arith.mulf %mul3A_1048, %get3A_1047 : vector<16xf32>
        %add3A_1050 = arith.addf %scan3A_1010, %mul3A_1049 : vector<16xf32>
        %add3A_1051 = arith.constant 1 : i32
        %add3A_1052 = arith.addi %mul3A_1012, %add3A_1051 : i32
        %slice3A_1053 = vector.extract_strided_slice %select_n3A {offsets = [1], sizes = [1], strides = [1]} : vector<16xf32> to vector<1xf32>
        %squeeze3A_1054 = vector.extract %slice3A_1053[0] : f32 from vector<1xf32>
        %get3A_1055 = arith.index_cast %add3A_1052 : i32 to index
        %get3A_1056 = arith.constant 0 : index
        %get3A_1057 = tpu.vector_load %arg10[%get3A_1055, %get3A_1056] {strides = array<i32>} : memref<208x128xf32, #tpu.memory_space<vmem>>, vector<1x16xf32>,
        %get3A_1058 = vector.shape_cast %get3A_1057 : vector<1x16xf32> to vector<16xf32>
        %mul3A_1059 = vector.broadcast %squeeze3A_1054 : f32 to vector<16xf32>
        %mul3A_1060 = arith.mulf %mul3A_1059, %get3A_1058 : vector<16xf32>
        %add3A_1061 = arith.addf %add3A_1029, %mul3A_1060 : vector<16xf32>
        %get3A_1062 = arith.index_cast %add3A_1052 : i32 to index
        %get3A_1063 = arith.constant 16 : index
        %get3A_1064 = tpu.vector_load %arg10[%get3A_1062, %get3A_1063] {strides = array<i32>} : memref<208x128xf32, #tpu.memory_space<vmem>>, vector<1x16xf32>,
        %get3A_1065 = vector.shape_cast %get3A_1064 : vector<1x16xf32> to vector<16xf32>
        %mul3A_1066 = vector.broadcast %squeeze3A_1054 : f32 to vector<16xf32>
        %mul3A_1067 = arith.mulf %mul3A_1066, %get3A_1065 : vector<16xf32>
        %add3A_1068 = arith.addf %add3A_1036, %mul3A_1067 : vector<16xf32>
        %get3A_1069 = arith.index_cast %add3A_1052 : i32 to index
        %get3A_1070 = arith.constant 32 : index
        %get3A_1071 = tpu.vector_load %arg10[%get3A_1069, %get3A_1070] {strides = array<i32>} : memref<208x128xf32, #tpu.memory_space<vmem>>, vector<1x16xf32>,
        %get3A_1072 = vector.shape_cast %get3A_1071 : vector<1x16xf32> to vector<16xf32>
        %mul3A_1073 = vector.broadcast %squeeze3A_1054 : f32 to vector<16xf32>
        %mul3A_1074 = arith.mulf %mul3A_1073, %get3A_1072 : vector<16xf32>
        %add3A_1075 = arith.addf %add3A_1043, %mul3A_1074 : vector<16xf32>
        %get3A_1076 = arith.index_cast %add3A_1052 : i32 to index
        %get3A_1077 = arith.constant 48 : index
        %get3A_1078 = tpu.vector_load %arg10[%get3A_1076, %get3A_1077] {strides = array<i32>} : memref<208x128xf32, #tpu.memory_space<vmem>>, vector<1x16xf32>,
        %get3A_1079 = vector.shape_cast %get3A_1078 : vector<1x16xf32> to vector<16xf32>
        %mul3A_1080 = vector.broadcast %squeeze3A_1054 : f32 to vector<16xf32>
        %mul3A_1081 = arith.mulf %mul3A_1080, %get3A_1079 : vector<16xf32>
        %add3A_1082 = arith.addf %add3A_1050, %mul3A_1081 : vector<16xf32>
        %add3A_1083 = arith.constant 2 : i32
        %add3A_1084 = arith.addi %mul3A_1012, %add3A_1083 : i32
        %slice3A_1085 = vector.extract_strided_slice %select_n3A {offsets = [2], sizes = [1], strides = [1]} : vector<16xf32> to vector<1xf32>
        %squeeze3A_1086 = vector.extract %slice3A_1085[0] : f32 from vector<1xf32>
        %get3A_1087 = arith.index_cast %add3A_1084 : i32 to index
        %get3A_1088 = arith.constant 0 : index
        %get3A_1089 = tpu.vector_load %arg10[%get3A_1087, %get3A_1088] {strides = array<i32>} : memref<208x128xf32, #tpu.memory_space<vmem>>, vector<1x16xf32>,
        %get3A_1090 = vector.shape_cast %get3A_1089 : vector<1x16xf32> to vector<16xf32>
        %mul3A_1091 = vector.broadcast %squeeze3A_1086 : f32 to vector<16xf32>
        %mul3A_1092 = arith.mulf %mul3A_1091, %get3A_1090 : vector<16xf32>
        %add3A_1093 = arith.addf %add3A_1061, %mul3A_1092 : vector<16xf32>
        %get3A_1094 = arith.index_cast %add3A_1084 : i32 to index
        %get3A_1095 = arith.constant 16 : index
        %get3A_1096 = tpu.vector_load %arg10[%get3A_1094, %get3A_1095] {strides = array<i32>} : memref<208x128xf32, #tpu.memory_space<vmem>>, vector<1x16xf32>,
        %get3A_1097 = vector.shape_cast %get3A_1096 : vector<1x16xf32> to vector<16xf32>
        %mul3A_1098 = vector.broadcast %squeeze3A_1086 : f32 to vector<16xf32>
        %mul3A_1099 = arith.mulf %mul3A_1098, %get3A_1097 : vector<16xf32>
        %add3A_1100 = arith.addf %add3A_1068, %mul3A_1099 : vector<16xf32>
        %get3A_1101 = arith.index_cast %add3A_1084 : i32 to index
        %get3A_1102 = arith.constant 32 : index
        %get3A_1103 = tpu.vector_load %arg10[%get3A_1101, %get3A_1102] {strides = array<i32>} : memref<208x128xf32, #tpu.memory_space<vmem>>, vector<1x16xf32>,
        %get3A_1104 = vector.shape_cast %get3A_1103 : vector<1x16xf32> to vector<16xf32>
        %mul3A_1105 = vector.broadcast %squeeze3A_1086 : f32 to vector<16xf32>
        %mul3A_1106 = arith.mulf %mul3A_1105, %get3A_1104 : vector<16xf32>
        %add3A_1107 = arith.addf %add3A_1075, %mul3A_1106 : vector<16xf32>
        %get3A_1108 = arith.index_cast %add3A_1084 : i32 to index
        %get3A_1109 = arith.constant 48 : index
        %get3A_1110 = tpu.vector_load %arg10[%get3A_1108, %get3A_1109] {strides = array<i32>} : memref<208x128xf32, #tpu.memory_space<vmem>>, vector<1x16xf32>,
        %get3A_1111 = vector.shape_cast %get3A_1110 : vector<1x16xf32> to vector<16xf32>
        %mul3A_1112 = vector.broadcast %squeeze3A_1086 : f32 to vector<16xf32>
        %mul3A_1113 = arith.mulf %mul3A_1112, %get3A_1111 : vector<16xf32>
        %add3A_1114 = arith.addf %add3A_1082, %mul3A_1113 : vector<16xf32>
        %add3A_1115 = arith.constant 3 : i32
        %add3A_1116 = arith.addi %mul3A_1012, %add3A_1115 : i32
        %slice3A_1117 = vector.extract_strided_slice %select_n3A {offsets = [3], sizes = [1], strides = [1]} : vector<16xf32> to vector<1xf32>
        %squeeze3A_1118 = vector.extract %slice3A_1117[0] : f32 from vector<1xf32>
        %get3A_1119 = arith.index_cast %add3A_1116 : i32 to index
        %get3A_1120 = arith.constant 0 : index
        %get3A_1121 = tpu.vector_load %arg10[%get3A_1119, %get3A_1120] {strides = array<i32>} : memref<208x128xf32, #tpu.memory_space<vmem>>, vector<1x16xf32>,
        %get3A_1122 = vector.shape_cast %get3A_1121 : vector<1x16xf32> to vector<16xf32>
        %mul3A_1123 = vector.broadcast %squeeze3A_1118 : f32 to vector<16xf32>
        %mul3A_1124 = arith.mulf %mul3A_1123, %get3A_1122 : vector<16xf32>
        %add3A_1125 = arith.addf %add3A_1093, %mul3A_1124 : vector<16xf32>
        %get3A_1126 = arith.index_cast %add3A_1116 : i32 to index
        %get3A_1127 = arith.constant 16 : index
        %get3A_1128 = tpu.vector_load %arg10[%get3A_1126, %get3A_1127] {strides = array<i32>} : memref<208x128xf32, #tpu.memory_space<vmem>>, vector<1x16xf32>,
        %get3A_1129 = vector.shape_cast %get3A_1128 : vector<1x16xf32> to vector<16xf32>
        %mul3A_1130 = vector.broadcast %squeeze3A_1118 : f32 to vector<16xf32>
        %mul3A_1131 = arith.mulf %mul3A_1130, %get3A_1129 : vector<16xf32>
        %add3A_1132 = arith.addf %add3A_1100, %mul3A_1131 : vector<16xf32>
        %get3A_1133 = arith.index_cast %add3A_1116 : i32 to index
        %get3A_1134 = arith.constant 32 : index
        %get3A_1135 = tpu.vector_load %arg10[%get3A_1133, %get3A_1134] {strides = array<i32>} : memref<208x128xf32, #tpu.memory_space<vmem>>, vector<1x16xf32>,
        %get3A_1136 = vector.shape_cast %get3A_1135 : vector<1x16xf32> to vector<16xf32>
        %mul3A_1137 = vector.broadcast %squeeze3A_1118 : f32 to vector<16xf32>
        %mul3A_1138 = arith.mulf %mul3A_1137, %get3A_1136 : vector<16xf32>
        %add3A_1139 = arith.addf %add3A_1107, %mul3A_1138 : vector<16xf32>
        %get3A_1140 = arith.index_cast %add3A_1116 : i32 to index
        %get3A_1141 = arith.constant 48 : index
        %get3A_1142 = tpu.vector_load %arg10[%get3A_1140, %get3A_1141] {strides = array<i32>} : memref<208x128xf32, #tpu.memory_space<vmem>>, vector<1x16xf32>,
        %get3A_1143 = vector.shape_cast %get3A_1142 : vector<1x16xf32> to vector<16xf32>
        %mul3A_1144 = vector.broadcast %squeeze3A_1118 : f32 to vector<16xf32>
        %mul3A_1145 = arith.mulf %mul3A_1144, %get3A_1143 : vector<16xf32>
        %add3A_1146 = arith.addf %add3A_1114, %mul3A_1145 : vector<16xf32>
        %add3A_1147 = arith.constant 4 : i32
        %add3A_1148 = arith.addi %mul3A_1012, %add3A_1147 : i32
        %slice3A_1149 = vector.extract_strided_slice %select_n3A {offsets = [4], sizes = [1], strides = [1]} : vector<16xf32> to vector<1xf32>
        %squeeze3A_1150 = vector.extract %slice3A_1149[0] : f32 from vector<1xf32>
        %get3A_1151 = arith.index_cast %add3A_1148 : i32 to index
        %get3A_1152 = arith.constant 0 : index
        %get3A_1153 = tpu.vector_load %arg10[%get3A_1151, %get3A_1152] {strides = array<i32>} : memref<208x128xf32, #tpu.memory_space<vmem>>, vector<1x16xf32>,
        %get3A_1154 = vector.shape_cast %get3A_1153 : vector<1x16xf32> to vector<16xf32>
        %mul3A_1155 = vector.broadcast %squeeze3A_1150 : f32 to vector<16xf32>
        %mul3A_1156 = arith.mulf %mul3A_1155, %get3A_1154 : vector<16xf32>
        %add3A_1157 = arith.addf %add3A_1125, %mul3A_1156 : vector<16xf32>
        %get3A_1158 = arith.index_cast %add3A_1148 : i32 to index
        %get3A_1159 = arith.constant 16 : index
        %get3A_1160 = tpu.vector_load %arg10[%get3A_1158, %get3A_1159] {strides = array<i32>} : memref<208x128xf32, #tpu.memory_space<vmem>>, vector<1x16xf32>,
        %get3A_1161 = vector.shape_cast %get3A_1160 : vector<1x16xf32> to vector<16xf32>
        %mul3A_1162 = vector.broadcast %squeeze3A_1150 : f32 to vector<16xf32>
        %mul3A_1163 = arith.mulf %mul3A_1162, %get3A_1161 : vector<16xf32>
        %add3A_1164 = arith.addf %add3A_1132, %mul3A_1163 : vector<16xf32>
        %get3A_1165 = arith.index_cast %add3A_1148 : i32 to index
        %get3A_1166 = arith.constant 32 : index
        %get3A_1167 = tpu.vector_load %arg10[%get3A_1165, %get3A_1166] {strides = array<i32>} : memref<208x128xf32, #tpu.memory_space<vmem>>, vector<1x16xf32>,
        %get3A_1168 = vector.shape_cast %get3A_1167 : vector<1x16xf32> to vector<16xf32>
        %mul3A_1169 = vector.broadcast %squeeze3A_1150 : f32 to vector<16xf32>
        %mul3A_1170 = arith.mulf %mul3A_1169, %get3A_1168 : vector<16xf32>
        %add3A_1171 = arith.addf %add3A_1139, %mul3A_1170 : vector<16xf32>
        %get3A_1172 = arith.index_cast %add3A_1148 : i32 to index
        %get3A_1173 = arith.constant 48 : index
        %get3A_1174 = tpu.vector_load %arg10[%get3A_1172, %get3A_1173] {strides = array<i32>} : memref<208x128xf32, #tpu.memory_space<vmem>>, vector<1x16xf32>,
        %get3A_1175 = vector.shape_cast %get3A_1174 : vector<1x16xf32> to vector<16xf32>
        %mul3A_1176 = vector.broadcast %squeeze3A_1150 : f32 to vector<16xf32>
        %mul3A_1177 = arith.mulf %mul3A_1176, %get3A_1175 : vector<16xf32>
        %add3A_1178 = arith.addf %add3A_1146, %mul3A_1177 : vector<16xf32>
        %add3A_1179 = arith.constant 5 : i32
        %add3A_1180 = arith.addi %mul3A_1012, %add3A_1179 : i32
        %slice3A_1181 = vector.extract_strided_slice %select_n3A {offsets = [5], sizes = [1], strides = [1]} : vector<16xf32> to vector<1xf32>
        %squeeze3A_1182 = vector.extract %slice3A_1181[0] : f32 from vector<1xf32>
        %get3A_1183 = arith.index_cast %add3A_1180 : i32 to index
        %get3A_1184 = arith.constant 0 : index
        %get3A_1185 = tpu.vector_load %arg10[%get3A_1183, %get3A_1184] {strides = array<i32>} : memref<208x128xf32, #tpu.memory_space<vmem>>, vector<1x16xf32>,
        %get3A_1186 = vector.shape_cast %get3A_1185 : vector<1x16xf32> to vector<16xf32>
        %mul3A_1187 = vector.broadcast %squeeze3A_1182 : f32 to vector<16xf32>
        %mul3A_1188 = arith.mulf %mul3A_1187, %get3A_1186 : vector<16xf32>
        %add3A_1189 = arith.addf %add3A_1157, %mul3A_1188 : vector<16xf32>
        %get3A_1190 = arith.index_cast %add3A_1180 : i32 to index
        %get3A_1191 = arith.constant 16 : index
        %get3A_1192 = tpu.vector_load %arg10[%get3A_1190, %get3A_1191] {strides = array<i32>} : memref<208x128xf32, #tpu.memory_space<vmem>>, vector<1x16xf32>,
        %get3A_1193 = vector.shape_cast %get3A_1192 : vector<1x16xf32> to vector<16xf32>
        %mul3A_1194 = vector.broadcast %squeeze3A_1182 : f32 to vector<16xf32>
        %mul3A_1195 = arith.mulf %mul3A_1194, %get3A_1193 : vector<16xf32>
        %add3A_1196 = arith.addf %add3A_1164, %mul3A_1195 : vector<16xf32>
        %get3A_1197 = arith.index_cast %add3A_1180 : i32 to index
        %get3A_1198 = arith.constant 32 : index
        %get3A_1199 = tpu.vector_load %arg10[%get3A_1197, %get3A_1198] {strides = array<i32>} : memref<208x128xf32, #tpu.memory_space<vmem>>, vector<1x16xf32>,
        %get3A_1200 = vector.shape_cast %get3A_1199 : vector<1x16xf32> to vector<16xf32>
        %mul3A_1201 = vector.broadcast %squeeze3A_1182 : f32 to vector<16xf32>
        %mul3A_1202 = arith.mulf %mul3A_1201, %get3A_1200 : vector<16xf32>
        %add3A_1203 = arith.addf %add3A_1171, %mul3A_1202 : vector<16xf32>
        %get3A_1204 = arith.index_cast %add3A_1180 : i32 to index
        %get3A_1205 = arith.constant 48 : index
        %get3A_1206 = tpu.vector_load %arg10[%get3A_1204, %get3A_1205] {strides = array<i32>} : memref<208x128xf32, #tpu.memory_space<vmem>>, vector<1x16xf32>,
        %get3A_1207 = vector.shape_cast %get3A_1206 : vector<1x16xf32> to vector<16xf32>
        %mul3A_1208 = vector.broadcast %squeeze3A_1182 : f32 to vector<16xf32>
        %mul3A_1209 = arith.mulf %mul3A_1208, %get3A_1207 : vector<16xf32>
        %add3A_1210 = arith.addf %add3A_1178, %mul3A_1209 : vector<16xf32>
        %add3A_1211 = arith.constant 6 : i32
        %add3A_1212 = arith.addi %mul3A_1012, %add3A_1211 : i32
        %slice3A_1213 = vector.extract_strided_slice %select_n3A {offsets = [6], sizes = [1], strides = [1]} : vector<16xf32> to vector<1xf32>
        %squeeze3A_1214 = vector.extract %slice3A_1213[0] : f32 from vector<1xf32>
        %get3A_1215 = arith.index_cast %add3A_1212 : i32 to index
        %get3A_1216 = arith.constant 0 : index
        %get3A_1217 = tpu.vector_load %arg10[%get3A_1215, %get3A_1216] {strides = array<i32>} : memref<208x128xf32, #tpu.memory_space<vmem>>, vector<1x16xf32>,
        %get3A_1218 = vector.shape_cast %get3A_1217 : vector<1x16xf32> to vector<16xf32>
        %mul3A_1219 = vector.broadcast %squeeze3A_1214 : f32 to vector<16xf32>
        %mul3A_1220 = arith.mulf %mul3A_1219, %get3A_1218 : vector<16xf32>
        %add3A_1221 = arith.addf %add3A_1189, %mul3A_1220 : vector<16xf32>
        %get3A_1222 = arith.index_cast %add3A_1212 : i32 to index
        %get3A_1223 = arith.constant 16 : index
        %get3A_1224 = tpu.vector_load %arg10[%get3A_1222, %get3A_1223] {strides = array<i32>} : memref<208x128xf32, #tpu.memory_space<vmem>>, vector<1x16xf32>,
        %get3A_1225 = vector.shape_cast %get3A_1224 : vector<1x16xf32> to vector<16xf32>
        %mul3A_1226 = vector.broadcast %squeeze3A_1214 : f32 to vector<16xf32>
        %mul3A_1227 = arith.mulf %mul3A_1226, %get3A_1225 : vector<16xf32>
        %add3A_1228 = arith.addf %add3A_1196, %mul3A_1227 : vector<16xf32>
        %get3A_1229 = arith.index_cast %add3A_1212 : i32 to index
        %get3A_1230 = arith.constant 32 : index
        %get3A_1231 = tpu.vector_load %arg10[%get3A_1229, %get3A_1230] {strides = array<i32>} : memref<208x128xf32, #tpu.memory_space<vmem>>, vector<1x16xf32>,
        %get3A_1232 = vector.shape_cast %get3A_1231 : vector<1x16xf32> to vector<16xf32>
        %mul3A_1233 = vector.broadcast %squeeze3A_1214 : f32 to vector<16xf32>
        %mul3A_1234 = arith.mulf %mul3A_1233, %get3A_1232 : vector<16xf32>
        %add3A_1235 = arith.addf %add3A_1203, %mul3A_1234 : vector<16xf32>
        %get3A_1236 = arith.index_cast %add3A_1212 : i32 to index
        %get3A_1237 = arith.constant 48 : index
        %get3A_1238 = tpu.vector_load %arg10[%get3A_1236, %get3A_1237] {strides = array<i32>} : memref<208x128xf32, #tpu.memory_space<vmem>>, vector<1x16xf32>,
        %get3A_1239 = vector.shape_cast %get3A_1238 : vector<1x16xf32> to vector<16xf32>
        %mul3A_1240 = vector.broadcast %squeeze3A_1214 : f32 to vector<16xf32>
        %mul3A_1241 = arith.mulf %mul3A_1240, %get3A_1239 : vector<16xf32>
        %add3A_1242 = arith.addf %add3A_1210, %mul3A_1241 : vector<16xf32>
        %add3A_1243 = arith.constant 7 : i32
        %add3A_1244 = arith.addi %mul3A_1012, %add3A_1243 : i32
        %slice3A_1245 = vector.extract_strided_slice %select_n3A {offsets = [7], sizes = [1], strides = [1]} : vector<16xf32> to vector<1xf32>
        %squeeze3A_1246 = vector.extract %slice3A_1245[0] : f32 from vector<1xf32>
        %get3A_1247 = arith.index_cast %add3A_1244 : i32 to index
        %get3A_1248 = arith.constant 0 : index
        %get3A_1249 = tpu.vector_load %arg10[%get3A_1247, %get3A_1248] {strides = array<i32>} : memref<208x128xf32, #tpu.memory_space<vmem>>, vector<1x16xf32>,
        %get3A_1250 = vector.shape_cast %get3A_1249 : vector<1x16xf32> to vector<16xf32>
        %mul3A_1251 = vector.broadcast %squeeze3A_1246 : f32 to vector<16xf32>
        %mul3A_1252 = arith.mulf %mul3A_1251, %get3A_1250 : vector<16xf32>
        %add3A_1253 = arith.addf %add3A_1221, %mul3A_1252 : vector<16xf32>
        %get3A_1254 = arith.index_cast %add3A_1244 : i32 to index
        %get3A_1255 = arith.constant 16 : index
        %get3A_1256 = tpu.vector_load %arg10[%get3A_1254, %get3A_1255] {strides = array<i32>} : memref<208x128xf32, #tpu.memory_space<vmem>>, vector<1x16xf32>,
        %get3A_1257 = vector.shape_cast %get3A_1256 : vector<1x16xf32> to vector<16xf32>
        %mul3A_1258 = vector.broadcast %squeeze3A_1246 : f32 to vector<16xf32>
        %mul3A_1259 = arith.mulf %mul3A_1258, %get3A_1257 : vector<16xf32>
        %add3A_1260 = arith.addf %add3A_1228, %mul3A_1259 : vector<16xf32>
        %get3A_1261 = arith.index_cast %add3A_1244 : i32 to index
        %get3A_1262 = arith.constant 32 : index
        %get3A_1263 = tpu.vector_load %arg10[%get3A_1261, %get3A_1262] {strides = array<i32>} : memref<208x128xf32, #tpu.memory_space<vmem>>, vector<1x16xf32>,
        %get3A_1264 = vector.shape_cast %get3A_1263 : vector<1x16xf32> to vector<16xf32>
        %mul3A_1265 = vector.broadcast %squeeze3A_1246 : f32 to vector<16xf32>
        %mul3A_1266 = arith.mulf %mul3A_1265, %get3A_1264 : vector<16xf32>
        %add3A_1267 = arith.addf %add3A_1235, %mul3A_1266 : vector<16xf32>
        %get3A_1268 = arith.index_cast %add3A_1244 : i32 to index
        %get3A_1269 = arith.constant 48 : index
        %get3A_1270 = tpu.vector_load %arg10[%get3A_1268, %get3A_1269] {strides = array<i32>} : memref<208x128xf32, #tpu.memory_space<vmem>>, vector<1x16xf32>,
        %get3A_1271 = vector.shape_cast %get3A_1270 : vector<1x16xf32> to vector<16xf32>
        %mul3A_1272 = vector.broadcast %squeeze3A_1246 : f32 to vector<16xf32>
        %mul3A_1273 = arith.mulf %mul3A_1272, %get3A_1271 : vector<16xf32>
        %add3A_1274 = arith.addf %add3A_1242, %mul3A_1273 : vector<16xf32>
        %add3A_1275 = arith.constant 8 : i32
        %add3A_1276 = arith.addi %mul3A_1012, %add3A_1275 : i32
        %slice3A_1277 = vector.extract_strided_slice %select_n3A {offsets = [8], sizes = [1], strides = [1]} : vector<16xf32> to vector<1xf32>
        %squeeze3A_1278 = vector.extract %slice3A_1277[0] : f32 from vector<1xf32>
        %get3A_1279 = arith.index_cast %add3A_1276 : i32 to index
        %get3A_1280 = arith.constant 0 : index
        %get3A_1281 = tpu.vector_load %arg10[%get3A_1279, %get3A_1280] {strides = array<i32>} : memref<208x128xf32, #tpu.memory_space<vmem>>, vector<1x16xf32>,
        %get3A_1282 = vector.shape_cast %get3A_1281 : vector<1x16xf32> to vector<16xf32>
        %mul3A_1283 = vector.broadcast %squeeze3A_1278 : f32 to vector<16xf32>
        %mul3A_1284 = arith.mulf %mul3A_1283, %get3A_1282 : vector<16xf32>
        %add3A_1285 = arith.addf %add3A_1253, %mul3A_1284 : vector<16xf32>
        %get3A_1286 = arith.index_cast %add3A_1276 : i32 to index
        %get3A_1287 = arith.constant 16 : index
        %get3A_1288 = tpu.vector_load %arg10[%get3A_1286, %get3A_1287] {strides = array<i32>} : memref<208x128xf32, #tpu.memory_space<vmem>>, vector<1x16xf32>,
        %get3A_1289 = vector.shape_cast %get3A_1288 : vector<1x16xf32> to vector<16xf32>
        %mul3A_1290 = vector.broadcast %squeeze3A_1278 : f32 to vector<16xf32>
        %mul3A_1291 = arith.mulf %mul3A_1290, %get3A_1289 : vector<16xf32>
        %add3A_1292 = arith.addf %add3A_1260, %mul3A_1291 : vector<16xf32>
        %get3A_1293 = arith.index_cast %add3A_1276 : i32 to index
        %get3A_1294 = arith.constant 32 : index
        %get3A_1295 = tpu.vector_load %arg10[%get3A_1293, %get3A_1294] {strides = array<i32>} : memref<208x128xf32, #tpu.memory_space<vmem>>, vector<1x16xf32>,
        %get3A_1296 = vector.shape_cast %get3A_1295 : vector<1x16xf32> to vector<16xf32>
        %mul3A_1297 = vector.broadcast %squeeze3A_1278 : f32 to vector<16xf32>
        %mul3A_1298 = arith.mulf %mul3A_1297, %get3A_1296 : vector<16xf32>
        %add3A_1299 = arith.addf %add3A_1267, %mul3A_1298 : vector<16xf32>
        %get3A_1300 = arith.index_cast %add3A_1276 : i32 to index
        %get3A_1301 = arith.constant 48 : index
        %get3A_1302 = tpu.vector_load %arg10[%get3A_1300, %get3A_1301] {strides = array<i32>} : memref<208x128xf32, #tpu.memory_space<vmem>>, vector<1x16xf32>,
        %get3A_1303 = vector.shape_cast %get3A_1302 : vector<1x16xf32> to vector<16xf32>
        %mul3A_1304 = vector.broadcast %squeeze3A_1278 : f32 to vector<16xf32>
        %mul3A_1305 = arith.mulf %mul3A_1304, %get3A_1303 : vector<16xf32>
        %add3A_1306 = arith.addf %add3A_1274, %mul3A_1305 : vector<16xf32>
        %add3A_1307 = arith.constant 9 : i32
        %add3A_1308 = arith.addi %mul3A_1012, %add3A_1307 : i32
        %slice3A_1309 = vector.extract_strided_slice %select_n3A {offsets = [9], sizes = [1], strides = [1]} : vector<16xf32> to vector<1xf32>
        %squeeze3A_1310 = vector.extract %slice3A_1309[0] : f32 from vector<1xf32>
        %get3A_1311 = arith.index_cast %add3A_1308 : i32 to index
        %get3A_1312 = arith.constant 0 : index
        %get3A_1313 = tpu.vector_load %arg10[%get3A_1311, %get3A_1312] {strides = array<i32>} : memref<208x128xf32, #tpu.memory_space<vmem>>, vector<1x16xf32>,
        %get3A_1314 = vector.shape_cast %get3A_1313 : vector<1x16xf32> to vector<16xf32>
        %mul3A_1315 = vector.broadcast %squeeze3A_1310 : f32 to vector<16xf32>
        %mul3A_1316 = arith.mulf %mul3A_1315, %get3A_1314 : vector<16xf32>
        %add3A_1317 = arith.addf %add3A_1285, %mul3A_1316 : vector<16xf32>
        %get3A_1318 = arith.index_cast %add3A_1308 : i32 to index
        %get3A_1319 = arith.constant 16 : index
        %get3A_1320 = tpu.vector_load %arg10[%get3A_1318, %get3A_1319] {strides = array<i32>} : memref<208x128xf32, #tpu.memory_space<vmem>>, vector<1x16xf32>,
        %get3A_1321 = vector.shape_cast %get3A_1320 : vector<1x16xf32> to vector<16xf32>
        %mul3A_1322 = vector.broadcast %squeeze3A_1310 : f32 to vector<16xf32>
        %mul3A_1323 = arith.mulf %mul3A_1322, %get3A_1321 : vector<16xf32>
        %add3A_1324 = arith.addf %add3A_1292, %mul3A_1323 : vector<16xf32>
        %get3A_1325 = arith.index_cast %add3A_1308 : i32 to index
        %get3A_1326 = arith.constant 32 : index
        %get3A_1327 = tpu.vector_load %arg10[%get3A_1325, %get3A_1326] {strides = array<i32>} : memref<208x128xf32, #tpu.memory_space<vmem>>, vector<1x16xf32>,
        %get3A_1328 = vector.shape_cast %get3A_1327 : vector<1x16xf32> to vector<16xf32>
        %mul3A_1329 = vector.broadcast %squeeze3A_1310 : f32 to vector<16xf32>
        %mul3A_1330 = arith.mulf %mul3A_1329, %get3A_1328 : vector<16xf32>
        %add3A_1331 = arith.addf %add3A_1299, %mul3A_1330 : vector<16xf32>
        %get3A_1332 = arith.index_cast %add3A_1308 : i32 to index
        %get3A_1333 = arith.constant 48 : index
        %get3A_1334 = tpu.vector_load %arg10[%get3A_1332, %get3A_1333] {strides = array<i32>} : memref<208x128xf32, #tpu.memory_space<vmem>>, vector<1x16xf32>,
        %get3A_1335 = vector.shape_cast %get3A_1334 : vector<1x16xf32> to vector<16xf32>
        %mul3A_1336 = vector.broadcast %squeeze3A_1310 : f32 to vector<16xf32>
        %mul3A_1337 = arith.mulf %mul3A_1336, %get3A_1335 : vector<16xf32>
        %add3A_1338 = arith.addf %add3A_1306, %mul3A_1337 : vector<16xf32>
        %add3A_1339 = arith.constant 10 : i32
        %add3A_1340 = arith.addi %mul3A_1012, %add3A_1339 : i32
        %slice3A_1341 = vector.extract_strided_slice %select_n3A {offsets = [10], sizes = [1], strides = [1]} : vector<16xf32> to vector<1xf32>
        %squeeze3A_1342 = vector.extract %slice3A_1341[0] : f32 from vector<1xf32>
        %get3A_1343 = arith.index_cast %add3A_1340 : i32 to index
        %get3A_1344 = arith.constant 0 : index
        %get3A_1345 = tpu.vector_load %arg10[%get3A_1343, %get3A_1344] {strides = array<i32>} : memref<208x128xf32, #tpu.memory_space<vmem>>, vector<1x16xf32>,
        %get3A_1346 = vector.shape_cast %get3A_1345 : vector<1x16xf32> to vector<16xf32>
        %mul3A_1347 = vector.broadcast %squeeze3A_1342 : f32 to vector<16xf32>
        %mul3A_1348 = arith.mulf %mul3A_1347, %get3A_1346 : vector<16xf32>
        %add3A_1349 = arith.addf %add3A_1317, %mul3A_1348 : vector<16xf32>
        %get3A_1350 = arith.index_cast %add3A_1340 : i32 to index
        %get3A_1351 = arith.constant 16 : index
        %get3A_1352 = tpu.vector_load %arg10[%get3A_1350, %get3A_1351] {strides = array<i32>} : memref<208x128xf32, #tpu.memory_space<vmem>>, vector<1x16xf32>,
        %get3A_1353 = vector.shape_cast %get3A_1352 : vector<1x16xf32> to vector<16xf32>
        %mul3A_1354 = vector.broadcast %squeeze3A_1342 : f32 to vector<16xf32>
        %mul3A_1355 = arith.mulf %mul3A_1354, %get3A_1353 : vector<16xf32>
        %add3A_1356 = arith.addf %add3A_1324, %mul3A_1355 : vector<16xf32>
        %get3A_1357 = arith.index_cast %add3A_1340 : i32 to index
        %get3A_1358 = arith.constant 32 : index
        %get3A_1359 = tpu.vector_load %arg10[%get3A_1357, %get3A_1358] {strides = array<i32>} : memref<208x128xf32, #tpu.memory_space<vmem>>, vector<1x16xf32>,
        %get3A_1360 = vector.shape_cast %get3A_1359 : vector<1x16xf32> to vector<16xf32>
        %mul3A_1361 = vector.broadcast %squeeze3A_1342 : f32 to vector<16xf32>
        %mul3A_1362 = arith.mulf %mul3A_1361, %get3A_1360 : vector<16xf32>
        %add3A_1363 = arith.addf %add3A_1331, %mul3A_1362 : vector<16xf32>
        %get3A_1364 = arith.index_cast %add3A_1340 : i32 to index
        %get3A_1365 = arith.constant 48 : index
        %get3A_1366 = tpu.vector_load %arg10[%get3A_1364, %get3A_1365] {strides = array<i32>} : memref<208x128xf32, #tpu.memory_space<vmem>>, vector<1x16xf32>,
        %get3A_1367 = vector.shape_cast %get3A_1366 : vector<1x16xf32> to vector<16xf32>
        %mul3A_1368 = vector.broadcast %squeeze3A_1342 : f32 to vector<16xf32>
        %mul3A_1369 = arith.mulf %mul3A_1368, %get3A_1367 : vector<16xf32>
        %add3A_1370 = arith.addf %add3A_1338, %mul3A_1369 : vector<16xf32>
        %add3A_1371 = arith.constant 11 : i32
        %add3A_1372 = arith.addi %mul3A_1012, %add3A_1371 : i32
        %slice3A_1373 = vector.extract_strided_slice %select_n3A {offsets = [11], sizes = [1], strides = [1]} : vector<16xf32> to vector<1xf32>
        %squeeze3A_1374 = vector.extract %slice3A_1373[0] : f32 from vector<1xf32>
        %get3A_1375 = arith.index_cast %add3A_1372 : i32 to index
        %get3A_1376 = arith.constant 0 : index
        %get3A_1377 = tpu.vector_load %arg10[%get3A_1375, %get3A_1376] {strides = array<i32>} : memref<208x128xf32, #tpu.memory_space<vmem>>, vector<1x16xf32>,
        %get3A_1378 = vector.shape_cast %get3A_1377 : vector<1x16xf32> to vector<16xf32>
        %mul3A_1379 = vector.broadcast %squeeze3A_1374 : f32 to vector<16xf32>
        %mul3A_1380 = arith.mulf %mul3A_1379, %get3A_1378 : vector<16xf32>
        %add3A_1381 = arith.addf %add3A_1349, %mul3A_1380 : vector<16xf32>
        %get3A_1382 = arith.index_cast %add3A_1372 : i32 to index
        %get3A_1383 = arith.constant 16 : index
        %get3A_1384 = tpu.vector_load %arg10[%get3A_1382, %get3A_1383] {strides = array<i32>} : memref<208x128xf32, #tpu.memory_space<vmem>>, vector<1x16xf32>,
        %get3A_1385 = vector.shape_cast %get3A_1384 : vector<1x16xf32> to vector<16xf32>
        %mul3A_1386 = vector.broadcast %squeeze3A_1374 : f32 to vector<16xf32>
        %mul3A_1387 = arith.mulf %mul3A_1386, %get3A_1385 : vector<16xf32>
        %add3A_1388 = arith.addf %add3A_1356, %mul3A_1387 : vector<16xf32>
        %get3A_1389 = arith.index_cast %add3A_1372 : i32 to index
        %get3A_1390 = arith.constant 32 : index
        %get3A_1391 = tpu.vector_load %arg10[%get3A_1389, %get3A_1390] {strides = array<i32>} : memref<208x128xf32, #tpu.memory_space<vmem>>, vector<1x16xf32>,
        %get3A_1392 = vector.shape_cast %get3A_1391 : vector<1x16xf32> to vector<16xf32>
        %mul3A_1393 = vector.broadcast %squeeze3A_1374 : f32 to vector<16xf32>
        %mul3A_1394 = arith.mulf %mul3A_1393, %get3A_1392 : vector<16xf32>
        %add3A_1395 = arith.addf %add3A_1363, %mul3A_1394 : vector<16xf32>
        %get3A_1396 = arith.index_cast %add3A_1372 : i32 to index
        %get3A_1397 = arith.constant 48 : index
        %get3A_1398 = tpu.vector_load %arg10[%get3A_1396, %get3A_1397] {strides = array<i32>} : memref<208x128xf32, #tpu.memory_space<vmem>>, vector<1x16xf32>,
        %get3A_1399 = vector.shape_cast %get3A_1398 : vector<1x16xf32> to vector<16xf32>
        %mul3A_1400 = vector.broadcast %squeeze3A_1374 : f32 to vector<16xf32>
        %mul3A_1401 = arith.mulf %mul3A_1400, %get3A_1399 : vector<16xf32>
        %add3A_1402 = arith.addf %add3A_1370, %mul3A_1401 : vector<16xf32>
        %add3A_1403 = arith.constant 12 : i32
        %add3A_1404 = arith.addi %mul3A_1012, %add3A_1403 : i32
        %slice3A_1405 = vector.extract_strided_slice %select_n3A {offsets = [12], sizes = [1], strides = [1]} : vector<16xf32> to vector<1xf32>
        %squeeze3A_1406 = vector.extract %slice3A_1405[0] : f32 from vector<1xf32>
        %get3A_1407 = arith.index_cast %add3A_1404 : i32 to index
        %get3A_1408 = arith.constant 0 : index
        %get3A_1409 = tpu.vector_load %arg10[%get3A_1407, %get3A_1408] {strides = array<i32>} : memref<208x128xf32, #tpu.memory_space<vmem>>, vector<1x16xf32>,
        %get3A_1410 = vector.shape_cast %get3A_1409 : vector<1x16xf32> to vector<16xf32>
        %mul3A_1411 = vector.broadcast %squeeze3A_1406 : f32 to vector<16xf32>
        %mul3A_1412 = arith.mulf %mul3A_1411, %get3A_1410 : vector<16xf32>
        %add3A_1413 = arith.addf %add3A_1381, %mul3A_1412 : vector<16xf32>
        %get3A_1414 = arith.index_cast %add3A_1404 : i32 to index
        %get3A_1415 = arith.constant 16 : index
        %get3A_1416 = tpu.vector_load %arg10[%get3A_1414, %get3A_1415] {strides = array<i32>} : memref<208x128xf32, #tpu.memory_space<vmem>>, vector<1x16xf32>,
        %get3A_1417 = vector.shape_cast %get3A_1416 : vector<1x16xf32> to vector<16xf32>
        %mul3A_1418 = vector.broadcast %squeeze3A_1406 : f32 to vector<16xf32>
        %mul3A_1419 = arith.mulf %mul3A_1418, %get3A_1417 : vector<16xf32>
        %add3A_1420 = arith.addf %add3A_1388, %mul3A_1419 : vector<16xf32>
        %get3A_1421 = arith.index_cast %add3A_1404 : i32 to index
        %get3A_1422 = arith.constant 32 : index
        %get3A_1423 = tpu.vector_load %arg10[%get3A_1421, %get3A_1422] {strides = array<i32>} : memref<208x128xf32, #tpu.memory_space<vmem>>, vector<1x16xf32>,
        %get3A_1424 = vector.shape_cast %get3A_1423 : vector<1x16xf32> to vector<16xf32>
        %mul3A_1425 = vector.broadcast %squeeze3A_1406 : f32 to vector<16xf32>
        %mul3A_1426 = arith.mulf %mul3A_1425, %get3A_1424 : vector<16xf32>
        %add3A_1427 = arith.addf %add3A_1395, %mul3A_1426 : vector<16xf32>
        %get3A_1428 = arith.index_cast %add3A_1404 : i32 to index
        %get3A_1429 = arith.constant 48 : index
        %get3A_1430 = tpu.vector_load %arg10[%get3A_1428, %get3A_1429] {strides = array<i32>} : memref<208x128xf32, #tpu.memory_space<vmem>>, vector<1x16xf32>,
        %get3A_1431 = vector.shape_cast %get3A_1430 : vector<1x16xf32> to vector<16xf32>
        %mul3A_1432 = vector.broadcast %squeeze3A_1406 : f32 to vector<16xf32>
        %mul3A_1433 = arith.mulf %mul3A_1432, %get3A_1431 : vector<16xf32>
        %add3A_1434 = arith.addf %add3A_1402, %mul3A_1433 : vector<16xf32>
        %add3A_1435 = arith.constant 13 : i32
        %add3A_1436 = arith.addi %mul3A_1012, %add3A_1435 : i32
        %slice3A_1437 = vector.extract_strided_slice %select_n3A {offsets = [13], sizes = [1], strides = [1]} : vector<16xf32> to vector<1xf32>
        %squeeze3A_1438 = vector.extract %slice3A_1437[0] : f32 from vector<1xf32>
        %get3A_1439 = arith.index_cast %add3A_1436 : i32 to index
        %get3A_1440 = arith.constant 0 : index
        %get3A_1441 = tpu.vector_load %arg10[%get3A_1439, %get3A_1440] {strides = array<i32>} : memref<208x128xf32, #tpu.memory_space<vmem>>, vector<1x16xf32>,
        %get3A_1442 = vector.shape_cast %get3A_1441 : vector<1x16xf32> to vector<16xf32>
        %mul3A_1443 = vector.broadcast %squeeze3A_1438 : f32 to vector<16xf32>
        %mul3A_1444 = arith.mulf %mul3A_1443, %get3A_1442 : vector<16xf32>
        %add3A_1445 = arith.addf %add3A_1413, %mul3A_1444 : vector<16xf32>
        %get3A_1446 = arith.index_cast %add3A_1436 : i32 to index
        %get3A_1447 = arith.constant 16 : index
        %get3A_1448 = tpu.vector_load %arg10[%get3A_1446, %get3A_1447] {strides = array<i32>} : memref<208x128xf32, #tpu.memory_space<vmem>>, vector<1x16xf32>,
        %get3A_1449 = vector.shape_cast %get3A_1448 : vector<1x16xf32> to vector<16xf32>
        %mul3A_1450 = vector.broadcast %squeeze3A_1438 : f32 to vector<16xf32>
        %mul3A_1451 = arith.mulf %mul3A_1450, %get3A_1449 : vector<16xf32>
        %add3A_1452 = arith.addf %add3A_1420, %mul3A_1451 : vector<16xf32>
        %get3A_1453 = arith.index_cast %add3A_1436 : i32 to index
        %get3A_1454 = arith.constant 32 : index
        %get3A_1455 = tpu.vector_load %arg10[%get3A_1453, %get3A_1454] {strides = array<i32>} : memref<208x128xf32, #tpu.memory_space<vmem>>, vector<1x16xf32>,
        %get3A_1456 = vector.shape_cast %get3A_1455 : vector<1x16xf32> to vector<16xf32>
        %mul3A_1457 = vector.broadcast %squeeze3A_1438 : f32 to vector<16xf32>
        %mul3A_1458 = arith.mulf %mul3A_1457, %get3A_1456 : vector<16xf32>
        %add3A_1459 = arith.addf %add3A_1427, %mul3A_1458 : vector<16xf32>
        %get3A_1460 = arith.index_cast %add3A_1436 : i32 to index
        %get3A_1461 = arith.constant 48 : index
        %get3A_1462 = tpu.vector_load %arg10[%get3A_1460, %get3A_1461] {strides = array<i32>} : memref<208x128xf32, #tpu.memory_space<vmem>>, vector<1x16xf32>,
        %get3A_1463 = vector.shape_cast %get3A_1462 : vector<1x16xf32> to vector<16xf32>
        %mul3A_1464 = vector.broadcast %squeeze3A_1438 : f32 to vector<16xf32>
        %mul3A_1465 = arith.mulf %mul3A_1464, %get3A_1463 : vector<16xf32>
        %add3A_1466 = arith.addf %add3A_1434, %mul3A_1465 : vector<16xf32>
        %add3A_1467 = arith.constant 14 : i32
        %add3A_1468 = arith.addi %mul3A_1012, %add3A_1467 : i32
        %slice3A_1469 = vector.extract_strided_slice %select_n3A {offsets = [14], sizes = [1], strides = [1]} : vector<16xf32> to vector<1xf32>
        %squeeze3A_1470 = vector.extract %slice3A_1469[0] : f32 from vector<1xf32>
        %get3A_1471 = arith.index_cast %add3A_1468 : i32 to index
        %get3A_1472 = arith.constant 0 : index
        %get3A_1473 = tpu.vector_load %arg10[%get3A_1471, %get3A_1472] {strides = array<i32>} : memref<208x128xf32, #tpu.memory_space<vmem>>, vector<1x16xf32>,
        %get3A_1474 = vector.shape_cast %get3A_1473 : vector<1x16xf32> to vector<16xf32>
        %mul3A_1475 = vector.broadcast %squeeze3A_1470 : f32 to vector<16xf32>
        %mul3A_1476 = arith.mulf %mul3A_1475, %get3A_1474 : vector<16xf32>
        %add3A_1477 = arith.addf %add3A_1445, %mul3A_1476 : vector<16xf32>
        %get3A_1478 = arith.index_cast %add3A_1468 : i32 to index
        %get3A_1479 = arith.constant 16 : index
        %get3A_1480 = tpu.vector_load %arg10[%get3A_1478, %get3A_1479] {strides = array<i32>} : memref<208x128xf32, #tpu.memory_space<vmem>>, vector<1x16xf32>,
        %get3A_1481 = vector.shape_cast %get3A_1480 : vector<1x16xf32> to vector<16xf32>
        %mul3A_1482 = vector.broadcast %squeeze3A_1470 : f32 to vector<16xf32>
        %mul3A_1483 = arith.mulf %mul3A_1482, %get3A_1481 : vector<16xf32>
        %add3A_1484 = arith.addf %add3A_1452, %mul3A_1483 : vector<16xf32>
        %get3A_1485 = arith.index_cast %add3A_1468 : i32 to index
        %get3A_1486 = arith.constant 32 : index
        %get3A_1487 = tpu.vector_load %arg10[%get3A_1485, %get3A_1486] {strides = array<i32>} : memref<208x128xf32, #tpu.memory_space<vmem>>, vector<1x16xf32>,
        %get3A_1488 = vector.shape_cast %get3A_1487 : vector<1x16xf32> to vector<16xf32>
        %mul3A_1489 = vector.broadcast %squeeze3A_1470 : f32 to vector<16xf32>
        %mul3A_1490 = arith.mulf %mul3A_1489, %get3A_1488 : vector<16xf32>
        %add3A_1491 = arith.addf %add3A_1459, %mul3A_1490 : vector<16xf32>
        %get3A_1492 = arith.index_cast %add3A_1468 : i32 to index
        %get3A_1493 = arith.constant 48 : index
        %get3A_1494 = tpu.vector_load %arg10[%get3A_1492, %get3A_1493] {strides = array<i32>} : memref<208x128xf32, #tpu.memory_space<vmem>>, vector<1x16xf32>,
        %get3A_1495 = vector.shape_cast %get3A_1494 : vector<1x16xf32> to vector<16xf32>
        %mul3A_1496 = vector.broadcast %squeeze3A_1470 : f32 to vector<16xf32>
        %mul3A_1497 = arith.mulf %mul3A_1496, %get3A_1495 : vector<16xf32>
        %add3A_1498 = arith.addf %add3A_1466, %mul3A_1497 : vector<16xf32>
        %add3A_1499 = arith.constant 15 : i32
        %add3A_1500 = arith.addi %mul3A_1012, %add3A_1499 : i32
        %slice3A_1501 = vector.extract_strided_slice %select_n3A {offsets = [15], sizes = [1], strides = [1]} : vector<16xf32> to vector<1xf32>
        %squeeze3A_1502 = vector.extract %slice3A_1501[0] : f32 from vector<1xf32>
        %get3A_1503 = arith.index_cast %add3A_1500 : i32 to index
        %get3A_1504 = arith.constant 0 : index
        %get3A_1505 = tpu.vector_load %arg10[%get3A_1503, %get3A_1504] {strides = array<i32>} : memref<208x128xf32, #tpu.memory_space<vmem>>, vector<1x16xf32>,
        %get3A_1506 = vector.shape_cast %get3A_1505 : vector<1x16xf32> to vector<16xf32>
        %mul3A_1507 = vector.broadcast %squeeze3A_1502 : f32 to vector<16xf32>
        %mul3A_1508 = arith.mulf %mul3A_1507, %get3A_1506 : vector<16xf32>
        %add3A_1509 = arith.addf %add3A_1477, %mul3A_1508 : vector<16xf32>
        %get3A_1510 = arith.index_cast %add3A_1500 : i32 to index
        %get3A_1511 = arith.constant 16 : index
        %get3A_1512 = tpu.vector_load %arg10[%get3A_1510, %get3A_1511] {strides = array<i32>} : memref<208x128xf32, #tpu.memory_space<vmem>>, vector<1x16xf32>,
        %get3A_1513 = vector.shape_cast %get3A_1512 : vector<1x16xf32> to vector<16xf32>
        %mul3A_1514 = vector.broadcast %squeeze3A_1502 : f32 to vector<16xf32>
        %mul3A_1515 = arith.mulf %mul3A_1514, %get3A_1513 : vector<16xf32>
        %add3A_1516 = arith.addf %add3A_1484, %mul3A_1515 : vector<16xf32>
        %get3A_1517 = arith.index_cast %add3A_1500 : i32 to index
        %get3A_1518 = arith.constant 32 : index
        %get3A_1519 = tpu.vector_load %arg10[%get3A_1517, %get3A_1518] {strides = array<i32>} : memref<208x128xf32, #tpu.memory_space<vmem>>, vector<1x16xf32>,
        %get3A_1520 = vector.shape_cast %get3A_1519 : vector<1x16xf32> to vector<16xf32>
        %mul3A_1521 = vector.broadcast %squeeze3A_1502 : f32 to vector<16xf32>
        %mul3A_1522 = arith.mulf %mul3A_1521, %get3A_1520 : vector<16xf32>
        %add3A_1523 = arith.addf %add3A_1491, %mul3A_1522 : vector<16xf32>
        %get3A_1524 = arith.index_cast %add3A_1500 : i32 to index
        %get3A_1525 = arith.constant 48 : index
        %get3A_1526 = tpu.vector_load %arg10[%get3A_1524, %get3A_1525] {strides = array<i32>} : memref<208x128xf32, #tpu.memory_space<vmem>>, vector<1x16xf32>,
        %get3A_1527 = vector.shape_cast %get3A_1526 : vector<1x16xf32> to vector<16xf32>
        %mul3A_1528 = vector.broadcast %squeeze3A_1502 : f32 to vector<16xf32>
        %mul3A_1529 = arith.mulf %mul3A_1528, %get3A_1527 : vector<16xf32>
        %add3A_1530 = arith.addf %add3A_1498, %mul3A_1529 : vector<16xf32>
        scf.yield %add3A_1509, %add3A_1516, %add3A_1523, %add3A_1530 : vector<16xf32>, vector<16xf32>, vector<16xf32>, vector<16xf32>
      }
      %scan3A_980 = arith.constant 13 : i32
      %swap3A_981 = arith.index_cast %add3A_942 : i32 to index
      %swap3A_982 = arith.constant 0 : index
      %swap3A_983 = tpu.vector_load %arg11[%swap3A_981, %swap3A_982] {strides = array<i32>} : memref<128x64xf32, #tpu.memory_space<vmem>>, vector<1x16xf32>,
      %swap3A_984 = vector.shape_cast %swap3A_983 : vector<1x16xf32> to vector<16xf32>
      %swap3A_985 = vector.shape_cast %scan3A_979#0 : vector<16xf32> to vector<1x16xf32>
      tpu.vector_store %arg11[%swap3A_981, %swap3A_982], %swap3A_985 {strides = array<i32>} : memref<128x64xf32, #tpu.memory_space<vmem>>, vector<1x16xf32>,
      %swap3A_986 = arith.index_cast %add3A_942 : i32 to index
      %swap3A_987 = arith.constant 16 : index
      %swap3A_988 = tpu.vector_load %arg11[%swap3A_986, %swap3A_987] {strides = array<i32>} : memref<128x64xf32, #tpu.memory_space<vmem>>, vector<1x16xf32>,
      %swap3A_989 = vector.shape_cast %swap3A_988 : vector<1x16xf32> to vector<16xf32>
      %swap3A_990 = vector.shape_cast %scan3A_979#1 : vector<16xf32> to vector<1x16xf32>
      tpu.vector_store %arg11[%swap3A_986, %swap3A_987], %swap3A_990 {strides = array<i32>} : memref<128x64xf32, #tpu.memory_space<vmem>>, vector<1x16xf32>,
      %swap3A_991 = arith.index_cast %add3A_942 : i32 to index
      %swap3A_992 = arith.constant 32 : index
      %swap3A_993 = tpu.vector_load %arg11[%swap3A_991, %swap3A_992] {strides = array<i32>} : memref<128x64xf32, #tpu.memory_space<vmem>>, vector<1x16xf32>,
      %swap3A_994 = vector.shape_cast %swap3A_993 : vector<1x16xf32> to vector<16xf32>
      %swap3A_995 = vector.shape_cast %scan3A_979#2 : vector<16xf32> to vector<1x16xf32>
      tpu.vector_store %arg11[%swap3A_991, %swap3A_992], %swap3A_995 {strides = array<i32>} : memref<128x64xf32, #tpu.memory_space<vmem>>, vector<1x16xf32>,
      %swap3A_996 = arith.index_cast %add3A_942 : i32 to index
      %swap3A_997 = arith.constant 48 : index
      %swap3A_998 = tpu.vector_load %arg11[%swap3A_996, %swap3A_997] {strides = array<i32>} : memref<128x64xf32, #tpu.memory_space<vmem>>, vector<1x16xf32>,
      %swap3A_999 = vector.shape_cast %swap3A_998 : vector<1x16xf32> to vector<16xf32>
      %swap3A_1000 = vector.shape_cast %scan3A_979#3 : vector<16xf32> to vector<1x16xf32>
      tpu.vector_store %arg11[%swap3A_996, %swap3A_997], %swap3A_1000 {strides = array<i32>} : memref<128x64xf32, #tpu.memory_space<vmem>>, vector<1x16xf32>,
      %lt3A_1001 = arith.constant 63 : i32
      %lt3A_1002 = arith.cmpi slt, %scan3A_874, %lt3A_1001 : i32
      %convert_element_type3A_1003 = arith.extui %lt3A_1002 : i1 to i32
      %cond3A_1004 = arith.constant 0 : i32
      %cond3A_1005 = arith.cmpi ne, %convert_element_type3A_1003, %cond3A_1004 : i32
      scf.if %cond3A_1005 {
        %add3A_1006 = arith.constant 2 : i32
        %add3A_1007 = arith.addi %add3A_942, %add3A_1006 : i32
        %dma_start3A_1008 = arith.constant 0 : i32
        %dma_start3A_1009 = arith.constant 0 : i32
        %dma_start3A_1010 = tpu.memref_slice %arg10[%dma_start3A_1008, %dma_start3A_1009] : memref<208x128xf32, #tpu.memory_space<vmem>> -> memref<112x128xf32, #tpu.memory_space<vmem>>
        %dma_start3A_1011 = arith.constant 0 : i32
        %dma_start3A_1012 = tpu.memref_slice %arg6[%add3A_1007, %dma_start3A_1011] : memref<128x208xi32, #tpu.memory_space<vmem>> -> memref<1x112xi32, #tpu.memory_space<vmem>>
        %dma_start3A_1013 = tpu.memref_squeeze %dma_start3A_1012 : memref<1x112xi32, #tpu.memory_space<vmem>> -> memref<112xi32, #tpu.memory_space<vmem>>
        %dma_start3A_1014 = arith.constant 0 : i32
        %dma_start3A_1015 = arith.constant 0 : i32
        %dma_start3A_1016 = tpu.memref_slice %arg4[%dma_start3A_1014, %dma_start3A_1015] : memref<1015808x128xf32, #tpu.memory_space<hbm>> -> memref<1015808x128xf32, #tpu.memory_space<hbm>>
        tpu.enqueue_indirect_dma source(%dma_start3A_1016 : memref<1015808x128xf32, #tpu.memory_space<hbm>>) target(%dma_start3A_1010 : memref<112x128xf32, #tpu.memory_space<vmem>>) offsets(%dma_start3A_1013 : memref<112xi32, #tpu.memory_space<vmem>>) semaphore(%arg14 : memref<!tpu.dma_semaphore, #tpu.memory_space<semaphore_mem>>)
        %dma_start3A_1017 = arith.constant 112 : i32
        %dma_start3A_1018 = arith.constant 0 : i32
        %dma_start3A_1019 = tpu.memref_slice %arg10[%dma_start3A_1017, %dma_start3A_1018] : memref<208x128xf32, #tpu.memory_space<vmem>> -> memref<88x128xf32, #tpu.memory_space<vmem>>
        %dma_start3A_1020 = arith.constant 112 : i32
        %dma_start3A_1021 = tpu.memref_slice %arg6[%add3A_1007, %dma_start3A_1020] : memref<128x208xi32, #tpu.memory_space<vmem>> -> memref<1x88xi32, #tpu.memory_space<vmem>>
        %dma_start3A_1022 = tpu.memref_squeeze %dma_start3A_1021 : memref<1x88xi32, #tpu.memory_space<vmem>> -> memref<88xi32, #tpu.memory_space<vmem>>
        %dma_start3A_1023 = arith.constant 0 : i32
        %dma_start3A_1024 = arith.constant 0 : i32
        %dma_start3A_1025 = tpu.memref_slice %arg4[%dma_start3A_1023, %dma_start3A_1024] : memref<1015808x128xf32, #tpu.memory_space<hbm>> -> memref<1015808x128xf32, #tpu.memory_space<hbm>>
        tpu.enqueue_indirect_dma source(%dma_start3A_1025 : memref<1015808x128xf32, #tpu.memory_space<hbm>>) target(%dma_start3A_1019 : memref<88x128xf32, #tpu.memory_space<vmem>>) offsets(%dma_start3A_1022 : memref<88xi32, #tpu.memory_space<vmem>>) semaphore(%arg14 : memref<!tpu.dma_semaphore, #tpu.memory_space<semaphore_mem>>)
        %dma_start3A_1026 = arith.constant 0 : i32
        %dma_start3A_1027 = tpu.memref_slice %arg8[%dma_start3A_1026] : memref<208xf32, #tpu.memory_space<vmem>> -> memref<112xf32, #tpu.memory_space<vmem>>
        %dma_start3A_1028 = arith.constant 0 : i32
        %dma_start3A_1029 = tpu.memref_slice %arg6[%add3A_1007, %dma_start3A_1028] : memref<128x208xi32, #tpu.memory_space<vmem>> -> memref<1x112xi32, #tpu.memory_space<vmem>>
        %dma_start3A_1030 = tpu.memref_squeeze %dma_start3A_1029 : memref<1x112xi32, #tpu.memory_space<vmem>> -> memref<112xi32, #tpu.memory_space<vmem>>
        %dma_start3A_1031 = arith.constant 0 : i32
        %dma_start3A_1032 = tpu.memref_slice %arg3[%dma_start3A_1031] : memref<1015808xf32, #tpu.memory_space<hbm>> -> memref<1015808xf32, #tpu.memory_space<hbm>>
        tpu.enqueue_indirect_dma source(%dma_start3A_1032 : memref<1015808xf32, #tpu.memory_space<hbm>>) target(%dma_start3A_1027 : memref<112xf32, #tpu.memory_space<vmem>>) offsets(%dma_start3A_1030 : memref<112xi32, #tpu.memory_space<vmem>>) semaphore(%arg14 : memref<!tpu.dma_semaphore, #tpu.memory_space<semaphore_mem>>)
        %dma_start3A_1033 = arith.constant 112 : i32
        %dma_start3A_1034 = tpu.memref_slice %arg8[%dma_start3A_1033] : memref<208xf32, #tpu.memory_space<vmem>> -> memref<88xf32, #tpu.memory_space<vmem>>
        %dma_start3A_1035 = arith.constant 112 : i32
        %dma_start3A_1036 = tpu.memref_slice %arg6[%add3A_1007, %dma_start3A_1035] : memref<128x208xi32, #tpu.memory_space<vmem>> -> memref<1x88xi32, #tpu.memory_space<vmem>>
        %dma_start3A_1037 = tpu.memref_squeeze %dma_start3A_1036 : memref<1x88xi32, #tpu.memory_space<vmem>> -> memref<88xi32, #tpu.memory_space<vmem>>
        %dma_start3A_1038 = arith.constant 0 : i32
        %dma_start3A_1039 = tpu.memref_slice %arg3[%dma_start3A_1038] : memref<1015808xf32, #tpu.memory_space<hbm>> -> memref<1015808xf32, #tpu.memory_space<hbm>>
        tpu.enqueue_indirect_dma source(%dma_start3A_1039 : memref<1015808xf32, #tpu.memory_space<hbm>>) target(%dma_start3A_1034 : memref<88xf32, #tpu.memory_space<vmem>>) offsets(%dma_start3A_1037 : memref<88xi32, #tpu.memory_space<vmem>>) semaphore(%arg14 : memref<!tpu.dma_semaphore, #tpu.memory_space<semaphore_mem>>)
      } else {
      }
    }
    %scan3A_873 = arith.constant 64 : i32
    "tpu.region"() ({
      %run_scoped3A = tpu.sem_alloc : memref<!tpu.dma_semaphore, #tpu.memory_space<semaphore_mem>>
      %dma_start3A_874 = arith.constant 0 : i32
      %dma_start3A_875 = tpu.memref_slice %arg5[%mul3A_2, %dma_start3A_874] : memref<4096x64xf32, #tpu.memory_space<hbm>> -> memref<128x64xf32, #tpu.memory_space<hbm>>
      %dma_start3A_876 = arith.constant 0 : i32
      %dma_start3A_877 = tpu.memref_slice %arg5[%mul3A_2, %dma_start3A_876] : memref<4096x64xf32, #tpu.memory_space<hbm>> -> memref<128x64xf32, #tpu.memory_space<hbm>>
      tpu.enqueue_dma source(%arg11 : memref<128x64xf32, #tpu.memory_space<vmem>>) target(%dma_start3A_877 : memref<128x64xf32, #tpu.memory_space<hbm>>) target_semaphore(%run_scoped3A : memref<!tpu.dma_semaphore, #tpu.memory_space<semaphore_mem>>)
      %dma_wait3A_878 = arith.constant 0 : i32
      %dma_wait3A_879 = tpu.memref_slice %arg5[%mul3A_2, %dma_wait3A_878] : memref<4096x64xf32, #tpu.memory_space<hbm>> -> memref<128x64xf32, #tpu.memory_space<hbm>>
      %dma_wait3A_880 = arith.constant 0 : i32
      %dma_wait3A_881 = tpu.memref_slice %arg5[%mul3A_2, %dma_wait3A_880] : memref<4096x64xf32, #tpu.memory_space<hbm>> -> memref<128x64xf32, #tpu.memory_space<hbm>>
      tpu.wait_dma2 semaphore(%run_scoped3A : memref<!tpu.dma_semaphore, #tpu.memory_space<semaphore_mem>>) src(%arg11 : memref<128x64xf32, #tpu.memory_space<vmem>>) dst(%dma_wait3A_881 : memref<128x64xf32, #tpu.memory_space<hbm>>)
      tpu.yield
    }) : () -> ()
    return
  }
}

module attributes {stable_mosaic.version = 14 : i64} {
  func.func @_mass_body(%arg0: i32, %arg1: memref<64x16384xf32, #tpu.memory_space<vmem>>, %arg2: memref<16x64xf32, #tpu.memory_space<vmem>>, %arg3: memref<16x1xf32, #tpu.memory_space<vmem>>, %arg4: memref<16x1xf32, #tpu.memory_space<vmem>>, %arg5: memref<1x1xf32, #tpu.memory_space<vmem>>, %arg6: memref<1x1x16384xf32, #tpu.memory_space<vmem>>, %arg7: memref<16384x128xf32, #tpu.memory_space<vmem>>) attributes {dimension_semantics = [#tpu.dimension_semantics<arbitrary>], iteration_bounds = array<i64: 62>, scalar_prefetch = 0 : i64, scratch_operands = 0 : i64, tpu.core_type = #tpu.core_type<tc>, window_params = [{transform_indices = @transform_0, window_bounds = array<i64: 64, 16384>}, {pipeline_mode = #tpu.pipeline_mode<synchronous>, transform_indices = @transform_1, window_bounds = array<i64: 16, 64>}, {pipeline_mode = #tpu.pipeline_mode<synchronous>, transform_indices = @transform_2, window_bounds = array<i64: 16, 1>}, {pipeline_mode = #tpu.pipeline_mode<synchronous>, transform_indices = @transform_3, window_bounds = array<i64: 16, 1>}, {pipeline_mode = #tpu.pipeline_mode<synchronous>, transform_indices = @transform_4, window_bounds = array<i64: 1, 1>}, {transform_indices = @transform_5, window_bounds = array<i64: 1, 1, 16384>}, {transform_indices = @transform_6, window_bounds = array<i64: 16384, 128>}]} {
    %get3A = arith.constant 0 : index
    %get3A_0 = arith.constant 0 : index
    %get3A_1 = vector.load %arg1[%get3A, %get3A_0] : memref<64x16384xf32, #tpu.memory_space<vmem>>, vector<64x16384xf32>
    %get3A_2 = arith.constant 0 : index
    %get3A_3 = arith.constant 0 : index
    %get3A_4 = vector.load %arg2[%get3A_2, %get3A_3] : memref<16x64xf32, #tpu.memory_space<vmem>>, vector<16x64xf32>
    %dot_general3A = arith.constant dense<0.000000e+00> : vector<16x16384xf32>
    %dot_general3A_5 = tpu.matmul %get3A_4, %get3A_1, %dot_general3A {dimension_numbers = #tpu.dot_dimension_numbers<[1], [0], [0], [1], [0, 0, 1, 1], [], []>, transpose_lhs_hint = false} : vector<16x64xf32>, vector<64x16384xf32>, vector<16x16384xf32> -> vector<16x16384xf32>
    %get3A_6 = arith.constant 0 : index
    %get3A_7 = arith.constant 0 : index
    %get3A_8 = vector.load %arg3[%get3A_6, %get3A_7] : memref<16x1xf32, #tpu.memory_space<vmem>>, vector<16x1xf32>
    %add3A = vector.broadcast %get3A_8 : vector<16x1xf32> to vector<16x16384xf32>
    %add3A_9 = arith.addf %dot_general3A_5, %add3A : vector<16x16384xf32>
    %mul3A = arith.constant 2.000000e+00 : f32
    %mul3A_10 = vector.broadcast %mul3A : f32 to vector<16x16384xf32>
    %mul3A_11 = arith.mulf %mul3A_10, %add3A_9 : vector<16x16384xf32>
    %exp3A = math.exp %mul3A_11 : vector<16x16384xf32>
    %add3A_12 = arith.constant 1.000000e+00 : f32
    %add3A_13 = vector.broadcast %add3A_12 : f32 to vector<16x16384xf32>
    %add3A_14 = arith.addf %exp3A, %add3A_13 : vector<16x16384xf32>
    %div3A = arith.constant 2.000000e+00 : f32
    %div3A_15 = vector.broadcast %div3A : f32 to vector<16x16384xf32>
    %div3A_16 = arith.divf %div3A_15, %add3A_14 : vector<16x16384xf32>
    %sub3A = arith.constant 1.000000e+00 : f32
    %sub3A_17 = vector.broadcast %sub3A : f32 to vector<16x16384xf32>
    %sub3A_18 = arith.subf %sub3A_17, %div3A_16 : vector<16x16384xf32>
    %get3A_19 = arith.constant 0 : index
    %get3A_20 = arith.constant 0 : index
    %get3A_21 = vector.load %arg4[%get3A_19, %get3A_20] : memref<16x1xf32, #tpu.memory_space<vmem>>, vector<16x1xf32>
    %mul3A_22 = vector.broadcast %get3A_21 : vector<16x1xf32> to vector<16x16384xf32>
    %mul3A_23 = arith.mulf %sub3A_18, %mul3A_22 : vector<16x16384xf32>
    %reduce_sum3A = arith.constant dense<0.000000e+00> : vector<16384xf32>
    %reduce_sum3A_24 = vector.multi_reduction <add>, %mul3A_23, %reduce_sum3A [0] : vector<16x16384xf32> to vector<16384xf32>
    %get3A_25 = arith.constant 0 : index
    %get3A_26 = arith.constant 0 : index
    %get3A_27 = vector.load %arg5[%get3A_25, %get3A_26] : memref<1x1xf32, #tpu.memory_space<vmem>>, vector<1x1xf32>
    %get3A_28 = vector.extract %get3A_27[0, 0] : f32 from vector<1x1xf32>
    %add3A_29 = vector.broadcast %get3A_28 : f32 to vector<16384xf32>
    %add3A_30 = arith.addf %reduce_sum3A_24, %add3A_29 : vector<16384xf32>
    %reshape3A = vector.shape_cast %add3A_30 : vector<16384xf32> to vector<1x1x16384xf32>
    %swap3A = arith.constant 0 : index
    %swap3A_31 = arith.constant 0 : index
    %swap3A_32 = arith.constant 0 : index
    %swap3A_33 = vector.load %arg6[%swap3A, %swap3A_31, %swap3A_32] : memref<1x1x16384xf32, #tpu.memory_space<vmem>>, vector<1x1x16384xf32>
    tpu.vector_store %arg6[%swap3A, %swap3A_31, %swap3A_32], %reshape3A {strides = array<i32>} : memref<1x1x16384xf32, #tpu.memory_space<vmem>>, vector<1x1x16384xf32>,
    %transpose3A = tpu.transpose %get3A_1, [1, 0] : vector<64x16384xf32> -> vector<16384x64xf32>
    %swap3A_34 = arith.constant 0 : index
    %swap3A_35 = arith.constant 0 : index
    %swap3A_36 = vector.load %arg7[%swap3A_34, %swap3A_35] : memref<16384x128xf32, #tpu.memory_space<vmem>>, vector<16384x64xf32>
    tpu.vector_store %arg7[%swap3A_34, %swap3A_35], %transpose3A {strides = array<i32>} : memref<16384x128xf32, #tpu.memory_space<vmem>>, vector<16384x64xf32>,
    %broadcast_in_dim3A = arith.constant 0.000000e+00 : f32
    %broadcast_in_dim3A_37 = vector.broadcast %broadcast_in_dim3A : f32 to vector<16384x64xf32>
    %swap3A_38 = arith.constant 0 : index
    %swap3A_39 = arith.constant 64 : index
    %swap3A_40 = vector.load %arg7[%swap3A_38, %swap3A_39] : memref<16384x128xf32, #tpu.memory_space<vmem>>, vector<16384x64xf32>
    tpu.vector_store %arg7[%swap3A_38, %swap3A_39], %broadcast_in_dim3A_37 {strides = array<i32>} : memref<16384x128xf32, #tpu.memory_space<vmem>>, vector<16384x64xf32>,
    return
  }
  func.func @transform_0(%arg0: i32) -> (i32, i32) {
    %c0_i32 = arith.constant 0 : i32
    %c0_i32_0 = arith.constant 0 : i32
    return %c0_i32, %arg0 : i32, i32
  }
  func.func @transform_1(%arg0: i32) -> (i32, i32) {
    %c0_i32 = arith.constant 0 : i32
    %c0_i32_0 = arith.constant 0 : i32
    %c0_i32_1 = arith.constant 0 : i32
    return %c0_i32, %c0_i32_0 : i32, i32
  }
  func.func @transform_2(%arg0: i32) -> (i32, i32) {
    %c0_i32 = arith.constant 0 : i32
    %c0_i32_0 = arith.constant 0 : i32
    %c0_i32_1 = arith.constant 0 : i32
    return %c0_i32, %c0_i32_0 : i32, i32
  }
  func.func @transform_3(%arg0: i32) -> (i32, i32) {
    %c0_i32 = arith.constant 0 : i32
    %c0_i32_0 = arith.constant 0 : i32
    %c0_i32_1 = arith.constant 0 : i32
    return %c0_i32, %c0_i32_0 : i32, i32
  }
  func.func @transform_4(%arg0: i32) -> (i32, i32) {
    %c0_i32 = arith.constant 0 : i32
    %c0_i32_0 = arith.constant 0 : i32
    %c0_i32_1 = arith.constant 0 : i32
    return %c0_i32, %c0_i32_0 : i32, i32
  }
  func.func @transform_5(%arg0: i32) -> (i32, i32, i32) {
    %c0_i32 = arith.constant 0 : i32
    %c0_i32_0 = arith.constant 0 : i32
    %c0_i32_1 = arith.constant 0 : i32
    return %arg0, %c0_i32, %c0_i32_0 : i32, i32, i32
  }
  func.func @transform_6(%arg0: i32) -> (i32, i32) {
    %c0_i32 = arith.constant 0 : i32
    %c0_i32_0 = arith.constant 0 : i32
    return %arg0, %c0_i32 : i32, i32
  }
}

module attributes {stable_mosaic.version = 14 : i64} {
  func.func @_norm_body(%arg0: memref<4096x64xf32, #tpu.memory_space<vmem>>, %arg1: memref<4096x64xf32, #tpu.memory_space<vmem>>) attributes {dimension_semantics = [], scalar_prefetch = 0 : i64, scratch_operands = 0 : i64, tpu.core_type = #tpu.core_type<tc>} {
    %get3A = arith.constant 0 : index
    %get3A_0 = arith.constant 0 : index
    %get3A_1 = vector.load %arg0[%get3A, %get3A_0] : memref<4096x64xf32, #tpu.memory_space<vmem>>, vector<4096x64xf32>
    %mul3A = arith.mulf %get3A_1, %get3A_1 : vector<4096x64xf32>
    %reduce_sum3A = arith.constant dense<0.000000e+00> : vector<4096xf32>
    %reduce_sum3A_2 = vector.multi_reduction <add>, %mul3A, %reduce_sum3A [1] : vector<4096x64xf32> to vector<4096xf32>
    %broadcast_in_dim3A = vector.shape_cast %reduce_sum3A_2 : vector<4096xf32> to vector<4096x1xf32>
    %sqrt3A = math.sqrt %broadcast_in_dim3A : vector<4096x1xf32>
    %max3A = arith.constant 9.99999996E-13 : f32
    %max3A_3 = vector.broadcast %max3A : f32 to vector<4096x1xf32>
    %max3A_4 = arith.maximumf %sqrt3A, %max3A_3 : vector<4096x1xf32>
    %div3A = vector.broadcast %max3A_4 : vector<4096x1xf32> to vector<4096x64xf32>
    %div3A_5 = arith.divf %get3A_1, %div3A : vector<4096x64xf32>
    %swap3A = arith.constant 0 : index
    %swap3A_6 = arith.constant 0 : index
    %swap3A_7 = vector.load %arg1[%swap3A, %swap3A_6] : memref<4096x64xf32, #tpu.memory_space<vmem>>, vector<4096x64xf32>
    tpu.vector_store %arg1[%swap3A, %swap3A_6], %div3A_5 {strides = array<i32>} : memref<4096x64xf32, #tpu.memory_space<vmem>>, vector<4096x64xf32>,
    return
  }
}

</mosaic_0001>

<sc_bundles>
// kernel: kernel.5.cloned.1.call-start
scs
__scs_entry_jumppad:
0x0: {  	(pc) =	sbr.rel $0x88, $3  }
0x1: {  	(tag) =	ssettag $0x0;
	lr =	simm.s32 $0x1  }
0x2: {  	[smem:$0x3F9B] =	sst lr;
	_ =	strace $0xD0000000  }
0x3: {  	_ = 	snop  }
0x4: {  	_ = 	snop  }
0x5: {  	_ = 	snop  }
0x6: {  	_ = 	snop  }
0x7: {  	_ = 	snop  }
__scs_overlays_trampoline_lowered:
0x8: {  	[smem:$0x3FAA] =	sst s0  }
0x9: {  	[smem:$0x3FAB] =	sst s1  }
0xa: {  	[smem:$0x3FAC] =	sst s2  }
0xb: {  	[smem:$0x3FAD] =	sst s3  }
0xc: {  	[smem:$0x3FAE] =	sst s4  }
0xd: {  	[smem:$0x3FAF] =	sst s5  }
0xe: {  	[smem:$0x3FB0] =	sst s6  }
0xf: {  	[smem:$0x3FB1] =	sst s7  }
0x10: {  	[smem:$0x3FB2] =	sst s8  }
0x11: {  	[smem:$0x3FB3] =	sst s9;
	s0 =	simm.s32 @!p0 $0x0  }
0x12: {  	s1 =	sld [smem:$0x3F99];
	s0 =	simm.s32 @p0 $0x1  }
0x13: {  	[smem:$0x3FB4] =	sst s0;
	s0 =	simm.s32 @!p1 $0x0  }
0x14: {  	s2 =	sld [smem:$0x3F98];
	s0 =	simm.s32 @p1 $0x1  }
0x15: {  	[smem:$0x3FB5] =	sst s0;
	s0 =	simm.s32 @!p2 $0x0  }
0x16: {  	s3 =	sld [smem:$0x3FDB];
	s0 =	simm.s32 @p2 $0x1  }
0x17: {  	s4 =	simm.s32 $0x1BF5;
	[smem:$0x3FB7] =	sst s0  }
0x18: {  	s0 =	sld [smem:$0x3F9A];
	_ =	swait.ge [sflag:s4], $0x0  }
0x19: {  	s7 =	sld [smem:$0x3F9B]  }
0x1a: {  	s8 =	sadd.s32 $0xFFFFE003, lr  }
0x1b: {  	s9 =	sadd.s32 $0xFFFFFEF7, lr;
	s5 =	simm.s32 $0xFFFFFFFF;
	p2 =	slt.u32 s8, $0xFFFFF086  }
0x1c: {  	p1 =	slt.u32 s9, $0xF7A;
	s5 =	simm.s32 @!p2 $0x0  }
0x1d: {  	s5 =	simm.s32 @p1 $0x1;
	p0 =	seq.s32 s7, s2  }
0x1e: {  	s7 =	smul.u32 @!p0 $0xF7A, s2;
	p2 =	seq.s32 @!p0 s5, $0x0  }
0x1f: {  	s9 =	smul.u32 $0xF7A, s1;
	s8 =	simm.s32 @!p0 $0x1BF5;
	p2 =	por !p2, p0  }
0x20: {  	[sflag:s8] =	ssyncset.s32 @!p0 $0xFFFFF086;
	s6 =	sadd.s32 @!p0 s3, s7;
	s7 =	simm.s32 @!p0 $0x108  }
0x21: {  	s3 =	sadd.s32 s3, s9;
	s6 =	sadd.s32 @!p0 $0x88, s6;
	s7 =	simm.s32 @p2 $0x1082  }
0x22: {  	[simem:s7], [sflag:s8] =	dma.local @!p0 [hbm:s6], $0xF7A  }
0x23: {  	s9 =	sor.u32 $0xD0000000, s2;
	s6 =	simm.s32 $0x108;
	_ =	swait.ge @!p0 [sflag:s8], $0x0  }
0x24: {  	s3 =	sadd.s32 $0x88, s3;
	s6 =	simm.s32 @!p1 $0x1082;
	[sflag:s4] =	ssyncset.s32 $0xFFFFF086  }
0x25: {  	[simem:s6], [sflag:s4] =	dma.local [hbm:s3], $0xF7A  }
0x26: {  	[smem:$0x3F9B] =	sst s1;
	(tag) =	ssettag s2;
	_ =	strace s9  }
0x27: {  	s1 =	sld [smem:$0x3FAB]  }
0x28: {  	s2 =	sld [smem:$0x3FAC]  }
0x29: {  	s4 =	sld [smem:$0x3FAE]  }
0x2a: {  	p0 =	seq.s32 s5, $0x0;
	s5 =	sld [smem:$0x3FAF]  }
0x2b: {  	s6 =	sld [smem:$0x3FB0]  }
0x2c: {  	s7 =	sld [smem:$0x3FB1]  }
0x2d: {  	s3 =	simm.s32 $0x108;
	s8 =	sld [smem:$0x3FB2]  }
0x2e: {  	s3 =	simm.s32 @!p0 $0x1082;
	s9 =	sld [smem:$0x3FB3]  }
0x2f: {  	lr =	sadd.s32 s0, s3;
	s0 =	sld [smem:$0x3FAA]  }
0x30: {  	s3 =	sld [smem:$0x3FAD]  }
0x31: {  	[smem:$0x3FB6] =	sst s10  }
0x32: {  	s10 =	sld [smem:$0x3FB4];
	_ =	sdelay $0x3  }
0x33: {  	p0 =	seq.s32 s10, $0x1;
	s10 =	sld [smem:$0x3FB6];
	_ =	sdelay $0x3  }
0x34: {  	[smem:$0x3FB6] =	sst s10  }
0x35: {  	s10 =	sld [smem:$0x3FB5];
	_ =	sdelay $0x3  }
0x36: {  	p1 =	seq.s32 s10, $0x1;
	s10 =	sld [smem:$0x3FB6];
	_ =	sdelay $0x3  }
0x37: {  	[smem:$0x3FB6] =	sst s10  }
0x38: {  	s10 =	sld [smem:$0x3FB7]  }
0x39: {  	_ = 	snop;
	(pc) =	sbr.ind lr, $3  }
0x3a: {  	_ = 	snop  }
0x3b: {  	_ = 	snop  }
0x3c: {  	p2 =	seq.s32 s10, $0x1;
	s10 =	sld [smem:$0x3FB6]  }
0x3d: {  	_ =	shalt  }
0x3e: {  	_ =	shalt  }
0x3f: {  	_ =	shalt  }
0x40: {  	_ =	shalt  }
0x41: {  	_ =	shalt  }
0x42: {  	_ =	shalt  }
0x43: {  	_ =	shalt  }
0x44: {  	_ =	shalt  }
0x45: {  	_ =	shalt  }
0x46: {  	_ =	shalt  }
0x47: {  	_ =	shalt  }
0x48: {  	_ =	shalt  }
0x49: {  	_ =	shalt  }
0x4a: {  	_ =	shalt  }
0x4b: {  	_ =	shalt  }
0x4c: {  	_ =	shalt  }
0x4d: {  	_ =	shalt  }
0x4e: {  	_ =	shalt  }
0x4f: {  	_ =	shalt  }
0x50: {  	_ =	shalt  }
0x51: {  	_ =	shalt  }
0x52: {  	_ =	shalt  }
0x53: {  	_ =	shalt  }
0x54: {  	_ =	shalt  }
0x55: {  	_ =	shalt  }
0x56: {  	_ =	shalt  }
0x57: {  	_ =	shalt  }
0x58: {  	_ =	shalt  }
0x59: {  	_ =	shalt  }
0x5a: {  	_ =	shalt  }
0x5b: {  	_ =	shalt  }
0x5c: {  	_ =	shalt  }
0x5d: {  	_ =	shalt  }
0x5e: {  	_ =	shalt  }
0x5f: {  	_ =	shalt  }
0x60: {  	_ =	shalt  }
0x61: {  	_ =	shalt  }
0x62: {  	_ =	shalt  }
0x63: {  	_ =	shalt  }
0x64: {  	_ =	shalt  }
0x65: {  	_ =	shalt  }
0x66: {  	_ =	shalt  }
0x67: {  	_ =	shalt  }
0x68: {  	_ =	shalt  }
0x69: {  	_ =	shalt  }
0x6a: {  	_ =	shalt  }
0x6b: {  	_ =	shalt  }
0x6c: {  	_ =	shalt  }
0x6d: {  	_ =	shalt  }
0x6e: {  	_ =	shalt  }
0x6f: {  	_ =	shalt  }
0x70: {  	_ =	shalt  }
0x71: {  	_ =	shalt  }
0x72: {  	_ =	shalt  }
0x73: {  	_ =	shalt  }
0x74: {  	_ =	shalt  }
0x75: {  	_ =	shalt  }
0x76: {  	_ =	shalt  }
0x77: {  	_ =	shalt  }
0x78: {  	_ =	shalt  }
0x79: {  	_ =	shalt  }
0x7a: {  	_ =	shalt  }
0x7b: {  	_ =	shalt  }
0x7c: {  	_ =	shalt  }
0x7d: {  	_ =	shalt  }
0x7e: {  	_ =	shalt  }
0x7f: {  	_ =	shalt  }
0x80: {  	_ =	shalt  }
0x81: {  	_ =	shalt  }
0x82: {  	_ =	shalt  }
0x83: {  	_ =	shalt  }
0x84: {  	_ =	shalt  }
0x85: {  	_ =	shalt  }
0x86: {  	_ =	shalt  }
0x87: {  	_ =	shalt  }
.Lfunc_end0:
.L_simem_size_0:
called_computation_lowered:
.L_overlay_start_0:
0x88: {  	s2 =	sld [smem:$0x3FD9]  }
0x89: {  	s3 =	sld [smem:$0x3FFE];
	_ =	sdelay $0x1  }
0x8a: {  	s1 =	srdreg.scid  }
0x8b: {  	s0 =	sand.u32 $0x1, s1  }
0x8c: {  	s17 =	sshll.u32 s0, $0xA;
	s2 =	sadd.s32 s3, s2  }
0x8d: {  	s2 =	sadd.s32 s2, s17  }
0x8e: {  	[smem:$0x3FC2] =	sst s2  }
0x8f: {  	_ = 	snop  }
0x90: {  	s2 =	sld [smem:$0x3FD0];
	(tm) =	ssettm $0x1  }
0x91: {  	s18 =	sld [smem:$0x3FFB];
	_ =	sdelay $0x3  }
0x92: {  	_ =	strace s18  }
0x93: {  	s3 =	sld [smem:$0x3FFC];
	_ =	sdelay $0x3  }
0x94: {  	_ =	strace s3  }
0x95: {  	s3 =	sld [smem:$0x3FFD];
	_ =	sdelay $0x3  }
0x96: {  	_ =	strace s3  }
0x97: {  	_ =	strace $0x8FFFFFFF  }
0x98: {  	s19 =	sld [smem:$0x3FDB];
	_ =	sdelay $0x1  }
0x99: {  	s4 =	simm.s32 $_scs_section_size  }
0x9a: {  	s5 =	simm.s32 $_size__tile_overlayer_lowered;
	s6 =	simm.s32 $_tile_overlayer_lowered  }
0x9b: {  	s22 =	simm.s32 $0x1BFF;
	s21 =	sshll.u32 s6, $0x1;
	s3 =	sadd.s32 s4, s19  }
0x9c: {  	s7 =	simm.s32 $0x0;
	s20 =	sshll.u32 s5, $0x1;
	s5 =	sadd.s32 s21, s3  }
0x9d: {  	[timem:s7], [sflag:s22] =	dma.local [hbm:s5], s20  }
0x9e: {  	_ =	swait.ge [sflag:s22], s20  }
0x9f: {  	s4 =	ssub.s32 $0x0, s20;
	[sflag:s22] =	ssyncset.done $0x0  }
0xa0: {  	[sflag:s22] =	ssyncadd.s32 s4;
	_ =	sdelay $0x1  }
0xa1: {  	s23 =	simm.s32 $0x1B8B  }
0xa2: {  	_ =	swait.ge [sflag:s23], $0x1  }
0xa3: {  	[sflag:s23] =	ssyncset.done $0x0  }
0xa4: {  	s25 =	simm.s32 $0x1B8E;
	s24 =	sld [smem:$0x3FFE];
	[sflag:s23] =	ssyncadd.s32 $0xFFFFFFFF  }
0xa5: {  	s26 =	simm.s32 $execute0_lowered;
	[smem:$0x3FD2] =	sst s25  }
0xa6: {  	s5 =	sshll.u32 s26, $0x1;
	_ =	strace $0x80000046;
	[dreg:$0x1] =	wrdreg $0xFFFFFFFF  }
0xa7: {  	s28 =	simm.s32 $_size_execute0_lowered;
	s3 =	sadd.s32 s3, s5;
	[dreg:$0x0] =	wrdreg $0x0  }
0xa8: {  	s5 =	sshll.u32 s28, $0x1;
	[dreg:$0x2] =	wrdreg s3  }
0xa9: {  	[dreg:$0x3] =	wrdreg s5  }
0xaa: {  	[dreg:$0x4] =	wrdreg $0xC0  }
0xab: {  	_ =	task [dreg:s7], $0x5FFFF  }
0xac: {  	[dreg:$0x1] =	wrdreg $0xFFFFFFFF  }
0xad: {  	[dreg:$0x0] =	wrdreg $0x60  }
0xae: {  	[dreg:$0x2] =	wrdreg s24  }
0xaf: {  	[dreg:$0x3] =	wrdreg s2  }
0xb0: {  	[dreg:$0x4] =	wrdreg $0x9  }
0xb1: {  	_ =	task.clear_ibuf [dreg:s7], $0x5FFFF;
	_ =	strace $0x90000046  }
0xb2: {  	s29 =	simm.s32 $0x9;
	_ =	strace $0x80000048  }
0xb3: {  	_ =	swait.ge [sflag:s29], $0x1  }
0xb4: {  	[sflag:s29] =	ssyncadd.s32 $0xFFFFFFFF  }
0xb5: {  	_ =	strace $0x90000048  }
0xb6: {  	_ =	sfence  }
0xb7: {  	s30 =	sld [smem:$0x0];
	_ =	sdelay $0x2  }
0xb8: {  	s31 =	sshll.u32 s1, $0xD;
	s1 =	sshrl.u32 s1, $0x2  }
0xb9: {  	s3 =	sand.u32 $0x4000, s31;
	s1 =	sadd.s32 s1, s30  }
0xba: {  	s0 =	sor.u32 s3, s0;
	s1 =	sshll.u32 s1, $0x11  }
0xbb: {  	s0 =	sor.u32 s1, s0  }
0xbc: {  	s0 =	sadd.s32 $0x8F2B, s0  }
0xbd: {  	[sflag:s0] =	ssyncadd.remote.s32 $0x1  }
0xbe: {  	_ =	sfence.sel $0xFFFF  }
0xbf: {  	[dreg:$0x0] =	wrdreg $0xFFFFFFFF;
	(pc) =	sbr.abs _section_cstart, $3  }
0xc0: {  	[dreg:$0x1] =	wrdreg $0xFFFFFFFF  }
0xc1: {  	_ =	task.clear_ibuf [dreg:s7], $0x2FFFF;
	_ =	strace $0x9FFFFFFF  }
0xc2: {  	(tm) =	ssettm $0x7FFFFFFF  }
0xc3: {  	_ =	shalt  }
tec
execute0_lowered:
.L_overlay_start_1:
0x0: {  	(tag) =	ssettag $0x1  }
0x1: {  	s1 =	srdreg.scid  }
0x2: {  	s4 =	rddreg [dreg:$0x0];
	s0 =	stileid.u32  }
0x3: {  	s6 =	rddreg [dreg:$0x1];
	s2 =	simm.s32 $0x0;
	s11 =	simm.s32 $0x58  }
0x4: {  	s12 =	simm.s32 $0xA1A0;
	s13 =	simm.s32 $0x6800;
	s14 =	simm.s32 $0x6870  }
0x5: {  	s15 =	simm.s32 $0xD1A0;
	s16 =	simm.s32 $0x140;
	s17 =	simm.s32 $0x109A0  }
0x6: {  	s18 =	simm.s32 $0x68D0;
	s19 =	simm.s32 $0x6940;
	s20 =	simm.s32 $0x2  }
0x7: {  	s21 =	simm.s32 $0x3;
	s22 =	simm.s32 $0x139A0;
	s23 =	simm.s32 $0x4  }
0x8: {  	s24 =	simm.s32 $0x0;
	s1 =	sand.u32 $0x1, s1;
	[smem:$0x7FF] =	sst s2  }
0x9: {  	s3 =	sshll.u32 s0, $0x8;
	s5 =	sshll.u32 s1, $0x7;
	_ =	strace $0x80000047  }
.Ltmp0:
0xa: {  	s1 =	ssub.s32 $0x2, s1;
	s5 =	sor.u32 s5, s3;
	(pc) =	sbr.rel .LBB2_1-.Ltmp0, $4  }
0xb: {  	s8 =	sshrl.u32 s1, $0x1;
	s3 =	smul.u32 $0x19, s5;
	s9 =	sshll.u32 s5, $0x3  }
0xc: {  	s1 =	ssub.s32 s1, s8;
	s8 =	simm.s32 $0x1;
	s6 =	sadd.s32 s6, s9  }
0xd: {  	s9 =	simm.s32 $0x70;
	s7 =	sadd.s32 s3, s4;
	s3 =	sadd.s32 $0xF99A00, s4  }
0xe: {  	v0 =	vimm.f32 $0.0e+00;
	v1 =	vimm.s32 $0x0;
	s4 =	sadd.s32 $0x19A00, s4;
	s5 =	sadd.s32 $0xA00, s7;
	s7 =	smax.u32 s1, $0x1  }
.LBB2_12:
0xf: {  	s24 =	sadd.s32 $0x1, s24  }
0x10: {  	p0 =	sne.s32 s24, s7  }
.Ltmp1:
0x11: {  	_ = 	snop;
	(pc) =	sbr.rel @!p0 .LBB2_13-.Ltmp1, $4  }
0x12: {  	[hbm4b:s6+s2] =	stream.linear.scatter [tilespmem:s22], [sflag:$0x4], $0x2000, $0x38;
	[tilespmem:$0x159A0] =	vst v63  }
0x13: {  	_ =	swait.ge [sflag:s23], $0x2000  }
0x14: {  	[sflag:s23] =	ssyncset.done $0x0  }
0x15: {  	[sflag:s23] =	ssyncadd.s32 $0xFFFFE000  }
.LBB2_1:
0x16: {  	[tilespmem:$0xCDA0] =	vst v0  }
0x17: {  	[tilespmem:$0xCDB0] =	vst v0  }
0x18: {  	[tilespmem:$0xCDC0] =	vst v0  }
0x19: {  	[tilespmem:$0xCDD0] =	vst v0  }
0x1a: {  	[tilespmem:$0xCDE0] =	vst v0  }
0x1b: {  	[tilespmem:$0xCDF0] =	vst v0  }
0x1c: {  	[tilespmem:$0xCE00] =	vst v0  }
0x1d: {  	[tilespmem:$0xCE10] =	vst v0  }
0x1e: {  	[tilespmem:$0xCE20] =	vst v0  }
0x1f: {  	[tilespmem:$0xCE30] =	vst v0  }
0x20: {  	[tilespmem:$0xCE40] =	vst v0  }
0x21: {  	[tilespmem:$0xCE50] =	vst v0  }
0x22: {  	[tilespmem:$0xCE60] =	vst v0  }
0x23: {  	[tilespmem:$0xCE70] =	vst v0  }
0x24: {  	[tilespmem:$0xCE80] =	vst v0  }
0x25: {  	[tilespmem:$0xCE90] =	vst v0  }
0x26: {  	[tilespmem:$0xCEA0] =	vst v0  }
0x27: {  	[tilespmem:$0xCEB0] =	vst v0  }
0x28: {  	[tilespmem:$0xCEC0] =	vst v0  }
0x29: {  	[tilespmem:$0xCED0] =	vst v0  }
0x2a: {  	[tilespmem:$0xCEE0] =	vst v0  }
0x2b: {  	[tilespmem:$0xCEF0] =	vst v0  }
0x2c: {  	[tilespmem:$0xCF00] =	vst v0  }
0x2d: {  	[tilespmem:$0xCF10] =	vst v0  }
0x2e: {  	[tilespmem:$0xCF20] =	vst v0  }
0x2f: {  	[tilespmem:$0xCF30] =	vst v0  }
0x30: {  	[tilespmem:$0xCF40] =	vst v0  }
0x31: {  	[tilespmem:$0xCF50] =	vst v0  }
0x32: {  	[tilespmem:$0xCF60] =	vst v0  }
0x33: {  	[tilespmem:$0xCF70] =	vst v0  }
0x34: {  	[tilespmem:$0xCF80] =	vst v0  }
0x35: {  	[tilespmem:$0xCF90] =	vst v0  }
0x36: {  	[tilespmem:$0xCFA0] =	vst v0  }
0x37: {  	[tilespmem:$0xCFB0] =	vst v0  }
0x38: {  	[tilespmem:$0xCFC0] =	vst v0  }
0x39: {  	[tilespmem:$0xCFD0] =	vst v0  }
0x3a: {  	[tilespmem:$0xCFE0] =	vst v0  }
0x3b: {  	[tilespmem:$0xCFF0] =	vst v0  }
0x3c: {  	[tilespmem:$0xD000] =	vst v0  }
0x3d: {  	[tilespmem:$0xD010] =	vst v0  }
0x3e: {  	[tilespmem:$0xD020] =	vst v0  }
0x3f: {  	[tilespmem:$0xD030] =	vst v0  }
0x40: {  	[tilespmem:$0xD040] =	vst v0  }
0x41: {  	[tilespmem:$0xD050] =	vst v0  }
0x42: {  	[tilespmem:$0xD060] =	vst v0  }
0x43: {  	[tilespmem:$0xD070] =	vst v0  }
0x44: {  	[tilespmem:$0xD080] =	vst v0  }
0x45: {  	[tilespmem:$0xD090] =	vst v0  }
0x46: {  	[tilespmem:$0xD0A0] =	vst v0  }
0x47: {  	[tilespmem:$0xD0B0] =	vst v0  }
0x48: {  	[tilespmem:$0xD0C0] =	vst v0  }
0x49: {  	[tilespmem:$0xD0D0] =	vst v0  }
0x4a: {  	[tilespmem:$0xD0E0] =	vst v0  }
0x4b: {  	[tilespmem:$0xD0F0] =	vst v0  }
0x4c: {  	[tilespmem:$0xD100] =	vst v0  }
0x4d: {  	[tilespmem:$0xD110] =	vst v0  }
0x4e: {  	[tilespmem:$0xD120] =	vst v0  }
0x4f: {  	[tilespmem:$0xD130] =	vst v0  }
0x50: {  	[tilespmem:$0xD140] =	vst v0  }
0x51: {  	[tilespmem:$0xD150] =	vst v0  }
0x52: {  	[tilespmem:$0xD160] =	vst v0  }
0x53: {  	[tilespmem:$0xD170] =	vst v0  }
0x54: {  	[tilespmem:$0xD180] =	vst v0  }
0x55: {  	[tilespmem:$0xD190] =	vst v0  }
0x56: {  	[tilespmem:$0x135A0] =	vst v0  }
0x57: {  	[tilespmem:$0x135B0] =	vst v0  }
0x58: {  	[tilespmem:$0x135C0] =	vst v0  }
0x59: {  	[tilespmem:$0x135D0] =	vst v0  }
0x5a: {  	[tilespmem:$0x135E0] =	vst v0  }
0x5b: {  	[tilespmem:$0x135F0] =	vst v0  }
0x5c: {  	[tilespmem:$0x13600] =	vst v0  }
0x5d: {  	[tilespmem:$0x13610] =	vst v0  }
0x5e: {  	[tilespmem:$0x13620] =	vst v0  }
0x5f: {  	[tilespmem:$0x13630] =	vst v0  }
0x60: {  	[tilespmem:$0x13640] =	vst v0  }
0x61: {  	[tilespmem:$0x13650] =	vst v0  }
0x62: {  	[tilespmem:$0x13660] =	vst v0  }
0x63: {  	[tilespmem:$0x13670] =	vst v0  }
0x64: {  	[tilespmem:$0x13680] =	vst v0  }
0x65: {  	[tilespmem:$0x13690] =	vst v0  }
0x66: {  	[tilespmem:$0x136A0] =	vst v0  }
0x67: {  	[tilespmem:$0x136B0] =	vst v0  }
0x68: {  	[tilespmem:$0x136C0] =	vst v0  }
0x69: {  	[tilespmem:$0x136D0] =	vst v0  }
0x6a: {  	[tilespmem:$0x136E0] =	vst v0  }
0x6b: {  	[tilespmem:$0x136F0] =	vst v0  }
0x6c: {  	[tilespmem:$0x13700] =	vst v0  }
0x6d: {  	[tilespmem:$0x13710] =	vst v0  }
0x6e: {  	[tilespmem:$0x13720] =	vst v0  }
0x6f: {  	[tilespmem:$0x13730] =	vst v0  }
0x70: {  	[tilespmem:$0x13740] =	vst v0  }
0x71: {  	[tilespmem:$0x13750] =	vst v0  }
0x72: {  	[tilespmem:$0x13760] =	vst v0  }
0x73: {  	[tilespmem:$0x13770] =	vst v0  }
0x74: {  	[tilespmem:$0x13780] =	vst v0  }
0x75: {  	[tilespmem:$0x13790] =	vst v0  }
0x76: {  	[tilespmem:$0x137A0] =	vst v0  }
0x77: {  	[tilespmem:$0x137B0] =	vst v0  }
0x78: {  	[tilespmem:$0x137C0] =	vst v0  }
0x79: {  	[tilespmem:$0x137D0] =	vst v0  }
0x7a: {  	[tilespmem:$0x137E0] =	vst v0  }
0x7b: {  	[tilespmem:$0x137F0] =	vst v0  }
0x7c: {  	[tilespmem:$0x13800] =	vst v0  }
0x7d: {  	[tilespmem:$0x13810] =	vst v0  }
0x7e: {  	[tilespmem:$0x13820] =	vst v0  }
0x7f: {  	[tilespmem:$0x13830] =	vst v0  }
0x80: {  	[tilespmem:$0x13840] =	vst v0  }
0x81: {  	[tilespmem:$0x13850] =	vst v0  }
0x82: {  	[tilespmem:$0x13860] =	vst v0  }
0x83: {  	[tilespmem:$0x13870] =	vst v0  }
0x84: {  	[tilespmem:$0x13880] =	vst v0  }
0x85: {  	[tilespmem:$0x13890] =	vst v0  }
0x86: {  	[tilespmem:$0x138A0] =	vst v0  }
0x87: {  	[tilespmem:$0x138B0] =	vst v0  }
0x88: {  	[tilespmem:$0x138C0] =	vst v0  }
0x89: {  	[tilespmem:$0x138D0] =	vst v0  }
0x8a: {  	[tilespmem:$0x138E0] =	vst v0  }
0x8b: {  	[tilespmem:$0x138F0] =	vst v0  }
0x8c: {  	[tilespmem:$0x13900] =	vst v0  }
0x8d: {  	[tilespmem:$0x13910] =	vst v0  }
0x8e: {  	[tilespmem:$0x13920] =	vst v0  }
0x8f: {  	[tilespmem:$0x13930] =	vst v0  }
0x90: {  	[tilespmem:$0x13940] =	vst v0  }
0x91: {  	[tilespmem:$0x13950] =	vst v0  }
0x92: {  	[tilespmem:$0x13960] =	vst v0  }
0x93: {  	[tilespmem:$0x13970] =	vst v0  }
0x94: {  	[tilespmem:$0x13980] =	vst v0  }
0x95: {  	[tilespmem:$0x13990] =	vst v0;
	s1 =	simm.s32 $0x300  }
.LBB2_2:
0x96: {  	p0 =	sne.s32 s1, $0x19FC0  }
.Ltmp2:
0x97: {  	_ = 	snop;
	(pc) =	sbr.rel @p0 .LBB2_2-.Ltmp2, $3  }
0x98: {  	_ =	sdelay $0x1  }
0x99: {  	s25 =	sshra.s32 s1, $0x2  }
0x9a: {  	s1 =	sadd.s32 $0x340, s1;
	[tilespmem:s25+$0x0] =	vst v1  }
0x9b: {  	s1 =	simm.s32 $0x0  }
0x9c: {  	s25 =	simm.s32 $0x19;
	s28 =	sadd.s32 $0x0, s5;
	s26 =	simm.s32 $0xD0  }
.LBB2_4:
0x9d: {  	[tilespmem:s1], [sflag:$0x1] =	stream.linear.gather [hbm4b:s28+s2], $0xC8, $0x38;
	[tilespmem:$0x159A0] =	vst v63  }
0x9e: {  	s28 =	smov.u32 s25;
	s1 =	smov.u32 s26;
	p0 =	sne.s32 s25, $0xC67  }
.Ltmp3:
0x9f: {  	s25 =	sadd.s32 $0x19, s25;
	(pc) =	sbr.rel @p0 .LBB2_4-.Ltmp3, $2  }
0xa0: {  	_ =	sdelay $0x2  }
0xa1: {  	s26 =	sadd.s32 $0xD0, s26;
	s28 =	sadd.s32 s28, s5  }
0xa2: {  	[tilespmem:s1], [sflag:$0x1] =	stream.linear.gather [hbm4b:s28+s2], $0xC8, $0x38;
	[tilespmem:$0x159A0] =	vst v63  }
0xa3: {  	_ =	swait.ge [sflag:s8], $0x6400  }
0xa4: {  	[sflag:s8] =	ssyncset.done $0x0  }
0xa5: {  	s25 =	simm.s32 $0x0;
	s0 =	simm.s32 $0x69A0;
	[sflag:s8] =	ssyncadd.s32 $0xFFFF9C00  }
0xa6: {  	[tilespmem:s0], [sflag:$0x2] =	stream.indirect.gather [hbm4b:s4+s9], $0x80, s25, s9, $0xb8;
	[tilespmem:$0x159A0] =	vst v63  }
0xa7: {  	_ = 	snop  }
0xa8: {  	[tilespmem:s12], [sflag:$0x2] =	stream.indirect.gather [hbm4b:s4+s11], $0x80, s9, s11, $0xb8;
	[tilespmem:$0x159A0] =	vst v63  }
0xa9: {  	_ = 	snop  }
0xaa: {  	[tilespmem:s13], [sflag:$0x2] =	stream.indirect.gather [hbm4b:s3+s9], $0x1, s25, s9, $0xb8;
	[tilespmem:$0x159A0] =	vst v63  }
0xab: {  	_ = 	snop  }
0xac: {  	[tilespmem:s14], [sflag:$0x2] =	stream.indirect.gather [hbm4b:s3+s11], $0x1, s9, s11, $0xb8;
	[tilespmem:$0x159A0] =	vst v63  }
0xad: {  	s26 =	simm.s32 $0xD0  }
0xae: {  	[tilespmem:s15], [sflag:$0x3] =	stream.indirect.gather [hbm4b:s4+s9], $0x80, s26, s9, $0xb8;
	[tilespmem:$0x159A0] =	vst v63  }
0xaf: {  	_ = 	snop  }
0xb0: {  	[tilespmem:s17], [sflag:$0x3] =	stream.indirect.gather [hbm4b:s4+s11], $0x80, s16, s11, $0xb8;
	[tilespmem:$0x159A0] =	vst v63  }
0xb1: {  	_ = 	snop  }
0xb2: {  	[tilespmem:s18], [sflag:$0x3] =	stream.indirect.gather [hbm4b:s3+s9], $0x1, s26, s9, $0xb8;
	[tilespmem:$0x159A0] =	vst v63  }
0xb3: {  	s28 =	simm.s32 $0x0  }
0xb4: {  	[tilespmem:s19], [sflag:$0x3] =	stream.indirect.gather [hbm4b:s3+s11], $0x1, s16, s11, $0xb8;
	[tilespmem:$0x159A0] =	vst v63  }
.LBB2_6:
0xb5: {  	_ =	swait.ge [sflag:s20], $0x3800  }
0xb6: {  	[sflag:s20] =	ssyncset.done $0x0  }
0xb7: {  	[sflag:s20] =	ssyncadd.s32 $0xFFFFC800  }
0xb8: {  	_ =	swait.ge [sflag:s20], $0x2C00  }
0xb9: {  	[sflag:s20] =	ssyncset.done $0x0  }
0xba: {  	[sflag:s20] =	ssyncadd.s32 $0xFFFFD400  }
0xbb: {  	_ =	swait.ge [sflag:s20], $0x70  }
0xbc: {  	[sflag:s20] =	ssyncset.done $0x0  }
0xbd: {  	[sflag:s20] =	ssyncadd.s32 $0xFFFFFF90  }
0xbe: {  	_ =	swait.ge [sflag:s20], $0x58  }
0xbf: {  	v3 =	vmov s25;
	[sflag:s20] =	ssyncset.done $0x0  }
0xc0: {  	s1 =	simm.s32 $0x6DA0;
	[sflag:s20] =	ssyncadd.s32 $0xFFFFFFA8  }
0xc1: {  	v2 =	vld [tilespmem:s1+$0x230]  }
0xc2: {  	s29 =	simm.s32 $0x0;
	v7 =	vld [tilespmem:s1+$0x130]  }
0xc3: {  	v5 =	vld [tilespmem:s29+$0x6800]  }
0xc4: {  	v4 =	vld.idx.msk [tilespmem:v3+s29+$0x0 ss:$0x1], $0xffff  }
0xc5: {  	v8 =	vld [tilespmem:s1+$0x110]  }
0xc6: {  	v9 =	vld [tilespmem:s1+$0xFFFFFE90]  }
0xc7: {  	v11 =	vld [tilespmem:s1+$0xFFFFFF20]  }
0xc8: {  	v10 =	vld [tilespmem:s1+$0xFFFFFE80];
	v5 =	vmul.f32 $1.442695020e+00, v5  }
0xc9: {  	v13 =	vld [tilespmem:s1+$0xFFFFFC80]  }
0xca: {  	v15 =	vld [tilespmem:s1+$0xFFFFFD00];
	(erf) = vpow2.f32 v5  }
0xcb: {  	v16 =	vld [tilespmem:s1+$0xFFFFFD80]  }
0xcc: {  	v17 =	vld [tilespmem:s1+$0xFFFFFD90]  }
0xcd: {  	v6 =	vld [tilespmem:s1+$0xFFFFFC90]  }
0xce: {  	v18 =	vld [tilespmem:s1+$0xFFFFFD30]  }
0xcf: {  	v19 =	vld [tilespmem:s1+$0xFFFFFC10]  }
0xd0: {  	v20 =	vld [tilespmem:s1+$0xFFFFFC00]  }
0xd1: {  	v21 =	vld [tilespmem:s1+$0xFFFFFC20]  }
0xd2: {  	v22 =	vld [tilespmem:s1+$0xFFFFFC30]  }
0xd3: {  	v23 =	vld [tilespmem:s1+$0xFFFFFCA0];
	vm0 =	veq.s32 v4, $0x0;
	v4 =	vpop (erf)  }
0xd4: {  	v14 =	vld [tilespmem:s1+$0xFFFFFCB0];
	v24 =	vsel vm0, $0x0, v4  }
0xd5: {  	v12 =	vld [tilespmem:s1+$0xFFFFFD10];
	v25 =	vbroadcast v24, $0x1  }
0xd6: {  	v26 =	vld [tilespmem:s1+$0xFFFFFD20];
	v4 =	vbroadcast v24, $0xF;
	v27 =	vbroadcast v24, $0x2  }
0xd7: {  	v28 =	vld [tilespmem:s1+$0xFFFFFDA0];
	v5 =	vbroadcast v24, $0xE;
	v31 =	vbroadcast v24, $0x3  }
0xd8: {  	v30 =	vld [tilespmem:s1+$0xFFFFFDB0];
	v33 =	vbroadcast v24, $0x9;
	v36 =	vbroadcast v24, $0xB  }
0xd9: {  	v32 =	vld [tilespmem:s1+$0xFFFFFE00];
	v38 =	vbroadcast v24, $0x8;
	v39 =	vbroadcast v24, $0x0  }
0xda: {  	v35 =	vld [tilespmem:s1+$0xFFFFFE20];
	v43 =	vbroadcast v24, $0x4;
	v45 =	vbroadcast v24, $0x7  }
0xdb: {  	v37 =	vld [tilespmem:s1+$0xFFFFFE30];
	v46 =	vbroadcast v24, $0x5;
	v29 =	vmul.f32 v6, v25  }
0xdc: {  	v40 =	vld [tilespmem:s1+$0xFFFFFEA0];
	v6 =	vbroadcast v24, $0xC;
	v34 =	vmul.f32 v12, v27  }
0xdd: {  	v44 =	vld [tilespmem:s1+$0xFFFFFE10];
	v26 =	vmul.f32 v26, v27;
	v12 =	vbroadcast v24, $0xD  }
0xde: {  	v42 =	vld [tilespmem:s1+$0xFFFFFEB0];
	v41 =	vmul.f32 v14, v25;
	v14 =	vbroadcast v24, $0xA  }
0xdf: {  	v47 =	vld [tilespmem:s1+$0xFFFFFF30];
	v24 =	vbroadcast v24, $0x6;
	v28 =	vmul.f32 v28, v31  }
0xe0: {  	v48 =	vld [tilespmem:s1+$0xB0];
	v32 =	vmul.f32 v32, v43;
	v30 =	vmul.f32 v30, v31  }
0xe1: {  	v49 =	vld [tilespmem:s1+$0x30];
	v37 =	vmul.f32 v37, v43;
	v21 =	vmul.f32 v39, v21  }
0xe2: {  	v50 =	vld [tilespmem:s1+$0xFFFFFF10];
	v40 =	vmul.f32 v40, v46;
	v44 =	vmul.f32 v44, v43  }
0xe3: {  	v62 =	vld [tilespmem:s1+$0xFFFFFFB0];
	v35 =	vmul.f32 v35, v43;
	v20 =	vmul.f32 v39, v20  }
0xe4: {  	v52 =	vld [tilespmem:s1+$0xFFFFFF00];
	v51 =	vmul.f32 v10, v46;
	v23 =	vmul.f32 v23, v25  }
0xe5: {  	v53 =	vld [tilespmem:s1+$0x10];
	v16 =	vmul.f32 v16, v31;
	v18 =	vmul.f32 v18, v27  }
0xe6: {  	v63 =	vld [tilespmem:s1+$0x90];
	v48 =	vmul.f32 v48, v33;
	v15 =	vmul.f32 v15, v27  }
0xe7: {  	v10 =	vld [tilespmem:s1+$0xFFFFFF90];
	v49 =	vmul.f32 v49, v38;
	v13 =	vmul.f32 v13, v25  }
0xe8: {  	v54 =	vimm.f32 $0.0e+00;
	v58 =	vld [tilespmem:s1+$0xA0];
	v25 =	vmul.f32 v42, v46;
	v19 =	vmul.f32 v39, v19  }
0xe9: {  	v46 =	vmul.f32 v9, v46;
	v9 =	vld [tilespmem:s1+$0x0];
	v17 =	vmul.f32 v17, v31;
	v20 =	vadd.f32 v20, v54  }
0xea: {  	v27 =	vld [tilespmem:s1+$0xFFFFFF80];
	v31 =	vmul.f32 v62, v45;
	v21 =	vadd.f32 v21, v54;
	v19 =	vadd.f32 v19, v54  }
0xeb: {  	v59 =	vld [tilespmem:s1+$0x190];
	v50 =	vmul.f32 v50, v24;
	v8 =	vmul.f32 v8, v14;
	v13 =	vadd.f32 v13, v20  }
0xec: {  	v21 =	vadd.f32 v23, v21;
	v55 =	vmul.f32 v10, v45;
	v10 =	vmul.f32 v22, v39;
	v22 =	vld [tilespmem:s1+$0xFFFFFFA0]  }
0xed: {  	v60 =	vld [tilespmem:s1+$0x100];
	v20 =	vmul.f32 v52, v24;
	v19 =	vadd.f32 v29, v19;
	v13 =	vadd.f32 v15, v13  }
0xee: {  	v39 =	vmul.f32 v53, v38;
	v57 =	vmul.f32 v9, v38;
	v21 =	vadd.f32 v26, v21;
	v26 =	vld [tilespmem:s1+$0x2B0]  }
0xef: {  	v61 =	vld [tilespmem:s1+$0x2A0];
	v15 =	vmul.f32 v27, v45;
	v56 =	vadd.f32 v10, v54;
	v9 =	vadd.f32 v16, v13  }
0xf0: {  	v19 =	vadd.f32 v34, v19;
	v10 =	vmul.f32 v63, v33;
	v21 =	vadd.f32 v28, v21;
	v28 =	vld [tilespmem:s1+$0x120]  }
0xf1: {  	v23 =	vld [tilespmem:s1+$0x80];
	v16 =	vmul.f32 v22, v45;
	v22 =	vadd.f32 v41, v56;
	v29 =	vadd.f32 v32, v9  }
0xf2: {  	v27 =	vld [tilespmem:s1+$0x20];
	v17 =	vadd.f32 v17, v19;
	v19 =	vmul.f32 v60, v14;
	v21 =	vadd.f32 v35, v21  }
0xf3: {  	v13 =	vld [tilespmem:s1+$0x1B0];
	v9 =	vmul.f32 v26, v12;
	v18 =	vadd.f32 v18, v22;
	v26 =	vadd.f32 v51, v29  }
0xf4: {  	v22 =	vld [tilespmem:s1+$0x1A0];
	v29 =	vmul.f32 v47, v24;
	v21 =	vadd.f32 v40, v21;
	v24 =	vmul.f32 v11, v24  }
0xf5: {  	v18 =	vadd.f32 v30, v18;
	v20 =	vadd.f32 v20, v26;
	v26 =	vmul.f32 v28, v14;
	v28 =	vld [tilespmem:s1+$0x180]  }
0xf6: {  	v23 =	vmul.f32 v23, v33;
	v33 =	vmul.f32 v58, v33;
	v17 =	vadd.f32 v44, v17;
	v30 =	vld [tilespmem:s1+$0x220]  }
0xf7: {  	v27 =	vmul.f32 v27, v38;
	v21 =	vadd.f32 v24, v21;
	v24 =	vld [tilespmem:s1+$0x290];
	v18 =	vadd.f32 v37, v18  }
0xf8: {  	v11 =	vmul.f32 v59, v36;
	v17 =	vadd.f32 v46, v17;
	v15 =	vadd.f32 v15, v20;
	v20 =	vld [tilespmem:s1+$0x210]  }
0xf9: {  	v21 =	vadd.f32 v16, v21;
	v62 =	vmul.f32 v22, v36;
	v22 =	vld [tilespmem:s1+$0x320];
	v18 =	vadd.f32 v25, v18  }
0xfa: {  	v17 =	vadd.f32 v50, v17;
	v15 =	vadd.f32 v57, v15;
	v25 =	vmul.f32 v28, v36;
	v28 =	vld [tilespmem:s1+$0x3A0]  }
0xfb: {  	v13 =	vmul.f32 v13, v36;
	v27 =	vadd.f32 v27, v21;
	v18 =	vadd.f32 v29, v18;
	v29 =	vld [tilespmem:s1+$0x200]  }
0xfc: {  	v63 =	vld [tilespmem:s1+$0x280];
	v16 =	vmul.f32 v30, v6;
	v23 =	vadd.f32 v23, v15;
	v15 =	vmul.f32 v61, v12  }
0xfd: {  	v27 =	vadd.f32 v33, v27;
	v21 =	vmul.f32 v20, v6;
	v20 =	vld [tilespmem:s1+$0x390];
	v30 =	vadd.f32 v31, v18  }
0xfe: {  	v31 =	vadd.f32 v19, v23;
	v18 =	vmul.f32 v22, v5;
	v22 =	vmul.f32 v24, v12;
	v23 =	vld [tilespmem:s1+$0x3B0]  }
0xff: {  	v33 =	vadd.f32 v26, v27;
	v24 =	vld [tilespmem:s1+$0x300];
	v30 =	vadd.f32 v49, v30;
	v19 =	vmul.f32 v28, v4  }
0x100: {  	s29 =	smul.u32 $0x680, s28;
	v28 =	vadd.f32 v55, v17;
	v31 =	vadd.f32 v25, v31;
	v25 =	vld [tilespmem:s1+$0x330];
	v29 =	vmul.f32 v29, v6  }
0x101: {  	v27 =	vmul.f32 v7, v14;
	v14 =	vadd.f32 v62, v33;
	v17 =	vld [tilespmem:s1+$0x380];
	v26 =	vadd.f32 v48, v30  }
0x102: {  	s30 =	simm.s32 $0x40;
	s31 =	simm.s32 $0x75A0;
	s29 =	sshra.s32 s29, $0x2;
	v30 =	vadd.f32 v39, v28;
	v28 =	vadd.f32 v29, v31;
	v29 =	vmul.f32 v63, v12;
	v12 =	vld [tilespmem:s1+$0x310]  }
.LBB2_7:
0x103: {  	s1 =	sshra.s32 s30, $0x2;
	p0 =	sne.s32 s30, $0x300;
	s30 =	sadd.s32 $0x40, s30;
	v6 =	vmul.f32 v2, v6;
	v2 =	vld [tilespmem:s31+$0x230];
	v23 =	vmul.f32 v23, v4  }
0x104: {  	v7 =	vld [tilespmem:s31+$0x130];
	v10 =	vadd.f32 v10, v30;
	v28 =	vadd.f32 v29, v28;
	v24 =	vmul.f32 v24, v5  }
0x105: {  	v29 =	vld.idx.msk [tilespmem:v3+s1+$0x0 ss:$0x1], $0xffff;
	v25 =	vmul.f32 v25, v5  }
0x106: {  	v26 =	vadd.f32 v27, v26;
	v30 =	vld [tilespmem:s1+$0x6800];
	v31 =	vadd.f32 v8, v10;
	v17 =	vmul.f32 v17, v4  }
0x107: {  	v24 =	vadd.f32 v24, v28;
	v8 =	vld [tilespmem:s31+$0x110];
	v5 =	vmul.f32 v12, v5  }
0x108: {  	v13 =	vadd.f32 v13, v26;
	v10 =	vld [tilespmem:s31+$0xFFFFFE90];
	v12 =	vadd.f32 v11, v31  }
0x109: {  	v14 =	vadd.f32 v16, v14;
	v4 =	vmul.f32 v20, v4;
	v16 =	vadd.f32 v17, v24;
	v11 =	vld [tilespmem:s31+$0xFFFFFF20]  }
0x10a: {  	v6 =	vadd.f32 v6, v13;
	v17 =	vld [tilespmem:s31+$0xFFFFFE80];
	v12 =	vadd.f32 v21, v12  }
0x10b: {  	v14 =	vadd.f32 v15, v14;
	v13 =	vmul.f32 $1.442695020e+00, v30;
	v20 =	vld [tilespmem:s31+$0xFFFFFC80]  }
0x10c: {  	v6 =	vadd.f32 v9, v6;
	v21 =	vld [tilespmem:s31+$0xFFFFFD00];
	v12 =	vadd.f32 v22, v12  }
0x10d: {  	v9 =	vld [tilespmem:s31+$0xFFFFFD80];
	(erf) = vpow2.f32 v13;
	v13 =	vadd.f32 v18, v14  }
0x10e: {  	v6 =	vadd.f32 v25, v6;
	v18 =	vld [tilespmem:s31+$0xFFFFFD90];
	v5 =	vadd.f32 v5, v12  }
0x10f: {  	v12 =	vld [tilespmem:s31+$0xFFFFFC90];
	v13 =	vadd.f32 v19, v13  }
0x110: {  	v23 =	vadd.f32 v23, v6;
	v19 =	vld [tilespmem:s31+$0xFFFFFD30];
	v22 =	vadd.f32 v4, v5  }
0x111: {  	v24 =	vld [tilespmem:s31+$0xFFFFFC10]  }
0x112: {  	v25 =	vld [tilespmem:s31+$0xFFFFFC00]  }
0x113: {  	v26 =	vld [tilespmem:s31+$0xFFFFFC20]  }
0x114: {  	vm0 =	veq.s32 v29, $0x0;
	v27 =	vld [tilespmem:s31+$0xFFFFFC30]  }
0x115: {  	v28 =	vld [tilespmem:s31+$0xFFFFFCA0]  }
0x116: {  	v14 =	vld [tilespmem:s31+$0xFFFFFCB0];
	v4 =	vpop (erf)  }
0x117: {  	v29 =	vsel vm0, $0x0, v4;
	v15 =	vld [tilespmem:s31+$0xFFFFFD10]  }
0x118: {  	v30 =	vbroadcast v29, $0x1;
	v31 =	vld [tilespmem:s31+$0xFFFFFD20];
	v4 =	vbroadcast v29, $0xF  }
0x119: {  	v32 =	vbroadcast v29, $0x2;
	v5 =	vbroadcast v29, $0xE;
	v33 =	vld [tilespmem:s31+$0xFFFFFDA0]  }
0x11a: {  	v6 =	vbroadcast v29, $0xC;
	v34 =	vmul.f32 v12, v30;
	v35 =	vld [tilespmem:s31+$0xFFFFFDB0]  }
0x11b: {  	v36 =	vbroadcast v29, $0x3;
	v38 =	vbroadcast v29, $0x9;
	v37 =	vld [tilespmem:s31+$0xFFFFFE00]  }
0x11c: {  	v39 =	vmul.f32 v15, v32;
	v40 =	vld [tilespmem:s31+$0xFFFFFE20];
	v15 =	vbroadcast v29, $0xB  }
0x11d: {  	v42 =	vbroadcast v29, $0x8;
	v31 =	vmul.f32 v31, v32;
	v41 =	vld [tilespmem:s31+$0xFFFFFE30]  }
0x11e: {  	v43 =	vbroadcast v29, $0x0;
	v12 =	vbroadcast v29, $0xD;
	v44 =	vld [tilespmem:s31+$0xFFFFFEA0]  }
0x11f: {  	v45 =	vmul.f32 v14, v30;
	v14 =	vbroadcast v29, $0xA;
	v46 =	vld [tilespmem:s31+$0xFFFFFEB0]  }
0x120: {  	v47 =	vbroadcast v29, $0x4;
	v49 =	vbroadcast v29, $0x7;
	v48 =	vld [tilespmem:s31+$0xFFFFFE10]  }
0x121: {  	v50 =	vbroadcast v29, $0x5;
	v29 =	vbroadcast v29, $0x6;
	v51 =	vld [tilespmem:s31+$0xFFFFFF30]  }
0x122: {  	v33 =	vmul.f32 v33, v36;
	v37 =	vmul.f32 v37, v47;
	v52 =	vld [tilespmem:s31+$0xB0]  }
0x123: {  	v35 =	vmul.f32 v35, v36;
	v41 =	vmul.f32 v41, v47;
	v53 =	vld [tilespmem:s31+$0x30]  }
0x124: {  	v26 =	vmul.f32 v43, v26;
	v44 =	vmul.f32 v44, v50;
	v54 =	vld [tilespmem:s31+$0xFFFFFF10]  }
0x125: {  	v40 =	vmul.f32 v40, v47;
	v48 =	vmul.f32 v48, v47;
	v47 =	vld [tilespmem:s31+$0xFFFFFFB0]  }
0x126: {  	v25 =	vmul.f32 v43, v25;
	v55 =	vmul.f32 v17, v50;
	v56 =	vld [tilespmem:s31+$0xFFFFFF90]  }
0x127: {  	v9 =	vmul.f32 v9, v36;
	v13 =	vadd.f32 v26, v13;
	v26 =	vmul.f32 v28, v30;
	v28 =	vld [tilespmem:s31+$0xFFFFFF00]  }
0x128: {  	v19 =	vmul.f32 v19, v32;
	v16 =	vadd.f32 v25, v16;
	v17 =	vmul.f32 v52, v38;
	v25 =	vld [tilespmem:s31+$0x10]  }
0x129: {  	v21 =	vmul.f32 v21, v32;
	v13 =	vadd.f32 v26, v13;
	v32 =	vmul.f32 v53, v42;
	v26 =	vld [tilespmem:s31+$0xFFFFFF80]  }
0x12a: {  	v20 =	vmul.f32 v20, v30;
	v30 =	vmul.f32 v46, v50;
	v46 =	vld [tilespmem:s31+$0x90]  }
0x12b: {  	v50 =	vmul.f32 v10, v50;
	v52 =	vmul.f32 v56, v49;
	v53 =	vld [tilespmem:s31+$0x0]  }
0x12c: {  	v16 =	vadd.f32 v20, v16;
	v10 =	vmul.f32 v27, v43;
	v20 =	vmul.f32 v28, v29;
	v27 =	vld [tilespmem:s31+$0xFFFFFFA0]  }
0x12d: {  	v24 =	vmul.f32 v43, v24;
	v28 =	vmul.f32 v25, v42;
	v25 =	vld [tilespmem:s31+$0x80]  }
0x12e: {  	v16 =	vadd.f32 v21, v16;
	v23 =	vadd.f32 v10, v23;
	v21 =	vmul.f32 v26, v49;
	v26 =	vld [tilespmem:s31+$0x20]  }
0x12f: {  	v18 =	vmul.f32 v18, v36;
	v13 =	vadd.f32 v31, v13;
	v10 =	vmul.f32 v46, v38;
	v31 =	vld [tilespmem:s31+$0x2B0]  }
0x130: {  	v22 =	vadd.f32 v24, v22;
	v24 =	vmul.f32 v47, v49;
	v36 =	vmul.f32 v53, v42;
	v43 =	vld [tilespmem:s31+$0xA0]  }
0x131: {  	v9 =	vadd.f32 v9, v16;
	v46 =	vmul.f32 v54, v29;
	v16 =	vmul.f32 v27, v49;
	v27 =	vld [tilespmem:s31+$0x1B0]  }
0x132: {  	v13 =	vadd.f32 v33, v13;
	v23 =	vadd.f32 v45, v23;
	v25 =	vmul.f32 v25, v38;
	v33 =	vld [tilespmem:s31+$0x120]  }
0x133: {  	v22 =	vadd.f32 v34, v22;
	v34 =	vadd.f32 v37, v9;
	v26 =	vmul.f32 v26, v42;
	v37 =	vld [tilespmem:s31+$0x190]  }
0x134: {  	v13 =	vadd.f32 v40, v13;
	v19 =	vadd.f32 v19, v23;
	v23 =	vld [tilespmem:s31+$0x1A0];
	v9 =	vmul.f32 v31, v12  }
0x135: {  	v31 =	vadd.f32 v55, v34;
	v34 =	vmul.f32 v51, v29;
	v38 =	vmul.f32 v43, v38;
	v40 =	vld [tilespmem:s31+$0x100]  }
0x136: {  	v19 =	vadd.f32 v35, v19;
	v35 =	vadd.f32 v44, v13;
	v13 =	vmul.f32 v27, v15;
	v27 =	vld [tilespmem:s31+$0x220]  }
0x137: {  	v29 =	vmul.f32 v11, v29;
	v20 =	vadd.f32 v20, v31;
	v31 =	vmul.f32 v33, v14;
	v33 =	vld [tilespmem:s31+$0x180]  }
0x138: {  	v22 =	vadd.f32 v39, v22;
	v19 =	vadd.f32 v41, v19;
	v11 =	vmul.f32 v37, v15;
	v37 =	vld [tilespmem:s31+$0x2A0]  }
0x139: {  	v29 =	vadd.f32 v29, v35;
	v20 =	vadd.f32 v21, v20;
	v35 =	vmul.f32 v23, v15;
	v21 =	vld [tilespmem:s31+$0x210]  }
0x13a: {  	v18 =	vadd.f32 v18, v22;
	v19 =	vadd.f32 v30, v19;
	v22 =	vmul.f32 v40, v14;
	v23 =	vld [tilespmem:s31+$0x320]  }
0x13b: {  	v29 =	vadd.f32 v16, v29;
	v20 =	vadd.f32 v36, v20;
	v16 =	vmul.f32 v27, v6;
	v27 =	vld [tilespmem:s31+$0x290]  }
0x13c: {  	v18 =	vadd.f32 v48, v18;
	v19 =	vadd.f32 v34, v19;
	v30 =	vmul.f32 v33, v15;
	v33 =	vld [tilespmem:s31+$0x3A0]  }
0x13d: {  	v26 =	vadd.f32 v26, v29;
	v25 =	vadd.f32 v25, v20;
	v29 =	vld [tilespmem:s31+$0x200];
	v15 =	vmul.f32 v37, v12  }
0x13e: {  	v34 =	vadd.f32 v50, v18;
	v19 =	vadd.f32 v24, v19;
	v21 =	vmul.f32 v21, v6;
	v20 =	vld [tilespmem:s31+$0x390]  }
0x13f: {  	v24 =	vadd.f32 v38, v26;
	v25 =	vadd.f32 v22, v25;
	v36 =	vld [tilespmem:s31+$0x280];
	v18 =	vmul.f32 v23, v5  }
.Ltmp4:
0x140: {  	v32 =	vadd.f32 v32, v19;
	v26 =	vadd.f32 v46, v34;
	v22 =	vmul.f32 v27, v12;
	v23 =	vld [tilespmem:s31+$0x3B0];
	(pc) =	sbr.rel @p0 .LBB2_7-.Ltmp4, $4  }
0x141: {  	v8 =	vmul.f32 v8, v14;
	v31 =	vadd.f32 v31, v24;
	v24 =	vld [tilespmem:s31+$0x300];
	v19 =	vmul.f32 v33, v4  }
0x142: {  	v34 =	vadd.f32 v30, v25;
	v33 =	vadd.f32 v52, v26;
	v29 =	vmul.f32 v29, v6;
	v25 =	vld [tilespmem:s31+$0x330]  }
0x143: {  	v27 =	vmul.f32 v7, v14;
	v14 =	vadd.f32 v35, v31;
	v26 =	vadd.f32 v17, v32;
	v17 =	vld [tilespmem:s31+$0x380]  }
0x144: {  	v30 =	vadd.f32 v28, v33;
	v28 =	vadd.f32 v29, v34;
	v29 =	vmul.f32 v36, v12;
	v12 =	vld [tilespmem:s31+$0x310];
	s31 =	sadd.s32 $0x800, s31  }
0x145: {  	_ = 	snop  }
0x146: {  	v7 =	vadd.f32 v27, v26;
	v3 =	vadd.f32 v10, v30;
	_ =	sdelay $0x1  }
0x147: {  	v2 =	vmul.f32 v2, v6;
	v6 =	vadd.f32 v13, v7;
	v3 =	vadd.f32 v8, v3  }
0x148: {  	v7 =	vmul.f32 v24, v5  }
0x149: {  	v10 =	vmul.f32 v25, v5;
	v2 =	vadd.f32 v2, v6;
	v3 =	vadd.f32 v11, v3  }
0x14a: {  	v8 =	vadd.f32 v29, v28;
	v5 =	vmul.f32 v12, v5;
	v11 =	vadd.f32 v16, v14  }
0x14b: {  	v6 =	vmul.f32 v17, v4;
	v2 =	vadd.f32 v9, v2;
	v3 =	vadd.f32 v21, v3  }
0x14c: {  	v7 =	vadd.f32 v7, v8;
	v8 =	vadd.f32 v15, v11;
	v11 =	vmul.f32 v20, v4  }
0x14d: {  	v4 =	vmul.f32 v23, v4;
	v2 =	vadd.f32 v10, v2;
	v3 =	vadd.f32 v22, v3;
	_ =	sdelay $0x1  }
0x14e: {  	s1 =	sshll.u32 s28, $0x7;
	v2 =	vadd.f32 v4, v2;
	v3 =	vadd.f32 v5, v3  }
0x14f: {  	s1 =	sand.u32 $0x3FFFFF80, s1;
	v5 =	vadd.f32 v6, v7;
	v6 =	vadd.f32 v18, v8  }
0x150: {  	[tilespmem:s1+$0x139D0] =	vst v2;
	v3 =	vadd.f32 v11, v3  }
0x151: {  	v6 =	vadd.f32 v19, v6;
	[tilespmem:s1+$0x139A0] =	vst v5  }
0x152: {  	p0 =	seq.s32 s28, $0x3F;
	[tilespmem:s1+$0x139B0] =	vst v3  }
0x153: {  	s30 =	simm.s32 @!p0 $0x70;
	s31 =	simm.s32 @!p0 $0x69A0;
	[tilespmem:s1+$0x139C0] =	vst v6;
	s1 =	sadd.s32 @!p0 $0x1A0, s29  }
0x154: {  	[tilespmem:s31], [sflag:$0x2] =	stream.indirect.gather @!p0 [hbm4b:s4+s30], $0x80, s1, s30, $0xb8;
	[tilespmem:$0x159A0] =	vst v63  }
0x155: {  	s0 =	simm.s32 @!p0 $0x58;
	s10 =	simm.s32 @!p0 $0xA1A0;
	s31 =	sadd.s32 @!p0 $0x210, s29  }
0x156: {  	[tilespmem:s10], [sflag:$0x2] =	stream.indirect.gather @!p0 [hbm4b:s4+s0], $0x80, s31, s0, $0xb8;
	[tilespmem:$0x159A0] =	vst v63  }
0x157: {  	s10 =	simm.s32 @!p0 $0x6800  }
0x158: {  	[tilespmem:s10], [sflag:$0x2] =	stream.indirect.gather @!p0 [hbm4b:s3+s30], $0x1, s1, s30, $0xb8;
	[tilespmem:$0x159A0] =	vst v63  }
0x159: {  	s1 =	simm.s32 @!p0 $0x6870  }
0x15a: {  	[tilespmem:s1], [sflag:$0x2] =	stream.indirect.gather @!p0 [hbm4b:s3+s0], $0x1, s31, s0, $0xb8;
	[tilespmem:$0x159A0] =	vst v63  }
0x15b: {  	_ =	swait.ge [sflag:s21], $0x3800  }
0x15c: {  	[sflag:s21] =	ssyncset.done $0x0  }
0x15d: {  	[sflag:s21] =	ssyncadd.s32 $0xFFFFC800  }
0x15e: {  	_ =	swait.ge [sflag:s21], $0x2C00  }
0x15f: {  	[sflag:s21] =	ssyncset.done $0x0  }
0x160: {  	[sflag:s21] =	ssyncadd.s32 $0xFFFFD400  }
0x161: {  	_ =	swait.ge [sflag:s21], $0x70  }
0x162: {  	[sflag:s21] =	ssyncset.done $0x0  }
0x163: {  	[sflag:s21] =	ssyncadd.s32 $0xFFFFFF90  }
0x164: {  	_ =	swait.ge [sflag:s21], $0x58  }
0x165: {  	v3 =	vmov s26;
	[sflag:s21] =	ssyncset.done $0x0  }
0x166: {  	s1 =	simm.s32 $0xD5A0;
	[sflag:s21] =	ssyncadd.s32 $0xFFFFFFA8  }
0x167: {  	v2 =	vld [tilespmem:s1+$0x230]  }
0x168: {  	s10 =	simm.s32 $0x0;
	v7 =	vld [tilespmem:s1+$0x130]  }
0x169: {  	v5 =	vld [tilespmem:s10+$0x68D0]  }
0x16a: {  	v4 =	vld.idx.msk [tilespmem:v3+s10+$0x0 ss:$0x1], $0xffff  }
0x16b: {  	v8 =	vld [tilespmem:s1+$0x110]  }
0x16c: {  	v9 =	vld [tilespmem:s1+$0xFFFFFE90]  }
0x16d: {  	v11 =	vld [tilespmem:s1+$0xFFFFFF20]  }
0x16e: {  	v10 =	vld [tilespmem:s1+$0xFFFFFE80];
	v5 =	vmul.f32 $1.442695020e+00, v5  }
0x16f: {  	v13 =	vld [tilespmem:s1+$0xFFFFFC80]  }
0x170: {  	v15 =	vld [tilespmem:s1+$0xFFFFFD00];
	(erf) = vpow2.f32 v5  }
0x171: {  	v16 =	vld [tilespmem:s1+$0xFFFFFD80]  }
0x172: {  	v17 =	vld [tilespmem:s1+$0xFFFFFD90]  }
0x173: {  	v6 =	vld [tilespmem:s1+$0xFFFFFC90]  }
0x174: {  	v18 =	vld [tilespmem:s1+$0xFFFFFD30]  }
0x175: {  	v19 =	vld [tilespmem:s1+$0xFFFFFC10]  }
0x176: {  	v20 =	vld [tilespmem:s1+$0xFFFFFC00]  }
0x177: {  	v21 =	vld [tilespmem:s1+$0xFFFFFC20]  }
0x178: {  	v22 =	vld [tilespmem:s1+$0xFFFFFC30]  }
0x179: {  	v23 =	vld [tilespmem:s1+$0xFFFFFCA0];
	vm0 =	veq.s32 v4, $0x0;
	v4 =	vpop (erf)  }
0x17a: {  	v14 =	vld [tilespmem:s1+$0xFFFFFCB0];
	v24 =	vsel vm0, $0x0, v4  }
0x17b: {  	v12 =	vld [tilespmem:s1+$0xFFFFFD10];
	v25 =	vbroadcast v24, $0x1  }
0x17c: {  	v26 =	vld [tilespmem:s1+$0xFFFFFD20];
	v4 =	vbroadcast v24, $0xF;
	v27 =	vbroadcast v24, $0x2  }
0x17d: {  	v28 =	vld [tilespmem:s1+$0xFFFFFDA0];
	v5 =	vbroadcast v24, $0xE;
	v31 =	vbroadcast v24, $0x3  }
0x17e: {  	v30 =	vld [tilespmem:s1+$0xFFFFFDB0];
	v33 =	vbroadcast v24, $0x9;
	v36 =	vbroadcast v24, $0xB  }
0x17f: {  	v32 =	vld [tilespmem:s1+$0xFFFFFE00];
	v38 =	vbroadcast v24, $0x8;
	v39 =	vbroadcast v24, $0x0  }
0x180: {  	v35 =	vld [tilespmem:s1+$0xFFFFFE20];
	v43 =	vbroadcast v24, $0x4;
	v45 =	vbroadcast v24, $0x7  }
0x181: {  	v37 =	vld [tilespmem:s1+$0xFFFFFE30];
	v46 =	vbroadcast v24, $0x5;
	v29 =	vmul.f32 v6, v25  }
0x182: {  	v40 =	vld [tilespmem:s1+$0xFFFFFEA0];
	v6 =	vbroadcast v24, $0xC;
	v34 =	vmul.f32 v12, v27  }
0x183: {  	v44 =	vld [tilespmem:s1+$0xFFFFFE10];
	v26 =	vmul.f32 v26, v27;
	v12 =	vbroadcast v24, $0xD  }
0x184: {  	v42 =	vld [tilespmem:s1+$0xFFFFFEB0];
	v41 =	vmul.f32 v14, v25;
	v14 =	vbroadcast v24, $0xA  }
0x185: {  	v47 =	vld [tilespmem:s1+$0xFFFFFF30];
	v24 =	vbroadcast v24, $0x6;
	v28 =	vmul.f32 v28, v31  }
0x186: {  	v48 =	vld [tilespmem:s1+$0xB0];
	v32 =	vmul.f32 v32, v43;
	v30 =	vmul.f32 v30, v31  }
0x187: {  	v49 =	vld [tilespmem:s1+$0x30];
	v37 =	vmul.f32 v37, v43;
	v21 =	vmul.f32 v39, v21  }
0x188: {  	v50 =	vld [tilespmem:s1+$0xFFFFFF10];
	v40 =	vmul.f32 v40, v46;
	v44 =	vmul.f32 v44, v43  }
0x189: {  	v62 =	vld [tilespmem:s1+$0xFFFFFFB0];
	v35 =	vmul.f32 v35, v43;
	v20 =	vmul.f32 v39, v20  }
0x18a: {  	v52 =	vld [tilespmem:s1+$0xFFFFFF00];
	v51 =	vmul.f32 v10, v46;
	v23 =	vmul.f32 v23, v25  }
0x18b: {  	v53 =	vld [tilespmem:s1+$0x10];
	v16 =	vmul.f32 v16, v31;
	v18 =	vmul.f32 v18, v27  }
0x18c: {  	v63 =	vld [tilespmem:s1+$0x90];
	v48 =	vmul.f32 v48, v33;
	v15 =	vmul.f32 v15, v27  }
0x18d: {  	v10 =	vld [tilespmem:s1+$0xFFFFFF90];
	v49 =	vmul.f32 v49, v38;
	v13 =	vmul.f32 v13, v25  }
0x18e: {  	v54 =	vimm.f32 $0.0e+00;
	v58 =	vld [tilespmem:s1+$0xA0];
	v25 =	vmul.f32 v42, v46;
	v19 =	vmul.f32 v39, v19  }
0x18f: {  	v46 =	vmul.f32 v9, v46;
	v9 =	vld [tilespmem:s1+$0x0];
	v17 =	vmul.f32 v17, v31;
	v20 =	vadd.f32 v20, v54  }
0x190: {  	v27 =	vld [tilespmem:s1+$0xFFFFFF80];
	v31 =	vmul.f32 v62, v45;
	v21 =	vadd.f32 v21, v54;
	v19 =	vadd.f32 v19, v54  }
0x191: {  	v59 =	vld [tilespmem:s1+$0x190];
	v50 =	vmul.f32 v50, v24;
	v8 =	vmul.f32 v8, v14;
	v13 =	vadd.f32 v13, v20  }
0x192: {  	v21 =	vadd.f32 v23, v21;
	v55 =	vmul.f32 v10, v45;
	v10 =	vmul.f32 v22, v39;
	v22 =	vld [tilespmem:s1+$0xFFFFFFA0]  }
0x193: {  	v60 =	vld [tilespmem:s1+$0x100];
	v20 =	vmul.f32 v52, v24;
	v19 =	vadd.f32 v29, v19;
	v13 =	vadd.f32 v15, v13  }
0x194: {  	v39 =	vmul.f32 v53, v38;
	v57 =	vmul.f32 v9, v38;
	v21 =	vadd.f32 v26, v21;
	v26 =	vld [tilespmem:s1+$0x2B0]  }
0x195: {  	v61 =	vld [tilespmem:s1+$0x2A0];
	v15 =	vmul.f32 v27, v45;
	v56 =	vadd.f32 v10, v54;
	v9 =	vadd.f32 v16, v13  }
0x196: {  	v19 =	vadd.f32 v34, v19;
	v10 =	vmul.f32 v63, v33;
	v21 =	vadd.f32 v28, v21;
	v28 =	vld [tilespmem:s1+$0x120]  }
0x197: {  	v23 =	vld [tilespmem:s1+$0x80];
	v16 =	vmul.f32 v22, v45;
	v22 =	vadd.f32 v41, v56;
	v29 =	vadd.f32 v32, v9  }
0x198: {  	v27 =	vld [tilespmem:s1+$0x20];
	v17 =	vadd.f32 v17, v19;
	v19 =	vmul.f32 v60, v14;
	v21 =	vadd.f32 v35, v21  }
0x199: {  	v13 =	vld [tilespmem:s1+$0x1B0];
	v9 =	vmul.f32 v26, v12;
	v18 =	vadd.f32 v18, v22;
	v26 =	vadd.f32 v51, v29  }
0x19a: {  	v22 =	vld [tilespmem:s1+$0x1A0];
	v29 =	vmul.f32 v47, v24;
	v21 =	vadd.f32 v40, v21;
	v24 =	vmul.f32 v11, v24  }
0x19b: {  	v18 =	vadd.f32 v30, v18;
	v20 =	vadd.f32 v20, v26;
	v26 =	vmul.f32 v28, v14;
	v28 =	vld [tilespmem:s1+$0x180]  }
0x19c: {  	v23 =	vmul.f32 v23, v33;
	v33 =	vmul.f32 v58, v33;
	v17 =	vadd.f32 v44, v17;
	v30 =	vld [tilespmem:s1+$0x220]  }
0x19d: {  	v27 =	vmul.f32 v27, v38;
	v21 =	vadd.f32 v24, v21;
	v24 =	vld [tilespmem:s1+$0x290];
	v18 =	vadd.f32 v37, v18  }
0x19e: {  	v11 =	vmul.f32 v59, v36;
	v17 =	vadd.f32 v46, v17;
	v15 =	vadd.f32 v15, v20;
	v20 =	vld [tilespmem:s1+$0x210]  }
0x19f: {  	v21 =	vadd.f32 v16, v21;
	v62 =	vmul.f32 v22, v36;
	v22 =	vld [tilespmem:s1+$0x320];
	v18 =	vadd.f32 v25, v18  }
0x1a0: {  	v17 =	vadd.f32 v50, v17;
	v15 =	vadd.f32 v57, v15;
	v25 =	vmul.f32 v28, v36;
	v28 =	vld [tilespmem:s1+$0x3A0]  }
0x1a1: {  	v13 =	vmul.f32 v13, v36;
	v27 =	vadd.f32 v27, v21;
	v18 =	vadd.f32 v29, v18;
	v29 =	vld [tilespmem:s1+$0x200]  }
0x1a2: {  	v63 =	vld [tilespmem:s1+$0x280];
	v16 =	vmul.f32 v30, v6;
	v23 =	vadd.f32 v23, v15;
	v15 =	vmul.f32 v61, v12  }
0x1a3: {  	v27 =	vadd.f32 v33, v27;
	v21 =	vmul.f32 v20, v6;
	v20 =	vld [tilespmem:s1+$0x390];
	v30 =	vadd.f32 v31, v18  }
0x1a4: {  	v31 =	vadd.f32 v19, v23;
	v18 =	vmul.f32 v22, v5;
	v22 =	vmul.f32 v24, v12;
	v23 =	vld [tilespmem:s1+$0x3B0]  }
0x1a5: {  	v33 =	vadd.f32 v26, v27;
	v24 =	vld [tilespmem:s1+$0x300];
	v30 =	vadd.f32 v49, v30;
	v19 =	vmul.f32 v28, v4  }
0x1a6: {  	v28 =	vadd.f32 v55, v17;
	v31 =	vadd.f32 v25, v31;
	v25 =	vld [tilespmem:s1+$0x330];
	v29 =	vmul.f32 v29, v6  }
0x1a7: {  	s10 =	sshll.u32 s28, $0x1;
	v27 =	vmul.f32 v7, v14;
	v14 =	vadd.f32 v62, v33;
	v17 =	vld [tilespmem:s1+$0x380];
	v26 =	vadd.f32 v48, v30  }
0x1a8: {  	s31 =	simm.s32 $0x40;
	s30 =	sor.u32 $0x1, s10;
	v30 =	vadd.f32 v39, v28;
	v28 =	vadd.f32 v29, v31;
	v29 =	vmul.f32 v63, v12;
	v12 =	vld [tilespmem:s1+$0x310];
	s1 =	simm.s32 $0xDDA0  }
.LBB2_9:
0x1a9: {  	s0 =	sshra.s32 s31, $0x2;
	p1 =	sne.s32 s31, $0x300;
	s31 =	sadd.s32 $0x40, s31;
	v6 =	vmul.f32 v2, v6;
	v2 =	vld [tilespmem:s1+$0x230];
	v23 =	vmul.f32 v23, v4  }
0x1aa: {  	v7 =	vld [tilespmem:s1+$0x130];
	v10 =	vadd.f32 v10, v30;
	v28 =	vadd.f32 v29, v28;
	v24 =	vmul.f32 v24, v5  }
0x1ab: {  	v29 =	vld.idx.msk [tilespmem:v3+s0+$0x0 ss:$0x1], $0xffff;
	v25 =	vmul.f32 v25, v5  }
0x1ac: {  	v26 =	vadd.f32 v27, v26;
	v30 =	vld [tilespmem:s0+$0x68D0];
	v31 =	vadd.f32 v8, v10;
	v17 =	vmul.f32 v17, v4  }
0x1ad: {  	v24 =	vadd.f32 v24, v28;
	v8 =	vld [tilespmem:s1+$0x110];
	v5 =	vmul.f32 v12, v5  }
0x1ae: {  	v13 =	vadd.f32 v13, v26;
	v10 =	vld [tilespmem:s1+$0xFFFFFE90];
	v12 =	vadd.f32 v11, v31  }
0x1af: {  	v14 =	vadd.f32 v16, v14;
	v4 =	vmul.f32 v20, v4;
	v16 =	vadd.f32 v17, v24;
	v11 =	vld [tilespmem:s1+$0xFFFFFF20]  }
0x1b0: {  	v6 =	vadd.f32 v6, v13;
	v17 =	vld [tilespmem:s1+$0xFFFFFE80];
	v12 =	vadd.f32 v21, v12  }
0x1b1: {  	v14 =	vadd.f32 v15, v14;
	v13 =	vmul.f32 $1.442695020e+00, v30;
	v20 =	vld [tilespmem:s1+$0xFFFFFC80]  }
0x1b2: {  	v6 =	vadd.f32 v9, v6;
	v21 =	vld [tilespmem:s1+$0xFFFFFD00];
	v12 =	vadd.f32 v22, v12  }
0x1b3: {  	v9 =	vld [tilespmem:s1+$0xFFFFFD80];
	(erf) = vpow2.f32 v13;
	v13 =	vadd.f32 v18, v14  }
0x1b4: {  	v6 =	vadd.f32 v25, v6;
	v18 =	vld [tilespmem:s1+$0xFFFFFD90];
	v5 =	vadd.f32 v5, v12  }
0x1b5: {  	v12 =	vld [tilespmem:s1+$0xFFFFFC90];
	v13 =	vadd.f32 v19, v13  }
0x1b6: {  	v23 =	vadd.f32 v23, v6;
	v19 =	vld [tilespmem:s1+$0xFFFFFD30];
	v22 =	vadd.f32 v4, v5  }
0x1b7: {  	v24 =	vld [tilespmem:s1+$0xFFFFFC10]  }
0x1b8: {  	v25 =	vld [tilespmem:s1+$0xFFFFFC00]  }
0x1b9: {  	v26 =	vld [tilespmem:s1+$0xFFFFFC20]  }
0x1ba: {  	vm0 =	veq.s32 v29, $0x0;
	v27 =	vld [tilespmem:s1+$0xFFFFFC30]  }
0x1bb: {  	v28 =	vld [tilespmem:s1+$0xFFFFFCA0]  }
0x1bc: {  	v14 =	vld [tilespmem:s1+$0xFFFFFCB0];
	v4 =	vpop (erf)  }
0x1bd: {  	v29 =	vsel vm0, $0x0, v4;
	v15 =	vld [tilespmem:s1+$0xFFFFFD10]  }
0x1be: {  	v30 =	vbroadcast v29, $0x1;
	v31 =	vld [tilespmem:s1+$0xFFFFFD20];
	v4 =	vbroadcast v29, $0xF  }
0x1bf: {  	v32 =	vbroadcast v29, $0x2;
	v5 =	vbroadcast v29, $0xE;
	v33 =	vld [tilespmem:s1+$0xFFFFFDA0]  }
0x1c0: {  	v6 =	vbroadcast v29, $0xC;
	v34 =	vmul.f32 v12, v30;
	v35 =	vld [tilespmem:s1+$0xFFFFFDB0]  }
0x1c1: {  	v36 =	vbroadcast v29, $0x3;
	v38 =	vbroadcast v29, $0x9;
	v37 =	vld [tilespmem:s1+$0xFFFFFE00]  }
0x1c2: {  	v39 =	vmul.f32 v15, v32;
	v40 =	vld [tilespmem:s1+$0xFFFFFE20];
	v15 =	vbroadcast v29, $0xB  }
0x1c3: {  	v42 =	vbroadcast v29, $0x8;
	v31 =	vmul.f32 v31, v32;
	v41 =	vld [tilespmem:s1+$0xFFFFFE30]  }
0x1c4: {  	v43 =	vbroadcast v29, $0x0;
	v12 =	vbroadcast v29, $0xD;
	v44 =	vld [tilespmem:s1+$0xFFFFFEA0]  }
0x1c5: {  	v45 =	vmul.f32 v14, v30;
	v14 =	vbroadcast v29, $0xA;
	v46 =	vld [tilespmem:s1+$0xFFFFFEB0]  }
0x1c6: {  	v47 =	vbroadcast v29, $0x4;
	v49 =	vbroadcast v29, $0x7;
	v48 =	vld [tilespmem:s1+$0xFFFFFE10]  }
0x1c7: {  	v50 =	vbroadcast v29, $0x5;
	v29 =	vbroadcast v29, $0x6;
	v51 =	vld [tilespmem:s1+$0xFFFFFF30]  }
0x1c8: {  	v33 =	vmul.f32 v33, v36;
	v37 =	vmul.f32 v37, v47;
	v52 =	vld [tilespmem:s1+$0xB0]  }
0x1c9: {  	v35 =	vmul.f32 v35, v36;
	v41 =	vmul.f32 v41, v47;
	v53 =	vld [tilespmem:s1+$0x30]  }
0x1ca: {  	v26 =	vmul.f32 v43, v26;
	v44 =	vmul.f32 v44, v50;
	v54 =	vld [tilespmem:s1+$0xFFFFFF10]  }
0x1cb: {  	v40 =	vmul.f32 v40, v47;
	v48 =	vmul.f32 v48, v47;
	v47 =	vld [tilespmem:s1+$0xFFFFFFB0]  }
0x1cc: {  	v25 =	vmul.f32 v43, v25;
	v55 =	vmul.f32 v17, v50;
	v56 =	vld [tilespmem:s1+$0xFFFFFF90]  }
0x1cd: {  	v9 =	vmul.f32 v9, v36;
	v13 =	vadd.f32 v26, v13;
	v26 =	vmul.f32 v28, v30;
	v28 =	vld [tilespmem:s1+$0xFFFFFF00]  }
0x1ce: {  	v19 =	vmul.f32 v19, v32;
	v16 =	vadd.f32 v25, v16;
	v17 =	vmul.f32 v52, v38;
	v25 =	vld [tilespmem:s1+$0x10]  }
0x1cf: {  	v21 =	vmul.f32 v21, v32;
	v13 =	vadd.f32 v26, v13;
	v32 =	vmul.f32 v53, v42;
	v26 =	vld [tilespmem:s1+$0xFFFFFF80]  }
0x1d0: {  	v20 =	vmul.f32 v20, v30;
	v30 =	vmul.f32 v46, v50;
	v46 =	vld [tilespmem:s1+$0x90]  }
0x1d1: {  	v50 =	vmul.f32 v10, v50;
	v52 =	vmul.f32 v56, v49;
	v53 =	vld [tilespmem:s1+$0x0]  }
0x1d2: {  	v16 =	vadd.f32 v20, v16;
	v10 =	vmul.f32 v27, v43;
	v20 =	vmul.f32 v28, v29;
	v27 =	vld [tilespmem:s1+$0xFFFFFFA0]  }
0x1d3: {  	v24 =	vmul.f32 v43, v24;
	v28 =	vmul.f32 v25, v42;
	v25 =	vld [tilespmem:s1+$0x80]  }
0x1d4: {  	v16 =	vadd.f32 v21, v16;
	v23 =	vadd.f32 v10, v23;
	v21 =	vmul.f32 v26, v49;
	v26 =	vld [tilespmem:s1+$0x20]  }
0x1d5: {  	v18 =	vmul.f32 v18, v36;
	v13 =	vadd.f32 v31, v13;
	v10 =	vmul.f32 v46, v38;
	v31 =	vld [tilespmem:s1+$0x2B0]  }
0x1d6: {  	v22 =	vadd.f32 v24, v22;
	v24 =	vmul.f32 v47, v49;
	v36 =	vmul.f32 v53, v42;
	v43 =	vld [tilespmem:s1+$0xA0]  }
0x1d7: {  	v9 =	vadd.f32 v9, v16;
	v46 =	vmul.f32 v54, v29;
	v16 =	vmul.f32 v27, v49;
	v27 =	vld [tilespmem:s1+$0x1B0]  }
0x1d8: {  	v13 =	vadd.f32 v33, v13;
	v23 =	vadd.f32 v45, v23;
	v25 =	vmul.f32 v25, v38;
	v33 =	vld [tilespmem:s1+$0x120]  }
0x1d9: {  	v22 =	vadd.f32 v34, v22;
	v34 =	vadd.f32 v37, v9;
	v26 =	vmul.f32 v26, v42;
	v37 =	vld [tilespmem:s1+$0x190]  }
0x1da: {  	v13 =	vadd.f32 v40, v13;
	v19 =	vadd.f32 v19, v23;
	v23 =	vld [tilespmem:s1+$0x1A0];
	v9 =	vmul.f32 v31, v12  }
0x1db: {  	v31 =	vadd.f32 v55, v34;
	v34 =	vmul.f32 v51, v29;
	v38 =	vmul.f32 v43, v38;
	v40 =	vld [tilespmem:s1+$0x100]  }
0x1dc: {  	v19 =	vadd.f32 v35, v19;
	v35 =	vadd.f32 v44, v13;
	v13 =	vmul.f32 v27, v15;
	v27 =	vld [tilespmem:s1+$0x220]  }
0x1dd: {  	v29 =	vmul.f32 v11, v29;
	v20 =	vadd.f32 v20, v31;
	v31 =	vmul.f32 v33, v14;
	v33 =	vld [tilespmem:s1+$0x180]  }
0x1de: {  	v22 =	vadd.f32 v39, v22;
	v19 =	vadd.f32 v41, v19;
	v11 =	vmul.f32 v37, v15;
	v37 =	vld [tilespmem:s1+$0x2A0]  }
0x1df: {  	v29 =	vadd.f32 v29, v35;
	v20 =	vadd.f32 v21, v20;
	v35 =	vmul.f32 v23, v15;
	v21 =	vld [tilespmem:s1+$0x210]  }
0x1e0: {  	v18 =	vadd.f32 v18, v22;
	v19 =	vadd.f32 v30, v19;
	v22 =	vmul.f32 v40, v14;
	v23 =	vld [tilespmem:s1+$0x320]  }
0x1e1: {  	v29 =	vadd.f32 v16, v29;
	v20 =	vadd.f32 v36, v20;
	v16 =	vmul.f32 v27, v6;
	v27 =	vld [tilespmem:s1+$0x290]  }
0x1e2: {  	v18 =	vadd.f32 v48, v18;
	v19 =	vadd.f32 v34, v19;
	v30 =	vmul.f32 v33, v15;
	v33 =	vld [tilespmem:s1+$0x3A0]  }
0x1e3: {  	v26 =	vadd.f32 v26, v29;
	v25 =	vadd.f32 v25, v20;
	v29 =	vld [tilespmem:s1+$0x200];
	v15 =	vmul.f32 v37, v12  }
0x1e4: {  	v34 =	vadd.f32 v50, v18;
	v19 =	vadd.f32 v24, v19;
	v21 =	vmul.f32 v21, v6;
	v20 =	vld [tilespmem:s1+$0x390]  }
0x1e5: {  	v24 =	vadd.f32 v38, v26;
	v25 =	vadd.f32 v22, v25;
	v36 =	vld [tilespmem:s1+$0x280];
	v18 =	vmul.f32 v23, v5  }
.Ltmp5:
0x1e6: {  	v32 =	vadd.f32 v32, v19;
	v26 =	vadd.f32 v46, v34;
	v22 =	vmul.f32 v27, v12;
	v23 =	vld [tilespmem:s1+$0x3B0];
	(pc) =	sbr.rel @p1 .LBB2_9-.Ltmp5, $4  }
0x1e7: {  	v8 =	vmul.f32 v8, v14;
	v31 =	vadd.f32 v31, v24;
	v24 =	vld [tilespmem:s1+$0x300];
	v19 =	vmul.f32 v33, v4  }
0x1e8: {  	v34 =	vadd.f32 v30, v25;
	v33 =	vadd.f32 v52, v26;
	v29 =	vmul.f32 v29, v6;
	v25 =	vld [tilespmem:s1+$0x330]  }
0x1e9: {  	v27 =	vmul.f32 v7, v14;
	v14 =	vadd.f32 v35, v31;
	v26 =	vadd.f32 v17, v32;
	v17 =	vld [tilespmem:s1+$0x380]  }
0x1ea: {  	v30 =	vadd.f32 v28, v33;
	v28 =	vadd.f32 v29, v34;
	v29 =	vmul.f32 v36, v12;
	v12 =	vld [tilespmem:s1+$0x310];
	s1 =	sadd.s32 $0x800, s1  }
0x1eb: {  	_ = 	snop  }
0x1ec: {  	v3 =	vadd.f32 v10, v30  }
0x1ed: {  	v7 =	vadd.f32 v27, v26  }
0x1ee: {  	v3 =	vadd.f32 v8, v3  }
0x1ef: {  	v2 =	vmul.f32 v2, v6;
	v53 =	vadd.f32 v13, v7  }
0x1f0: {  	v56 =	vadd.f32 v16, v14;
	v3 =	vadd.f32 v11, v3  }
0x1f1: {  	v52 =	vadd.f32 v29, v28;
	v54 =	vmul.f32 v24, v5;
	v2 =	vadd.f32 v2, v53  }
0x1f2: {  	v55 =	vmul.f32 v25, v5;
	v59 =	vadd.f32 v15, v56;
	v3 =	vadd.f32 v21, v3  }
0x1f3: {  	v58 =	vmul.f32 v17, v4;
	v7 =	vadd.f32 v54, v52;
	v2 =	vadd.f32 v9, v2  }
0x1f4: {  	v57 =	vmul.f32 v12, v5;
	v62 =	vadd.f32 v18, v59;
	v3 =	vadd.f32 v22, v3  }
0x1f5: {  	s0 =	sshll.u32 s30, $0x6;
	v63 =	vmul.f32 v23, v4;
	v61 =	vadd.f32 v58, v7;
	v2 =	vadd.f32 v55, v2  }
.Ltmp6:
0x1f6: {  	v60 =	vmul.f32 v20, v4;
	s0 =	sand.u32 $0x3FFFFFC0, s0;
	v6 =	vadd.f32 v19, v62;
	v3 =	vadd.f32 v57, v3;
	(pc) =	sbr.rel @p0 .LBB2_12-.Ltmp6, $4  }
0x1f7: {  	[tilespmem:s0+$0x139A0] =	vst v61;
	v2 =	vadd.f32 v63, v2  }
0x1f8: {  	[tilespmem:s0+$0x139C0] =	vst v6;
	v3 =	vadd.f32 v60, v3  }
0x1f9: {  	[tilespmem:s0+$0x139D0] =	vst v2  }
0x1fa: {  	[tilespmem:s0+$0x139B0] =	vst v3  }
0x1fb: {  	s0 =	sadd.s32 $0x270, s29  }
0x1fc: {  	[tilespmem:s15], [sflag:$0x3] =	stream.indirect.gather [hbm4b:s4+s9], $0x80, s0, s9, $0xb8;
	[tilespmem:$0x159A0] =	vst v63  }
0x1fd: {  	s1 =	sadd.s32 $0x2E0, s29  }
0x1fe: {  	[tilespmem:s17], [sflag:$0x3] =	stream.indirect.gather [hbm4b:s4+s11], $0x80, s1, s11, $0xb8;
	[tilespmem:$0x159A0] =	vst v63  }
.Ltmp7:
0x1ff: {  	_ = 	snop;
	(pc) =	sbr.rel .LBB2_6-.Ltmp7, $4  }
0x200: {  	_ = 	snop  }
0x201: {  	[tilespmem:s18], [sflag:$0x3] =	stream.indirect.gather [hbm4b:s3+s9], $0x1, s0, s9, $0xb8;
	[tilespmem:$0x159A0] =	vst v63  }
0x202: {  	s28 =	sadd.s32 $0x1, s28;
	s25 =	sadd.s32 $0x1A0, s25;
	s26 =	sadd.s32 $0x1A0, s26  }
0x203: {  	[tilespmem:s19], [sflag:$0x3] =	stream.indirect.gather [hbm4b:s3+s11], $0x1, s1, s11, $0xb8;
	[tilespmem:$0x159A0] =	vst v63  }
.LBB2_13:
0x204: {  	_ =	sfence.sel $0x180000  }
0x205: {  	[bflag:$0x0] =	sbarrier.arrive $0xFFFF  }
0x206: {  	_ =	strace $0x90000047  }
0x207: {  	s0 =	stileid.u32;
	[bflag:$0x2] =	sbarrier.arrive $0xFFFF  }
0x208: {  	p0 =	sne.s32 s0, $0x0;
	s0 =	rddreg [dreg:$0x2]  }
0x209: {  	s0 =	sadd.s32 @!p0 $0x100000, s0  }
0x20a: {  	[sflag:s0] =	ssyncadd.tile.s32 @!p0 $0x1;
	_ =	shalt  }
.Lfunc_end2:
_tile_overlayer_lowered:
.L_overlay_start_2:
0x20b: {  	(tag) =	ssettag $0x2  }
0x20c: {  	s0 =	rddreg [dreg:$0x0];
	s2 =	stileid.u32  }
0x20d: {  	s1 =	rddreg [dreg:$0x1];
	p0 =	sne.s32 s2, $0x0  }
0x20e: {  	s3 =	rddreg [dreg:$0x2];
	[bflag:$0x3] =	sbarrier.arrive $0xFFFF;
	s2 =	simm.s32 @!p0 $0x1C04  }
0x20f: {  	[timem:s3], [sflag:s2] =	dma.local @!p0 [hbm:s0], s1  }
0x210: {  	s0 =	simm.s32 @!p0 $0x4  }
0x211: {  	_ =	swait.ge @!p0 [sflag:s0], s1  }
0x212: {  	s1 =	ssub.s32 @!p0 $0x0, s1;
	[sflag:s0] =	ssyncset.done @!p0 $0x0  }
0x213: {  	[sflag:s0] =	ssyncadd.s32 @!p0 s1  }
0x214: {  	[bflag:$0x3] =	sbarrier.arrive $0xFFFF  }
0x215: {  	_ =	shalt  }

</sc_bundles>
